<compile_context>
chip_gen: v7x
topology: tpu7x:2x2x1
jax: 0.10.2.dev20260603
libtpu: 0.0.44.dev20260713+nightly
codegen_flags: <defaults>
</compile_context>

<pallas_src>
import jax
import jax.numpy as jnp
from jax import lax
from jax.experimental import pallas as pl
from jax.experimental.pallas import tpu as pltpu
from jax.experimental.pallas import tpu_sc as plsc

N = 10000
E = 320000
D = 128
G = 64

NCORE = 2
NSUB = 16
NTILE = NCORE * NSUB
CHUNK = 128
CPT0 = 81
CPT1 = 81
CPTM = max(CPT0, CPT1)
EPAD = NSUB * (CPT0 + CPT1) * CHUNK
NA = 10240
WROWS = NA // NSUB
RB = 1000
NRB = N // RB
H3 = 3 * D


def _sc_mesh():
    return plsc.VectorSubcoreMesh(core_axis_name="c", subcore_axis_name="s")




def _deg_body(dst_hbm, z1_hbm, out_hbm, dstv, onesv, acc):
    c = lax.axis_index("c")
    s = lax.axis_index("s")
    w = c * NSUB + s
    nchunk = jnp.where(c == 0, CPT0, CPT1)
    pltpu.sync_copy(dst_hbm.at[w], dstv)
    for i in range(CHUNK // 16):
        onesv[pl.ds(i * 16, 16)] = jnp.ones((16,), jnp.float32)
    pltpu.sync_copy(z1_hbm.at[pl.ds(s * WROWS, WROWS)],
                    acc.at[pl.ds(s * WROWS, WROWS)])
    plsc.subcore_barrier()

    def body(j, carry):
        pltpu.sync_copy(onesv, acc.at[dstv.at[j]], add=True)
        return carry

    lax.fori_loop(0, nchunk, body, 0)
    plsc.subcore_barrier()
    pltpu.sync_copy(acc.at[pl.ds(s * WROWS, WROWS)],
                    out_hbm.at[c, pl.ds(s * WROWS, WROWS)])


_deg_kernel = pl.kernel(
    _deg_body,
    out_type=jax.ShapeDtypeStruct((NCORE, NA), jnp.float32),
    mesh=_sc_mesh(),
    scratch_types=[
        pltpu.VMEM((CPTM, CHUNK), jnp.int32),
        pltpu.VMEM((CHUNK,), jnp.float32),
        pltpu.VMEM_SHARED((NA,), jnp.float32),
    ],
)




def _agg_body(ma_hbm, mb_hbm, src_hbm, dst_hbm, z2_hbm, out_hbm,
              srcv, dstv, buf, acc):
    c = lax.axis_index("c")
    s = lax.axis_index("s")
    w = c * NSUB + s
    nchunk = jnp.where(c == 0, CPT0, CPT1)
    pltpu.sync_copy(src_hbm.at[w], srcv)
    pltpu.sync_copy(dst_hbm.at[w], dstv)
    pltpu.sync_copy(z2_hbm.at[pl.ds(s * WROWS, WROWS)],
                    acc.at[pl.ds(s * WROWS, WROWS)])
    plsc.subcore_barrier()

    def run(m_hbm):
        def body(j, carry):
            pltpu.sync_copy(m_hbm.at[srcv.at[j]], buf)
            pltpu.sync_copy(buf, acc.at[dstv.at[j]], add=True)
            return carry
        lax.fori_loop(0, nchunk, body, 0)

    @pl.when(c == 0)
    def _run_a():
        run(mb_hbm)

    @pl.when(c == 1)
    def _run_b():
        run(ma_hbm)

    plsc.subcore_barrier()
    pltpu.sync_copy(acc.at[pl.ds(s * WROWS, WROWS)],
                    out_hbm.at[c, pl.ds(s * WROWS, WROWS)])


_agg_kernel = pl.kernel(
    _agg_body,
    out_type=jax.ShapeDtypeStruct((NCORE, NA, D), jnp.float32),
    mesh=_sc_mesh(),
    scratch_types=[
        pltpu.VMEM((CPTM, CHUNK), jnp.int32),
        pltpu.VMEM((CPTM, CHUNK), jnp.int32),
        pltpu.VMEM((CHUNK, D), jnp.float32),
        pltpu.VMEM_SHARED((NA, D), jnp.float32),
    ],
)




def _k0_body(dp_ref, x_ref, w_ref, ma_ref, mb_ref, dinv_ref):
    deg = dp_ref[:, 0:1] + dp_ref[:, 1:2]
    dinv = jnp.where(deg > 0, lax.rsqrt(jnp.maximum(deg, 1e-12)), 0.0)
    dinv_ref[...] = dinv
    m = jnp.dot(x_ref[...] * dinv, w_ref[...],
                preferred_element_type=jnp.float32)
    ma_ref[...] = m
    mb_ref[...] = m


def _kmid_body(acc_ref, dinv_ref, b_ref, w_ref, h_ref, ma_ref, mb_ref):
    a = acc_ref[0, :, :] + acc_ref[1, :, :]
    dinv = dinv_ref[...]
    h = jnp.maximum(a * dinv + b_ref[...], 0.0)
    h_ref[...] = h
    m = jnp.dot(h * dinv, w_ref[...],
                preferred_element_type=jnp.float32)
    ma_ref[...] = m
    mb_ref[...] = m


def _klast_body(acc_ref, dinv_ref, b_ref, h_ref):
    a = acc_ref[0, :, :] + acc_ref[1, :, :]
    h_ref[...] = jnp.maximum(a * dinv_ref[...] + b_ref[...], 0.0)


def _pool_body(lohi_ref, b2_ref, h1_ref, h2_ref, h3_ref,
               l1w_ref, l1b_ref, l2w_ref, l2b_ref,
               o_ref, s_scr, mx_scr, cnt_scr):
    j = pl.program_id(0)

    @pl.when(j == 0)
    def _init():
        s_scr[...] = jnp.zeros((G, H3), jnp.float32)
        mx_scr[...] = jnp.full((G, H3), -jnp.inf, jnp.float32)
        cnt_scr[...] = jnp.zeros((G, 1), jnp.float32)

    bb = b2_ref[...]
    h1 = h1_ref[...]
    h2 = h2_ref[...]
    h3 = h3_ref[...]
    neg = jnp.float32(-jnp.inf)

    def seg(g, carry):
        mask = bb == g
        srow = jnp.concatenate([
            jnp.sum(jnp.where(mask, h1, 0.0), axis=0, keepdims=True),
            jnp.sum(jnp.where(mask, h2, 0.0), axis=0, keepdims=True),
            jnp.sum(jnp.where(mask, h3, 0.0), axis=0, keepdims=True),
        ], axis=1)
        mrow = jnp.concatenate([
            jnp.max(jnp.where(mask, h1, neg), axis=0, keepdims=True),
            jnp.max(jnp.where(mask, h2, neg), axis=0, keepdims=True),
            jnp.max(jnp.where(mask, h3, neg), axis=0, keepdims=True),
        ], axis=1)
        crow = jnp.sum(mask.astype(jnp.float32), axis=0, keepdims=True)
        s_scr[pl.ds(g, 1), :] = s_scr[pl.ds(g, 1), :] + srow
        mx_scr[pl.ds(g, 1), :] = jnp.maximum(mx_scr[pl.ds(g, 1), :], mrow)
        cnt_scr[pl.ds(g, 1), :] = cnt_scr[pl.ds(g, 1), :] + crow
        return carry

    lax.fori_loop(lohi_ref[j, 0], lohi_ref[j, 1] + 1, seg, 0)

    @pl.when(j == NRB - 1)
    def _fin():
        s = s_scr[...]
        cnt = cnt_scr[...]
        mean = s / jnp.maximum(cnt, 1.0)
        mx = jnp.where(cnt > 0, mx_scr[...], 0.0)
        gcat = jnp.concatenate([s, mean, mx], axis=1)
        z = jnp.maximum(
            jnp.dot(gcat, l1w_ref[...], preferred_element_type=jnp.float32)
            + l1b_ref[...], 0.0)
        o = (jnp.dot(z, l2w_ref[...], preferred_element_type=jnp.float32)
             + l2b_ref[...])
        omx = jnp.max(o, axis=1, keepdims=True)
        e = jnp.exp(o - omx)
        o_ref[...] = (o - omx) - jnp.log(jnp.sum(e, axis=1, keepdims=True))


def _row_block(j):
    return (j, 0)


def _fixed(j):
    return (0, 0)


def _fixed3(j):
    return (0, j, 0)


@jax.jit
def _impl(x, edge_index, batch, W1, b1, W2, b2, W3, b3,
          lin1_w, lin1_b, lin2_w, lin2_b):
    loop = jnp.arange(N, dtype=jnp.int32)
    npad = EPAD - E - N
    src = jnp.concatenate([edge_index[0].astype(jnp.int32), loop,
                           jnp.zeros((npad,), jnp.int32)])
    dst = jnp.concatenate([edge_index[1].astype(jnp.int32), loop,
                           jnp.full((npad,), N, jnp.int32)])
    total0 = NSUB * CPT0 * CHUNK

    def _split(a, fill):
        a0 = a[:total0].reshape(NSUB, CPT0, CHUNK)
        a1 = a[total0:].reshape(NSUB, CPT1, CHUNK)

        def _padc(p, cpt):
            if cpt == CPTM:
                return p
            padp = jnp.full((NSUB, CPTM - cpt, CHUNK), fill, jnp.int32)
            return jnp.concatenate([p, padp], axis=1)

        return jnp.concatenate([_padc(a0, CPT0), _padc(a1, CPT1)], axis=0)

    src3 = _split(src, 0)
    dst3 = _split(dst, N)
    z1 = jnp.zeros((NA,), jnp.float32)
    z2 = jnp.zeros((NA, D), jnp.float32)

    degp = _deg_kernel(dst3, z1)
    degT = degp.T[:N]

    m1a, m1b, dinv = pl.pallas_call(
        _k0_body,
        grid=(NRB,),
        in_specs=[pl.BlockSpec((RB, 2), _row_block),
                  pl.BlockSpec((RB, D), _row_block),
                  pl.BlockSpec((D, D), _fixed)],
        out_specs=[pl.BlockSpec((RB, D), _row_block),
                   pl.BlockSpec((RB, D), _row_block),
                   pl.BlockSpec((RB, 1), _row_block)],
        out_shape=[jax.ShapeDtypeStruct((N, D), jnp.float32),
                   jax.ShapeDtypeStruct((N, D), jnp.float32),
                   jax.ShapeDtypeStruct((N, 1), jnp.float32)],
    )(degT, x, W1)

    mid_call = pl.pallas_call(
        _kmid_body,
        grid=(NRB,),
        in_specs=[pl.BlockSpec((NCORE, RB, D), _fixed3),
                  pl.BlockSpec((RB, 1), _row_block),
                  pl.BlockSpec((1, D), _fixed),
                  pl.BlockSpec((D, D), _fixed)],
        out_specs=[pl.BlockSpec((RB, D), _row_block),
                   pl.BlockSpec((RB, D), _row_block),
                   pl.BlockSpec((RB, D), _row_block)],
        out_shape=[jax.ShapeDtypeStruct((N, D), jnp.float32),
                   jax.ShapeDtypeStruct((N, D), jnp.float32),
                   jax.ShapeDtypeStruct((N, D), jnp.float32)],
    )

    acc1 = _agg_kernel(m1a, m1b, src3, dst3, z2)
    h1, m2a, m2b = mid_call(acc1, dinv, b1.reshape(1, D), W2)

    acc2 = _agg_kernel(m2a, m2b, src3, dst3, z2)
    h2, m3a, m3b = mid_call(acc2, dinv, b2.reshape(1, D), W3)

    acc3 = _agg_kernel(m3a, m3b, src3, dst3, z2)
    h3 = pl.pallas_call(
        _klast_body,
        grid=(NRB,),
        in_specs=[pl.BlockSpec((NCORE, RB, D), _fixed3),
                  pl.BlockSpec((RB, 1), _row_block),
                  pl.BlockSpec((1, D), _fixed)],
        out_specs=pl.BlockSpec((RB, D), _row_block),
        out_shape=jax.ShapeDtypeStruct((N, D), jnp.float32),
    )(acc3, dinv, b3.reshape(1, D))

    bi = batch.astype(jnp.int32)
    batch2 = bi.reshape(N, 1)
    br = bi.reshape(NRB, RB)
    lohi = jnp.stack([br[:, 0], br[:, -1]], axis=1)

    out = pl.pallas_call(
        _pool_body,
        grid=(NRB,),
        in_specs=[pl.BlockSpec(memory_space=pltpu.SMEM),
                  pl.BlockSpec((RB, 1), _row_block),
                  pl.BlockSpec((RB, D), _row_block),
                  pl.BlockSpec((RB, D), _row_block),
                  pl.BlockSpec((RB, D), _row_block),
                  pl.BlockSpec((3 * H3, D), _fixed),
                  pl.BlockSpec((1, D), _fixed),
                  pl.BlockSpec((D, 2), _fixed),
                  pl.BlockSpec((1, 2), _fixed)],
        out_specs=pl.BlockSpec((G, 2), _fixed),
        out_shape=jax.ShapeDtypeStruct((G, 2), jnp.float32),
        scratch_shapes=[pltpu.VMEM((G, H3), jnp.float32),
                        pltpu.VMEM((G, H3), jnp.float32),
                        pltpu.VMEM((G, 1), jnp.float32)],
    )(lohi, batch2, h1, h2, h3,
      lin1_w, lin1_b.reshape(1, D), lin2_w, lin2_b.reshape(1, 2))
    return out


def kernel(x, edge_index, batch, W1, b1, W2, b2, W3, b3,
           lin1_w, lin1_b, lin2_w, lin2_b):
    return _impl(x, edge_index, batch, W1, b1, W2, b2, W3, b3,
                 lin1_w, lin1_b, lin2_w, lin2_b)

# --- scband reference (transcript-rebuilt; emitter-appended) ---
"""Pipeline reference for scband-gcnwith-jk-49718541418974 (READ-ONLY COPY).

The authoritative reference and input builder live on the scoring server;
editing this copy changes nothing except your own understanding.
"""

import jax, jax.numpy as jnp
import numpy as np

N = 10000
E = 320000
D = 128
H = 128
G = 64


def setup_inputs(seed: int = 0):
    key = jax.random.key(seed)
    ks = jax.random.split(key, 16)
    inp = {}
    inp["x"] = jax.random.normal(ks[0], (N, D), dtype=jnp.float32)
    inp["edge_index"] = jax.random.randint(ks[1], (2, E), 0, N)
    inp["batch"] = jnp.sort(jax.random.randint(ks[2], (N,), 0, G))
    inp["W1"] = jax.random.normal(ks[3], (D, H), dtype=jnp.float32) * 0.05
    inp["b1"] = jnp.zeros((H,), dtype=jnp.float32)
    inp["W2"] = jax.random.normal(ks[4], (H, H), dtype=jnp.float32) * 0.05
    inp["b2"] = jnp.zeros((H,), dtype=jnp.float32)
    inp["W3"] = jax.random.normal(ks[5], (H, H), dtype=jnp.float32) * 0.05
    inp["b3"] = jnp.zeros((H,), dtype=jnp.float32)
    inp["lin1_w"] = jax.random.normal(ks[6], (3 * 3 * H, H), dtype=jnp.float32) * 0.03
    inp["lin1_b"] = jnp.zeros((H,), dtype=jnp.float32)
    inp["lin2_w"] = jax.random.normal(ks[7], (H, 2), dtype=jnp.float32) * 0.05
    inp["lin2_b"] = jnp.zeros((2,), dtype=jnp.float32)
    return inp


def _gcn_conv(x, src, dst, W, b):
    # PyG GCNConv: x @ W, symmetric normalization with self-loops, scatter-add, + bias
    xw = x @ W
    ones = jnp.ones(src.shape[0], dtype=x.dtype)
    deg = jax.ops.segment_sum(ones, dst, num_segments=N)
    dinv = jnp.where(deg > 0, 1.0 / jnp.sqrt(jnp.maximum(deg, 1e-12)), 0.0)
    norm = dinv[src] * dinv[dst]
    msg = xw[src] * norm[:, None]
    out = jax.ops.segment_sum(msg, dst, num_segments=N)
    return out + b


def reference(x, edge_index, batch, W1, b1, W2, b2, W3, b3, lin1_w, lin1_b, lin2_w, lin2_b):
    loop = jnp.arange(N, dtype=edge_index.dtype)
    src = jnp.concatenate([edge_index[0], loop])
    dst = jnp.concatenate([edge_index[1], loop])
    h = jax.nn.relu(_gcn_conv(x, src, dst, W1, b1))
    xs = [h]
    h = jax.nn.relu(_gcn_conv(h, src, dst, W2, b2))
    xs.append(h)
    h = jax.nn.relu(_gcn_conv(h, src, dst, W3, b3))
    xs.append(h)
    # JumpingKnowledge mode='cat'
    hcat = jnp.concatenate(xs, axis=1)
    # global add / mean / max pool over batch ids
    s = jax.ops.segment_sum(hcat, batch, num_segments=G)
    cnt = jax.ops.segment_sum(jnp.ones((N,), hcat.dtype), batch, num_segments=G)
    m = s / jnp.maximum(cnt, 1.0)[:, None]
    mx = jax.ops.segment_max(hcat, batch, num_segments=G)
    mx = jnp.where(jnp.isfinite(mx), mx, 0.0)
    g = jnp.concatenate([s, m, mx], axis=1)
    g = jax.nn.relu(g @ lin1_w + lin1_b)
    # dropout p=0.5 is identity in eval mode
    g = g @ lin2_w + lin2_b
    return jax.nn.log_softmax(g, axis=-1)

if __name__ == "__main__":
    import jax
    _d = setup_inputs()
    print(jax.jit(kernel)(*tuple(_d.values())))

</pallas_src>

<mosaic_0001>
#map = affine_map<(d0, d1) -> (0, 0)>
#map1 = affine_map<(d0, d1) -> (0, 0, 0)>
module attributes {stable_mosaic.version = 14 : i64} {
  func.func @_agg_body(%arg0: i32, %arg1: i32, %arg2: memref<10000x128xf32, #tpu.memory_space<hbm>>, %arg3: memref<10000x128xf32, #tpu.memory_space<hbm>>, %arg4: memref<32x81x128xi32, #tpu.memory_space<hbm>>, %arg5: memref<32x81x128xi32, #tpu.memory_space<hbm>>, %arg6: memref<10240x128xf32, #tpu.memory_space<hbm>>, %arg7: memref<2x10240x128xf32, #tpu.memory_space<hbm>>, %arg8: memref<81x128xi32, #tpu.memory_space<vmem>>, %arg9: memref<81x128xi32, #tpu.memory_space<vmem>>, %arg10: memref<128x128xf32, #tpu.memory_space<vmem>>, %arg11: memref<10240x128xf32, #tpu.memory_space<vmem_shared>>) attributes {dimension_semantics = [#tpu.dimension_semantics<core_parallel>, #tpu.dimension_semantics<subcore_parallel>], iteration_bounds = array<i64: 2, 16>, scalar_prefetch = 0 : i64, scratch_operands = 4 : i64, tpu.core_type = #tpu.core_type<sc_vector_subcore>, window_params = [{transform_indices = #map}, {transform_indices = #map}, {transform_indices = #map1}, {transform_indices = #map1}, {transform_indices = #map}, {transform_indices = #map1}]} {
    %mul3A = arith.constant 16 : i32
    %mul3A_0 = arith.muli %arg0, %mul3A : i32
    %add3A = arith.addi %mul3A_0, %arg1 : i32
    %eq3A = arith.constant 0 : i32
    %eq3A_1 = arith.cmpi eq, %arg0, %eq3A : i32
    %jit3A = arith.constant 81 : i32
    %jit3A_2 = arith.constant 81 : i32
    %select_n3A = arith.select %eq3A_1, %jit3A, %jit3A_2 : i32
    "tpu.region"() ({
      %run_scoped3A = tpu.sem_alloc : memref<!tpu.dma_semaphore, #tpu.memory_space<semaphore_mem>>
      %dma_start3A = arith.constant 0 : i32
      %dma_start3A_20 = arith.constant 0 : i32
      %dma_start3A_21 = tpu.memref_slice %arg4[%add3A, %dma_start3A, %dma_start3A_20] : memref<32x81x128xi32, #tpu.memory_space<hbm>> -> memref<1x81x128xi32, #tpu.memory_space<hbm>>
      %dma_start3A_22 = tpu.memref_squeeze %dma_start3A_21 : memref<1x81x128xi32, #tpu.memory_space<hbm>> -> memref<81x128xi32, #tpu.memory_space<hbm>>
      %dma_start3A_23 = arith.constant 0 : i32
      %dma_start3A_24 = arith.constant 0 : i32
      %dma_start3A_25 = tpu.memref_slice %arg4[%add3A, %dma_start3A_23, %dma_start3A_24] : memref<32x81x128xi32, #tpu.memory_space<hbm>> -> memref<1x81x128xi32, #tpu.memory_space<hbm>>
      %dma_start3A_26 = tpu.memref_squeeze %dma_start3A_25 : memref<1x81x128xi32, #tpu.memory_space<hbm>> -> memref<81x128xi32, #tpu.memory_space<hbm>>
      tpu.enqueue_dma source(%dma_start3A_26 : memref<81x128xi32, #tpu.memory_space<hbm>>) target(%arg8 : memref<81x128xi32, #tpu.memory_space<vmem>>) target_semaphore(%run_scoped3A : memref<!tpu.dma_semaphore, #tpu.memory_space<semaphore_mem>>)
      %dma_wait3A = arith.constant 0 : i32
      %dma_wait3A_27 = arith.constant 0 : i32
      %dma_wait3A_28 = tpu.memref_slice %arg4[%add3A, %dma_wait3A, %dma_wait3A_27] : memref<32x81x128xi32, #tpu.memory_space<hbm>> -> memref<1x81x128xi32, #tpu.memory_space<hbm>>
      %dma_wait3A_29 = tpu.memref_squeeze %dma_wait3A_28 : memref<1x81x128xi32, #tpu.memory_space<hbm>> -> memref<81x128xi32, #tpu.memory_space<hbm>>
      %dma_wait3A_30 = arith.constant 0 : i32
      %dma_wait3A_31 = arith.constant 0 : i32
      %dma_wait3A_32 = tpu.memref_slice %arg4[%add3A, %dma_wait3A_30, %dma_wait3A_31] : memref<32x81x128xi32, #tpu.memory_space<hbm>> -> memref<1x81x128xi32, #tpu.memory_space<hbm>>
      %dma_wait3A_33 = tpu.memref_squeeze %dma_wait3A_32 : memref<1x81x128xi32, #tpu.memory_space<hbm>> -> memref<81x128xi32, #tpu.memory_space<hbm>>
      tpu.wait_dma2 semaphore(%run_scoped3A : memref<!tpu.dma_semaphore, #tpu.memory_space<semaphore_mem>>) src(%dma_wait3A_33 : memref<81x128xi32, #tpu.memory_space<hbm>>) dst(%arg8 : memref<81x128xi32, #tpu.memory_space<vmem>>)
      tpu.yield
    }) : () -> ()
    "tpu.region"() ({
      %run_scoped3A = tpu.sem_alloc : memref<!tpu.dma_semaphore, #tpu.memory_space<semaphore_mem>>
      %dma_start3A = arith.constant 0 : i32
      %dma_start3A_20 = arith.constant 0 : i32
      %dma_start3A_21 = tpu.memref_slice %arg5[%add3A, %dma_start3A, %dma_start3A_20] : memref<32x81x128xi32, #tpu.memory_space<hbm>> -> memref<1x81x128xi32, #tpu.memory_space<hbm>>
      %dma_start3A_22 = tpu.memref_squeeze %dma_start3A_21 : memref<1x81x128xi32, #tpu.memory_space<hbm>> -> memref<81x128xi32, #tpu.memory_space<hbm>>
      %dma_start3A_23 = arith.constant 0 : i32
      %dma_start3A_24 = arith.constant 0 : i32
      %dma_start3A_25 = tpu.memref_slice %arg5[%add3A, %dma_start3A_23, %dma_start3A_24] : memref<32x81x128xi32, #tpu.memory_space<hbm>> -> memref<1x81x128xi32, #tpu.memory_space<hbm>>
      %dma_start3A_26 = tpu.memref_squeeze %dma_start3A_25 : memref<1x81x128xi32, #tpu.memory_space<hbm>> -> memref<81x128xi32, #tpu.memory_space<hbm>>
      tpu.enqueue_dma source(%dma_start3A_26 : memref<81x128xi32, #tpu.memory_space<hbm>>) target(%arg9 : memref<81x128xi32, #tpu.memory_space<vmem>>) target_semaphore(%run_scoped3A : memref<!tpu.dma_semaphore, #tpu.memory_space<semaphore_mem>>)
      %dma_wait3A = arith.constant 0 : i32
      %dma_wait3A_27 = arith.constant 0 : i32
      %dma_wait3A_28 = tpu.memref_slice %arg5[%add3A, %dma_wait3A, %dma_wait3A_27] : memref<32x81x128xi32, #tpu.memory_space<hbm>> -> memref<1x81x128xi32, #tpu.memory_space<hbm>>
      %dma_wait3A_29 = tpu.memref_squeeze %dma_wait3A_28 : memref<1x81x128xi32, #tpu.memory_space<hbm>> -> memref<81x128xi32, #tpu.memory_space<hbm>>
      %dma_wait3A_30 = arith.constant 0 : i32
      %dma_wait3A_31 = arith.constant 0 : i32
      %dma_wait3A_32 = tpu.memref_slice %arg5[%add3A, %dma_wait3A_30, %dma_wait3A_31] : memref<32x81x128xi32, #tpu.memory_space<hbm>> -> memref<1x81x128xi32, #tpu.memory_space<hbm>>
      %dma_wait3A_33 = tpu.memref_squeeze %dma_wait3A_32 : memref<1x81x128xi32, #tpu.memory_space<hbm>> -> memref<81x128xi32, #tpu.memory_space<hbm>>
      tpu.wait_dma2 semaphore(%run_scoped3A : memref<!tpu.dma_semaphore, #tpu.memory_space<semaphore_mem>>) src(%dma_wait3A_33 : memref<81x128xi32, #tpu.memory_space<hbm>>) dst(%arg9 : memref<81x128xi32, #tpu.memory_space<vmem>>)
      tpu.yield
    }) : () -> ()
    %mul3A_3 = arith.constant 640 : i32
    %mul3A_4 = arith.muli %arg1, %mul3A_3 : i32
    %mul3A_5 = arith.constant 640 : i32
    %mul3A_6 = arith.muli %arg1, %mul3A_5 : i32
    "tpu.region"() ({
      %run_scoped3A = tpu.sem_alloc : memref<!tpu.dma_semaphore, #tpu.memory_space<semaphore_mem>>
      %dma_start3A = arith.constant 0 : i32
      %dma_start3A_20 = tpu.memref_slice %arg11[%mul3A_6, %dma_start3A] : memref<10240x128xf32, #tpu.memory_space<vmem_shared>> -> memref<640x128xf32, #tpu.memory_space<vmem_shared>>
      %dma_start3A_21 = arith.constant 0 : i32
      %dma_start3A_22 = tpu.memref_slice %arg6[%mul3A_4, %dma_start3A_21] : memref<10240x128xf32, #tpu.memory_space<hbm>> -> memref<640x128xf32, #tpu.memory_space<hbm>>
      tpu.enqueue_dma source(%dma_start3A_22 : memref<640x128xf32, #tpu.memory_space<hbm>>) target(%dma_start3A_20 : memref<640x128xf32, #tpu.memory_space<vmem_shared>>) target_semaphore(%run_scoped3A : memref<!tpu.dma_semaphore, #tpu.memory_space<semaphore_mem>>)
      %dma_wait3A = arith.constant 0 : i32
      %dma_wait3A_23 = tpu.memref_slice %arg11[%mul3A_6, %dma_wait3A] : memref<10240x128xf32, #tpu.memory_space<vmem_shared>> -> memref<640x128xf32, #tpu.memory_space<vmem_shared>>
      %dma_wait3A_24 = arith.constant 0 : i32
      %dma_wait3A_25 = tpu.memref_slice %arg6[%mul3A_4, %dma_wait3A_24] : memref<10240x128xf32, #tpu.memory_space<hbm>> -> memref<640x128xf32, #tpu.memory_space<hbm>>
      tpu.wait_dma2 semaphore(%run_scoped3A : memref<!tpu.dma_semaphore, #tpu.memory_space<semaphore_mem>>) src(%dma_wait3A_25 : memref<640x128xf32, #tpu.memory_space<hbm>>) dst(%dma_wait3A_23 : memref<640x128xf32, #tpu.memory_space<vmem_shared>>)
      tpu.yield
    }) : () -> ()
    %barrier3A = arith.constant 0 : index
    tpu.barrier barrier_id(%barrier3A)
    %eq3A_7 = arith.constant 0 : i32
    %eq3A_8 = arith.cmpi eq, %arg0, %eq3A_7 : i32
    %convert_element_type3A = arith.extui %eq3A_8 : i1 to i32
    %cond3A = arith.constant 0 : i32
    %cond3A_9 = arith.cmpi ne, %convert_element_type3A, %cond3A : i32
    scf.if %cond3A_9 {
      %while3A = arith.constant 0 : i32
      %while3A_20 = arith.constant 0 : i32
      %while3A_21 = arith.subi %select_n3A, %while3A_20 : i32
      %while3A_22 = arith.addi %while3A_20, %while3A_21 : i32
      %while3A_23 = arith.constant 1 : i32
      %while3A_24 = arith.divsi %while3A_21, %while3A_23 : i32
      %while3A_25 = arith.muli %while3A_24, %while3A_23 : i32
      %while3A_26 = arith.addi %while3A_20, %while3A_25 : i32
      %while3A_27 = arith.constant 1 : i32
      scf.for %while3A_29 = %while3A_20 to %while3A_26 step %while3A_27  : i32 {
        "tpu.region"() ({
          %run_scoped3A = tpu.sem_alloc : memref<!tpu.dma_semaphore, #tpu.memory_space<semaphore_mem>>
          %dma_start3A = arith.constant 0 : i32
          %dma_start3A_30 = tpu.memref_slice %arg8[%while3A_29, %dma_start3A] : memref<81x128xi32, #tpu.memory_space<vmem>> -> memref<1x128xi32, #tpu.memory_space<vmem>>
          %dma_start3A_31 = tpu.memref_squeeze %dma_start3A_30 : memref<1x128xi32, #tpu.memory_space<vmem>> -> memref<128xi32, #tpu.memory_space<vmem>>
          %dma_start3A_32 = arith.constant 0 : i32
          %dma_start3A_33 = arith.constant 0 : i32
          %dma_start3A_34 = tpu.memref_slice %arg3[%dma_start3A_32, %dma_start3A_33] : memref<10000x128xf32, #tpu.memory_space<hbm>> -> memref<10000x128xf32, #tpu.memory_space<hbm>>
          tpu.enqueue_indirect_dma source(%dma_start3A_34 : memref<10000x128xf32, #tpu.memory_space<hbm>>) target(%arg10 : memref<128x128xf32, #tpu.memory_space<vmem>>) offsets(%dma_start3A_31 : memref<128xi32, #tpu.memory_space<vmem>>) semaphore(%run_scoped3A : memref<!tpu.dma_semaphore, #tpu.memory_space<semaphore_mem>>)
          %dma_wait3A = arith.constant 0 : i32
          %dma_wait3A_35 = tpu.memref_slice %arg8[%while3A_29, %dma_wait3A] : memref<81x128xi32, #tpu.memory_space<vmem>> -> memref<1x128xi32, #tpu.memory_space<vmem>>
          %dma_wait3A_36 = tpu.memref_squeeze %dma_wait3A_35 : memref<1x128xi32, #tpu.memory_space<vmem>> -> memref<128xi32, #tpu.memory_space<vmem>>
          %dma_wait3A_37 = arith.constant 0 : i32
          %dma_wait3A_38 = arith.constant 0 : i32
          %dma_wait3A_39 = tpu.memref_slice %arg3[%dma_wait3A_37, %dma_wait3A_38] : memref<10000x128xf32, #tpu.memory_space<hbm>> -> memref<10000x128xf32, #tpu.memory_space<hbm>>
          tpu.wait_indirect_dma semaphore(%run_scoped3A : memref<!tpu.dma_semaphore, #tpu.memory_space<semaphore_mem>>) src(%dma_wait3A_39 : memref<10000x128xf32, #tpu.memory_space<hbm>>) dst(%arg10 : memref<128x128xf32, #tpu.memory_space<vmem>>)
          tpu.yield
        }) : () -> ()
        "tpu.region"() ({
          %run_scoped3A = tpu.sem_alloc : memref<!tpu.dma_semaphore, #tpu.memory_space<semaphore_mem>>
          %dma_start3A = arith.constant 0 : i32
          %dma_start3A_30 = tpu.memref_slice %arg9[%while3A_29, %dma_start3A] : memref<81x128xi32, #tpu.memory_space<vmem>> -> memref<1x128xi32, #tpu.memory_space<vmem>>
          %dma_start3A_31 = tpu.memref_squeeze %dma_start3A_30 : memref<1x128xi32, #tpu.memory_space<vmem>> -> memref<128xi32, #tpu.memory_space<vmem>>
          %dma_start3A_32 = arith.constant 0 : i32
          %dma_start3A_33 = arith.constant 0 : i32
          %dma_start3A_34 = tpu.memref_slice %arg11[%dma_start3A_32, %dma_start3A_33] : memref<10240x128xf32, #tpu.memory_space<vmem_shared>> -> memref<10240x128xf32, #tpu.memory_space<vmem_shared>>
          tpu.enqueue_indirect_dma source(%arg10 : memref<128x128xf32, #tpu.memory_space<vmem>>) target(%dma_start3A_34 : memref<10240x128xf32, #tpu.memory_space<vmem_shared>>) offsets(%dma_start3A_31 : memref<128xi32, #tpu.memory_space<vmem>>) semaphore(%run_scoped3A : memref<!tpu.dma_semaphore, #tpu.memory_space<semaphore_mem>>) {add = true}
          %dma_wait3A = arith.constant 0 : i32
          %dma_wait3A_35 = tpu.memref_slice %arg9[%while3A_29, %dma_wait3A] : memref<81x128xi32, #tpu.memory_space<vmem>> -> memref<1x128xi32, #tpu.memory_space<vmem>>
          %dma_wait3A_36 = tpu.memref_squeeze %dma_wait3A_35 : memref<1x128xi32, #tpu.memory_space<vmem>> -> memref<128xi32, #tpu.memory_space<vmem>>
          %dma_wait3A_37 = arith.constant 0 : i32
          %dma_wait3A_38 = arith.constant 0 : i32
          %dma_wait3A_39 = tpu.memref_slice %arg11[%dma_wait3A_37, %dma_wait3A_38] : memref<10240x128xf32, #tpu.memory_space<vmem_shared>> -> memref<10240x128xf32, #tpu.memory_space<vmem_shared>>
          tpu.wait_indirect_dma semaphore(%run_scoped3A : memref<!tpu.dma_semaphore, #tpu.memory_space<semaphore_mem>>) src(%arg10 : memref<128x128xf32, #tpu.memory_space<vmem>>) dst(%dma_wait3A_39 : memref<10240x128xf32, #tpu.memory_space<vmem_shared>>)
          tpu.yield
        }) : () -> ()
      }
      %while3A_28 = arith.constant 1 : i32
      scf.for %while3A_29 = %while3A_26 to %while3A_22 step %while3A_28  : i32 {
        "tpu.region"() ({
          %run_scoped3A = tpu.sem_alloc : memref<!tpu.dma_semaphore, #tpu.memory_space<semaphore_mem>>
          %dma_start3A = arith.constant 0 : i32
          %dma_start3A_30 = tpu.memref_slice %arg8[%while3A_29, %dma_start3A] : memref<81x128xi32, #tpu.memory_space<vmem>> -> memref<1x128xi32, #tpu.memory_space<vmem>>
          %dma_start3A_31 = tpu.memref_squeeze %dma_start3A_30 : memref<1x128xi32, #tpu.memory_space<vmem>> -> memref<128xi32, #tpu.memory_space<vmem>>
          %dma_start3A_32 = arith.constant 0 : i32
          %dma_start3A_33 = arith.constant 0 : i32
          %dma_start3A_34 = tpu.memref_slice %arg3[%dma_start3A_32, %dma_start3A_33] : memref<10000x128xf32, #tpu.memory_space<hbm>> -> memref<10000x128xf32, #tpu.memory_space<hbm>>
          tpu.enqueue_indirect_dma source(%dma_start3A_34 : memref<10000x128xf32, #tpu.memory_space<hbm>>) target(%arg10 : memref<128x128xf32, #tpu.memory_space<vmem>>) offsets(%dma_start3A_31 : memref<128xi32, #tpu.memory_space<vmem>>) semaphore(%run_scoped3A : memref<!tpu.dma_semaphore, #tpu.memory_space<semaphore_mem>>)
          %dma_wait3A = arith.constant 0 : i32
          %dma_wait3A_35 = tpu.memref_slice %arg8[%while3A_29, %dma_wait3A] : memref<81x128xi32, #tpu.memory_space<vmem>> -> memref<1x128xi32, #tpu.memory_space<vmem>>
          %dma_wait3A_36 = tpu.memref_squeeze %dma_wait3A_35 : memref<1x128xi32, #tpu.memory_space<vmem>> -> memref<128xi32, #tpu.memory_space<vmem>>
          %dma_wait3A_37 = arith.constant 0 : i32
          %dma_wait3A_38 = arith.constant 0 : i32
          %dma_wait3A_39 = tpu.memref_slice %arg3[%dma_wait3A_37, %dma_wait3A_38] : memref<10000x128xf32, #tpu.memory_space<hbm>> -> memref<10000x128xf32, #tpu.memory_space<hbm>>
          tpu.wait_indirect_dma semaphore(%run_scoped3A : memref<!tpu.dma_semaphore, #tpu.memory_space<semaphore_mem>>) src(%dma_wait3A_39 : memref<10000x128xf32, #tpu.memory_space<hbm>>) dst(%arg10 : memref<128x128xf32, #tpu.memory_space<vmem>>)
          tpu.yield
        }) : () -> ()
        "tpu.region"() ({
          %run_scoped3A = tpu.sem_alloc : memref<!tpu.dma_semaphore, #tpu.memory_space<semaphore_mem>>
          %dma_start3A = arith.constant 0 : i32
          %dma_start3A_30 = tpu.memref_slice %arg9[%while3A_29, %dma_start3A] : memref<81x128xi32, #tpu.memory_space<vmem>> -> memref<1x128xi32, #tpu.memory_space<vmem>>
          %dma_start3A_31 = tpu.memref_squeeze %dma_start3A_30 : memref<1x128xi32, #tpu.memory_space<vmem>> -> memref<128xi32, #tpu.memory_space<vmem>>
          %dma_start3A_32 = arith.constant 0 : i32
          %dma_start3A_33 = arith.constant 0 : i32
          %dma_start3A_34 = tpu.memref_slice %arg11[%dma_start3A_32, %dma_start3A_33] : memref<10240x128xf32, #tpu.memory_space<vmem_shared>> -> memref<10240x128xf32, #tpu.memory_space<vmem_shared>>
          tpu.enqueue_indirect_dma source(%arg10 : memref<128x128xf32, #tpu.memory_space<vmem>>) target(%dma_start3A_34 : memref<10240x128xf32, #tpu.memory_space<vmem_shared>>) offsets(%dma_start3A_31 : memref<128xi32, #tpu.memory_space<vmem>>) semaphore(%run_scoped3A : memref<!tpu.dma_semaphore, #tpu.memory_space<semaphore_mem>>) {add = true}
          %dma_wait3A = arith.constant 0 : i32
          %dma_wait3A_35 = tpu.memref_slice %arg9[%while3A_29, %dma_wait3A] : memref<81x128xi32, #tpu.memory_space<vmem>> -> memref<1x128xi32, #tpu.memory_space<vmem>>
          %dma_wait3A_36 = tpu.memref_squeeze %dma_wait3A_35 : memref<1x128xi32, #tpu.memory_space<vmem>> -> memref<128xi32, #tpu.memory_space<vmem>>
          %dma_wait3A_37 = arith.constant 0 : i32
          %dma_wait3A_38 = arith.constant 0 : i32
          %dma_wait3A_39 = tpu.memref_slice %arg11[%dma_wait3A_37, %dma_wait3A_38] : memref<10240x128xf32, #tpu.memory_space<vmem_shared>> -> memref<10240x128xf32, #tpu.memory_space<vmem_shared>>
          tpu.wait_indirect_dma semaphore(%run_scoped3A : memref<!tpu.dma_semaphore, #tpu.memory_space<semaphore_mem>>) src(%arg10 : memref<128x128xf32, #tpu.memory_space<vmem>>) dst(%dma_wait3A_39 : memref<10240x128xf32, #tpu.memory_space<vmem_shared>>)
          tpu.yield
        }) : () -> ()
      }
    } else {
    }
    %eq3A_10 = arith.constant 1 : i32
    %eq3A_11 = arith.cmpi eq, %arg0, %eq3A_10 : i32
    %convert_element_type3A_12 = arith.extui %eq3A_11 : i1 to i32
    %cond3A_13 = arith.constant 0 : i32
    %cond3A_14 = arith.cmpi ne, %convert_element_type3A_12, %cond3A_13 : i32
    scf.if %cond3A_14 {
      %while3A = arith.constant 0 : i32
      %while3A_20 = arith.constant 0 : i32
      %while3A_21 = arith.subi %select_n3A, %while3A_20 : i32
      %while3A_22 = arith.addi %while3A_20, %while3A_21 : i32
      %while3A_23 = arith.constant 1 : i32
      %while3A_24 = arith.divsi %while3A_21, %while3A_23 : i32
      %while3A_25 = arith.muli %while3A_24, %while3A_23 : i32
      %while3A_26 = arith.addi %while3A_20, %while3A_25 : i32
      %while3A_27 = arith.constant 1 : i32
      scf.for %while3A_29 = %while3A_20 to %while3A_26 step %while3A_27  : i32 {
        "tpu.region"() ({
          %run_scoped3A = tpu.sem_alloc : memref<!tpu.dma_semaphore, #tpu.memory_space<semaphore_mem>>
          %dma_start3A = arith.constant 0 : i32
          %dma_start3A_30 = tpu.memref_slice %arg8[%while3A_29, %dma_start3A] : memref<81x128xi32, #tpu.memory_space<vmem>> -> memref<1x128xi32, #tpu.memory_space<vmem>>
          %dma_start3A_31 = tpu.memref_squeeze %dma_start3A_30 : memref<1x128xi32, #tpu.memory_space<vmem>> -> memref<128xi32, #tpu.memory_space<vmem>>
          %dma_start3A_32 = arith.constant 0 : i32
          %dma_start3A_33 = arith.constant 0 : i32
          %dma_start3A_34 = tpu.memref_slice %arg2[%dma_start3A_32, %dma_start3A_33] : memref<10000x128xf32, #tpu.memory_space<hbm>> -> memref<10000x128xf32, #tpu.memory_space<hbm>>
          tpu.enqueue_indirect_dma source(%dma_start3A_34 : memref<10000x128xf32, #tpu.memory_space<hbm>>) target(%arg10 : memref<128x128xf32, #tpu.memory_space<vmem>>) offsets(%dma_start3A_31 : memref<128xi32, #tpu.memory_space<vmem>>) semaphore(%run_scoped3A : memref<!tpu.dma_semaphore, #tpu.memory_space<semaphore_mem>>)
          %dma_wait3A = arith.constant 0 : i32
          %dma_wait3A_35 = tpu.memref_slice %arg8[%while3A_29, %dma_wait3A] : memref<81x128xi32, #tpu.memory_space<vmem>> -> memref<1x128xi32, #tpu.memory_space<vmem>>
          %dma_wait3A_36 = tpu.memref_squeeze %dma_wait3A_35 : memref<1x128xi32, #tpu.memory_space<vmem>> -> memref<128xi32, #tpu.memory_space<vmem>>
          %dma_wait3A_37 = arith.constant 0 : i32
          %dma_wait3A_38 = arith.constant 0 : i32
          %dma_wait3A_39 = tpu.memref_slice %arg2[%dma_wait3A_37, %dma_wait3A_38] : memref<10000x128xf32, #tpu.memory_space<hbm>> -> memref<10000x128xf32, #tpu.memory_space<hbm>>
          tpu.wait_indirect_dma semaphore(%run_scoped3A : memref<!tpu.dma_semaphore, #tpu.memory_space<semaphore_mem>>) src(%dma_wait3A_39 : memref<10000x128xf32, #tpu.memory_space<hbm>>) dst(%arg10 : memref<128x128xf32, #tpu.memory_space<vmem>>)
          tpu.yield
        }) : () -> ()
        "tpu.region"() ({
          %run_scoped3A = tpu.sem_alloc : memref<!tpu.dma_semaphore, #tpu.memory_space<semaphore_mem>>
          %dma_start3A = arith.constant 0 : i32
          %dma_start3A_30 = tpu.memref_slice %arg9[%while3A_29, %dma_start3A] : memref<81x128xi32, #tpu.memory_space<vmem>> -> memref<1x128xi32, #tpu.memory_space<vmem>>
          %dma_start3A_31 = tpu.memref_squeeze %dma_start3A_30 : memref<1x128xi32, #tpu.memory_space<vmem>> -> memref<128xi32, #tpu.memory_space<vmem>>
          %dma_start3A_32 = arith.constant 0 : i32
          %dma_start3A_33 = arith.constant 0 : i32
          %dma_start3A_34 = tpu.memref_slice %arg11[%dma_start3A_32, %dma_start3A_33] : memref<10240x128xf32, #tpu.memory_space<vmem_shared>> -> memref<10240x128xf32, #tpu.memory_space<vmem_shared>>
          tpu.enqueue_indirect_dma source(%arg10 : memref<128x128xf32, #tpu.memory_space<vmem>>) target(%dma_start3A_34 : memref<10240x128xf32, #tpu.memory_space<vmem_shared>>) offsets(%dma_start3A_31 : memref<128xi32, #tpu.memory_space<vmem>>) semaphore(%run_scoped3A : memref<!tpu.dma_semaphore, #tpu.memory_space<semaphore_mem>>) {add = true}
          %dma_wait3A = arith.constant 0 : i32
          %dma_wait3A_35 = tpu.memref_slice %arg9[%while3A_29, %dma_wait3A] : memref<81x128xi32, #tpu.memory_space<vmem>> -> memref<1x128xi32, #tpu.memory_space<vmem>>
          %dma_wait3A_36 = tpu.memref_squeeze %dma_wait3A_35 : memref<1x128xi32, #tpu.memory_space<vmem>> -> memref<128xi32, #tpu.memory_space<vmem>>
          %dma_wait3A_37 = arith.constant 0 : i32
          %dma_wait3A_38 = arith.constant 0 : i32
          %dma_wait3A_39 = tpu.memref_slice %arg11[%dma_wait3A_37, %dma_wait3A_38] : memref<10240x128xf32, #tpu.memory_space<vmem_shared>> -> memref<10240x128xf32, #tpu.memory_space<vmem_shared>>
          tpu.wait_indirect_dma semaphore(%run_scoped3A : memref<!tpu.dma_semaphore, #tpu.memory_space<semaphore_mem>>) src(%arg10 : memref<128x128xf32, #tpu.memory_space<vmem>>) dst(%dma_wait3A_39 : memref<10240x128xf32, #tpu.memory_space<vmem_shared>>)
          tpu.yield
        }) : () -> ()
      }
      %while3A_28 = arith.constant 1 : i32
      scf.for %while3A_29 = %while3A_26 to %while3A_22 step %while3A_28  : i32 {
        "tpu.region"() ({
          %run_scoped3A = tpu.sem_alloc : memref<!tpu.dma_semaphore, #tpu.memory_space<semaphore_mem>>
          %dma_start3A = arith.constant 0 : i32
          %dma_start3A_30 = tpu.memref_slice %arg8[%while3A_29, %dma_start3A] : memref<81x128xi32, #tpu.memory_space<vmem>> -> memref<1x128xi32, #tpu.memory_space<vmem>>
          %dma_start3A_31 = tpu.memref_squeeze %dma_start3A_30 : memref<1x128xi32, #tpu.memory_space<vmem>> -> memref<128xi32, #tpu.memory_space<vmem>>
          %dma_start3A_32 = arith.constant 0 : i32
          %dma_start3A_33 = arith.constant 0 : i32
          %dma_start3A_34 = tpu.memref_slice %arg2[%dma_start3A_32, %dma_start3A_33] : memref<10000x128xf32, #tpu.memory_space<hbm>> -> memref<10000x128xf32, #tpu.memory_space<hbm>>
          tpu.enqueue_indirect_dma source(%dma_start3A_34 : memref<10000x128xf32, #tpu.memory_space<hbm>>) target(%arg10 : memref<128x128xf32, #tpu.memory_space<vmem>>) offsets(%dma_start3A_31 : memref<128xi32, #tpu.memory_space<vmem>>) semaphore(%run_scoped3A : memref<!tpu.dma_semaphore, #tpu.memory_space<semaphore_mem>>)
          %dma_wait3A = arith.constant 0 : i32
          %dma_wait3A_35 = tpu.memref_slice %arg8[%while3A_29, %dma_wait3A] : memref<81x128xi32, #tpu.memory_space<vmem>> -> memref<1x128xi32, #tpu.memory_space<vmem>>
          %dma_wait3A_36 = tpu.memref_squeeze %dma_wait3A_35 : memref<1x128xi32, #tpu.memory_space<vmem>> -> memref<128xi32, #tpu.memory_space<vmem>>
          %dma_wait3A_37 = arith.constant 0 : i32
          %dma_wait3A_38 = arith.constant 0 : i32
          %dma_wait3A_39 = tpu.memref_slice %arg2[%dma_wait3A_37, %dma_wait3A_38] : memref<10000x128xf32, #tpu.memory_space<hbm>> -> memref<10000x128xf32, #tpu.memory_space<hbm>>
          tpu.wait_indirect_dma semaphore(%run_scoped3A : memref<!tpu.dma_semaphore, #tpu.memory_space<semaphore_mem>>) src(%dma_wait3A_39 : memref<10000x128xf32, #tpu.memory_space<hbm>>) dst(%arg10 : memref<128x128xf32, #tpu.memory_space<vmem>>)
          tpu.yield
        }) : () -> ()
        "tpu.region"() ({
          %run_scoped3A = tpu.sem_alloc : memref<!tpu.dma_semaphore, #tpu.memory_space<semaphore_mem>>
          %dma_start3A = arith.constant 0 : i32
          %dma_start3A_30 = tpu.memref_slice %arg9[%while3A_29, %dma_start3A] : memref<81x128xi32, #tpu.memory_space<vmem>> -> memref<1x128xi32, #tpu.memory_space<vmem>>
          %dma_start3A_31 = tpu.memref_squeeze %dma_start3A_30 : memref<1x128xi32, #tpu.memory_space<vmem>> -> memref<128xi32, #tpu.memory_space<vmem>>
          %dma_start3A_32 = arith.constant 0 : i32
          %dma_start3A_33 = arith.constant 0 : i32
          %dma_start3A_34 = tpu.memref_slice %arg11[%dma_start3A_32, %dma_start3A_33] : memref<10240x128xf32, #tpu.memory_space<vmem_shared>> -> memref<10240x128xf32, #tpu.memory_space<vmem_shared>>
          tpu.enqueue_indirect_dma source(%arg10 : memref<128x128xf32, #tpu.memory_space<vmem>>) target(%dma_start3A_34 : memref<10240x128xf32, #tpu.memory_space<vmem_shared>>) offsets(%dma_start3A_31 : memref<128xi32, #tpu.memory_space<vmem>>) semaphore(%run_scoped3A : memref<!tpu.dma_semaphore, #tpu.memory_space<semaphore_mem>>) {add = true}
          %dma_wait3A = arith.constant 0 : i32
          %dma_wait3A_35 = tpu.memref_slice %arg9[%while3A_29, %dma_wait3A] : memref<81x128xi32, #tpu.memory_space<vmem>> -> memref<1x128xi32, #tpu.memory_space<vmem>>
          %dma_wait3A_36 = tpu.memref_squeeze %dma_wait3A_35 : memref<1x128xi32, #tpu.memory_space<vmem>> -> memref<128xi32, #tpu.memory_space<vmem>>
          %dma_wait3A_37 = arith.constant 0 : i32
          %dma_wait3A_38 = arith.constant 0 : i32
          %dma_wait3A_39 = tpu.memref_slice %arg11[%dma_wait3A_37, %dma_wait3A_38] : memref<10240x128xf32, #tpu.memory_space<vmem_shared>> -> memref<10240x128xf32, #tpu.memory_space<vmem_shared>>
          tpu.wait_indirect_dma semaphore(%run_scoped3A : memref<!tpu.dma_semaphore, #tpu.memory_space<semaphore_mem>>) src(%arg10 : memref<128x128xf32, #tpu.memory_space<vmem>>) dst(%dma_wait3A_39 : memref<10240x128xf32, #tpu.memory_space<vmem_shared>>)
          tpu.yield
        }) : () -> ()
      }
    } else {
    }
    %barrier3A_15 = arith.constant 0 : index
    tpu.barrier barrier_id(%barrier3A_15)
    %mul3A_16 = arith.constant 640 : i32
    %mul3A_17 = arith.muli %arg1, %mul3A_16 : i32
    %mul3A_18 = arith.constant 640 : i32
    %mul3A_19 = arith.muli %arg1, %mul3A_18 : i32
    "tpu.region"() ({
      %run_scoped3A = tpu.sem_alloc : memref<!tpu.dma_semaphore, #tpu.memory_space<semaphore_mem>>
      %dma_start3A = arith.constant 0 : i32
      %dma_start3A_20 = tpu.memref_slice %arg7[%arg0, %mul3A_19, %dma_start3A] : memref<2x10240x128xf32, #tpu.memory_space<hbm>> -> memref<1x640x128xf32, #tpu.memory_space<hbm>>
      %dma_start3A_21 = tpu.memref_squeeze %dma_start3A_20 : memref<1x640x128xf32, #tpu.memory_space<hbm>> -> memref<640x128xf32, #tpu.memory_space<hbm>>
      %dma_start3A_22 = arith.constant 0 : i32
      %dma_start3A_23 = tpu.memref_slice %arg11[%mul3A_17, %dma_start3A_22] : memref<10240x128xf32, #tpu.memory_space<vmem_shared>> -> memref<640x128xf32, #tpu.memory_space<vmem_shared>>
      tpu.enqueue_dma source(%dma_start3A_23 : memref<640x128xf32, #tpu.memory_space<vmem_shared>>) target(%dma_start3A_21 : memref<640x128xf32, #tpu.memory_space<hbm>>) target_semaphore(%run_scoped3A : memref<!tpu.dma_semaphore, #tpu.memory_space<semaphore_mem>>)
      %dma_wait3A = arith.constant 0 : i32
      %dma_wait3A_24 = tpu.memref_slice %arg7[%arg0, %mul3A_19, %dma_wait3A] : memref<2x10240x128xf32, #tpu.memory_space<hbm>> -> memref<1x640x128xf32, #tpu.memory_space<hbm>>
      %dma_wait3A_25 = tpu.memref_squeeze %dma_wait3A_24 : memref<1x640x128xf32, #tpu.memory_space<hbm>> -> memref<640x128xf32, #tpu.memory_space<hbm>>
      %dma_wait3A_26 = arith.constant 0 : i32
      %dma_wait3A_27 = tpu.memref_slice %arg11[%mul3A_17, %dma_wait3A_26] : memref<10240x128xf32, #tpu.memory_space<vmem_shared>> -> memref<640x128xf32, #tpu.memory_space<vmem_shared>>
      tpu.wait_dma2 semaphore(%run_scoped3A : memref<!tpu.dma_semaphore, #tpu.memory_space<semaphore_mem>>) src(%dma_wait3A_27 : memref<640x128xf32, #tpu.memory_space<vmem_shared>>) dst(%dma_wait3A_25 : memref<640x128xf32, #tpu.memory_space<hbm>>)
      tpu.yield
    }) : () -> ()
    return
  }
}

#map = affine_map<(d0, d1) -> (0, 0, 0)>
#map1 = affine_map<(d0, d1) -> (0)>
#map2 = affine_map<(d0, d1) -> (0, 0)>
module attributes {stable_mosaic.version = 14 : i64} {
  func.func @_deg_body(%arg0: i32, %arg1: i32, %arg2: memref<32x81x128xi32, #tpu.memory_space<hbm>>, %arg3: memref<10240xf32, #tpu.memory_space<hbm>>, %arg4: memref<2x10240xf32, #tpu.memory_space<hbm>>, %arg5: memref<81x128xi32, #tpu.memory_space<vmem>>, %arg6: memref<128xf32, #tpu.memory_space<vmem>>, %arg7: memref<10240xf32, #tpu.memory_space<vmem_shared>>) attributes {dimension_semantics = [#tpu.dimension_semantics<core_parallel>, #tpu.dimension_semantics<subcore_parallel>], iteration_bounds = array<i64: 2, 16>, scalar_prefetch = 0 : i64, scratch_operands = 3 : i64, tpu.core_type = #tpu.core_type<sc_vector_subcore>, window_params = [{transform_indices = #map}, {transform_indices = #map1}, {transform_indices = #map2}]} {
    %mul3A = arith.constant 16 : i32
    %mul3A_0 = arith.muli %arg0, %mul3A : i32
    %add3A = arith.addi %mul3A_0, %arg1 : i32
    %eq3A = arith.constant 0 : i32
    %eq3A_1 = arith.cmpi eq, %arg0, %eq3A : i32
    %jit3A = arith.constant 81 : i32
    %jit3A_2 = arith.constant 81 : i32
    %select_n3A = arith.select %eq3A_1, %jit3A, %jit3A_2 : i32
    "tpu.region"() ({
      %run_scoped3A = tpu.sem_alloc : memref<!tpu.dma_semaphore, #tpu.memory_space<semaphore_mem>>
      %dma_start3A = arith.constant 0 : i32
      %dma_start3A_67 = arith.constant 0 : i32
      %dma_start3A_68 = tpu.memref_slice %arg2[%add3A, %dma_start3A, %dma_start3A_67] : memref<32x81x128xi32, #tpu.memory_space<hbm>> -> memref<1x81x128xi32, #tpu.memory_space<hbm>>
      %dma_start3A_69 = tpu.memref_squeeze %dma_start3A_68 : memref<1x81x128xi32, #tpu.memory_space<hbm>> -> memref<81x128xi32, #tpu.memory_space<hbm>>
      %dma_start3A_70 = arith.constant 0 : i32
      %dma_start3A_71 = arith.constant 0 : i32
      %dma_start3A_72 = tpu.memref_slice %arg2[%add3A, %dma_start3A_70, %dma_start3A_71] : memref<32x81x128xi32, #tpu.memory_space<hbm>> -> memref<1x81x128xi32, #tpu.memory_space<hbm>>
      %dma_start3A_73 = tpu.memref_squeeze %dma_start3A_72 : memref<1x81x128xi32, #tpu.memory_space<hbm>> -> memref<81x128xi32, #tpu.memory_space<hbm>>
      tpu.enqueue_dma source(%dma_start3A_73 : memref<81x128xi32, #tpu.memory_space<hbm>>) target(%arg5 : memref<81x128xi32, #tpu.memory_space<vmem>>) target_semaphore(%run_scoped3A : memref<!tpu.dma_semaphore, #tpu.memory_space<semaphore_mem>>)
      %dma_wait3A = arith.constant 0 : i32
      %dma_wait3A_74 = arith.constant 0 : i32
      %dma_wait3A_75 = tpu.memref_slice %arg2[%add3A, %dma_wait3A, %dma_wait3A_74] : memref<32x81x128xi32, #tpu.memory_space<hbm>> -> memref<1x81x128xi32, #tpu.memory_space<hbm>>
      %dma_wait3A_76 = tpu.memref_squeeze %dma_wait3A_75 : memref<1x81x128xi32, #tpu.memory_space<hbm>> -> memref<81x128xi32, #tpu.memory_space<hbm>>
      %dma_wait3A_77 = arith.constant 0 : i32
      %dma_wait3A_78 = arith.constant 0 : i32
      %dma_wait3A_79 = tpu.memref_slice %arg2[%add3A, %dma_wait3A_77, %dma_wait3A_78] : memref<32x81x128xi32, #tpu.memory_space<hbm>> -> memref<1x81x128xi32, #tpu.memory_space<hbm>>
      %dma_wait3A_80 = tpu.memref_squeeze %dma_wait3A_79 : memref<1x81x128xi32, #tpu.memory_space<hbm>> -> memref<81x128xi32, #tpu.memory_space<hbm>>
      tpu.wait_dma2 semaphore(%run_scoped3A : memref<!tpu.dma_semaphore, #tpu.memory_space<semaphore_mem>>) src(%dma_wait3A_80 : memref<81x128xi32, #tpu.memory_space<hbm>>) dst(%arg5 : memref<81x128xi32, #tpu.memory_space<vmem>>)
      tpu.yield
    }) : () -> ()
    %broadcast_in_dim3A = arith.constant 1.000000e+00 : f32
    %broadcast_in_dim3A_3 = vector.broadcast %broadcast_in_dim3A : f32 to vector<16xf32>
    %swap3A = arith.constant 0 : index
    %swap3A_4 = tpu.vector_load %arg6[%swap3A] {strides = array<i32>} : memref<128xf32, #tpu.memory_space<vmem>>, vector<16xf32>,
    %swap3A_5 = vector.shape_cast %swap3A_4 : vector<16xf32> to vector<16xf32>
    %swap3A_6 = vector.shape_cast %broadcast_in_dim3A_3 : vector<16xf32> to vector<16xf32>
    tpu.vector_store %arg6[%swap3A], %swap3A_6 {strides = array<i32>} : memref<128xf32, #tpu.memory_space<vmem>>, vector<16xf32>,
    %broadcast_in_dim3A_7 = arith.constant 1.000000e+00 : f32
    %broadcast_in_dim3A_8 = vector.broadcast %broadcast_in_dim3A_7 : f32 to vector<16xf32>
    %swap3A_9 = arith.constant 16 : index
    %swap3A_10 = tpu.vector_load %arg6[%swap3A_9] {strides = array<i32>} : memref<128xf32, #tpu.memory_space<vmem>>, vector<16xf32>,
    %swap3A_11 = vector.shape_cast %swap3A_10 : vector<16xf32> to vector<16xf32>
    %swap3A_12 = vector.shape_cast %broadcast_in_dim3A_8 : vector<16xf32> to vector<16xf32>
    tpu.vector_store %arg6[%swap3A_9], %swap3A_12 {strides = array<i32>} : memref<128xf32, #tpu.memory_space<vmem>>, vector<16xf32>,
    %broadcast_in_dim3A_13 = arith.constant 1.000000e+00 : f32
    %broadcast_in_dim3A_14 = vector.broadcast %broadcast_in_dim3A_13 : f32 to vector<16xf32>
    %swap3A_15 = arith.constant 32 : index
    %swap3A_16 = tpu.vector_load %arg6[%swap3A_15] {strides = array<i32>} : memref<128xf32, #tpu.memory_space<vmem>>, vector<16xf32>,
    %swap3A_17 = vector.shape_cast %swap3A_16 : vector<16xf32> to vector<16xf32>
    %swap3A_18 = vector.shape_cast %broadcast_in_dim3A_14 : vector<16xf32> to vector<16xf32>
    tpu.vector_store %arg6[%swap3A_15], %swap3A_18 {strides = array<i32>} : memref<128xf32, #tpu.memory_space<vmem>>, vector<16xf32>,
    %broadcast_in_dim3A_19 = arith.constant 1.000000e+00 : f32
    %broadcast_in_dim3A_20 = vector.broadcast %broadcast_in_dim3A_19 : f32 to vector<16xf32>
    %swap3A_21 = arith.constant 48 : index
    %swap3A_22 = tpu.vector_load %arg6[%swap3A_21] {strides = array<i32>} : memref<128xf32, #tpu.memory_space<vmem>>, vector<16xf32>,
    %swap3A_23 = vector.shape_cast %swap3A_22 : vector<16xf32> to vector<16xf32>
    %swap3A_24 = vector.shape_cast %broadcast_in_dim3A_20 : vector<16xf32> to vector<16xf32>
    tpu.vector_store %arg6[%swap3A_21], %swap3A_24 {strides = array<i32>} : memref<128xf32, #tpu.memory_space<vmem>>, vector<16xf32>,
    %broadcast_in_dim3A_25 = arith.constant 1.000000e+00 : f32
    %broadcast_in_dim3A_26 = vector.broadcast %broadcast_in_dim3A_25 : f32 to vector<16xf32>
    %swap3A_27 = arith.constant 64 : index
    %swap3A_28 = tpu.vector_load %arg6[%swap3A_27] {strides = array<i32>} : memref<128xf32, #tpu.memory_space<vmem>>, vector<16xf32>,
    %swap3A_29 = vector.shape_cast %swap3A_28 : vector<16xf32> to vector<16xf32>
    %swap3A_30 = vector.shape_cast %broadcast_in_dim3A_26 : vector<16xf32> to vector<16xf32>
    tpu.vector_store %arg6[%swap3A_27], %swap3A_30 {strides = array<i32>} : memref<128xf32, #tpu.memory_space<vmem>>, vector<16xf32>,
    %broadcast_in_dim3A_31 = arith.constant 1.000000e+00 : f32
    %broadcast_in_dim3A_32 = vector.broadcast %broadcast_in_dim3A_31 : f32 to vector<16xf32>
    %swap3A_33 = arith.constant 80 : index
    %swap3A_34 = tpu.vector_load %arg6[%swap3A_33] {strides = array<i32>} : memref<128xf32, #tpu.memory_space<vmem>>, vector<16xf32>,
    %swap3A_35 = vector.shape_cast %swap3A_34 : vector<16xf32> to vector<16xf32>
    %swap3A_36 = vector.shape_cast %broadcast_in_dim3A_32 : vector<16xf32> to vector<16xf32>
    tpu.vector_store %arg6[%swap3A_33], %swap3A_36 {strides = array<i32>} : memref<128xf32, #tpu.memory_space<vmem>>, vector<16xf32>,
    %broadcast_in_dim3A_37 = arith.constant 1.000000e+00 : f32
    %broadcast_in_dim3A_38 = vector.broadcast %broadcast_in_dim3A_37 : f32 to vector<16xf32>
    %swap3A_39 = arith.constant 96 : index
    %swap3A_40 = tpu.vector_load %arg6[%swap3A_39] {strides = array<i32>} : memref<128xf32, #tpu.memory_space<vmem>>, vector<16xf32>,
    %swap3A_41 = vector.shape_cast %swap3A_40 : vector<16xf32> to vector<16xf32>
    %swap3A_42 = vector.shape_cast %broadcast_in_dim3A_38 : vector<16xf32> to vector<16xf32>
    tpu.vector_store %arg6[%swap3A_39], %swap3A_42 {strides = array<i32>} : memref<128xf32, #tpu.memory_space<vmem>>, vector<16xf32>,
    %broadcast_in_dim3A_43 = arith.constant 1.000000e+00 : f32
    %broadcast_in_dim3A_44 = vector.broadcast %broadcast_in_dim3A_43 : f32 to vector<16xf32>
    %swap3A_45 = arith.constant 112 : index
    %swap3A_46 = tpu.vector_load %arg6[%swap3A_45] {strides = array<i32>} : memref<128xf32, #tpu.memory_space<vmem>>, vector<16xf32>,
    %swap3A_47 = vector.shape_cast %swap3A_46 : vector<16xf32> to vector<16xf32>
    %swap3A_48 = vector.shape_cast %broadcast_in_dim3A_44 : vector<16xf32> to vector<16xf32>
    tpu.vector_store %arg6[%swap3A_45], %swap3A_48 {strides = array<i32>} : memref<128xf32, #tpu.memory_space<vmem>>, vector<16xf32>,
    %mul3A_49 = arith.constant 640 : i32
    %mul3A_50 = arith.muli %arg1, %mul3A_49 : i32
    %mul3A_51 = arith.constant 640 : i32
    %mul3A_52 = arith.muli %arg1, %mul3A_51 : i32
    "tpu.region"() ({
      %run_scoped3A = tpu.sem_alloc : memref<!tpu.dma_semaphore, #tpu.memory_space<semaphore_mem>>
      %dma_start3A = tpu.memref_slice %arg7[%mul3A_52] : memref<10240xf32, #tpu.memory_space<vmem_shared>> -> memref<640xf32, #tpu.memory_space<vmem_shared>>
      %dma_start3A_67 = tpu.memref_slice %arg3[%mul3A_50] : memref<10240xf32, #tpu.memory_space<hbm>> -> memref<640xf32, #tpu.memory_space<hbm>>
      tpu.enqueue_dma source(%dma_start3A_67 : memref<640xf32, #tpu.memory_space<hbm>>) target(%dma_start3A : memref<640xf32, #tpu.memory_space<vmem_shared>>) target_semaphore(%run_scoped3A : memref<!tpu.dma_semaphore, #tpu.memory_space<semaphore_mem>>)
      %dma_wait3A = tpu.memref_slice %arg7[%mul3A_52] : memref<10240xf32, #tpu.memory_space<vmem_shared>> -> memref<640xf32, #tpu.memory_space<vmem_shared>>
      %dma_wait3A_68 = tpu.memref_slice %arg3[%mul3A_50] : memref<10240xf32, #tpu.memory_space<hbm>> -> memref<640xf32, #tpu.memory_space<hbm>>
      tpu.wait_dma2 semaphore(%run_scoped3A : memref<!tpu.dma_semaphore, #tpu.memory_space<semaphore_mem>>) src(%dma_wait3A_68 : memref<640xf32, #tpu.memory_space<hbm>>) dst(%dma_wait3A : memref<640xf32, #tpu.memory_space<vmem_shared>>)
      tpu.yield
    }) : () -> ()
    %barrier3A = arith.constant 0 : index
    tpu.barrier barrier_id(%barrier3A)
    %while3A = arith.constant 0 : i32
    %while3A_53 = arith.constant 0 : i32
    %while3A_54 = arith.subi %select_n3A, %while3A_53 : i32
    %while3A_55 = arith.addi %while3A_53, %while3A_54 : i32
    %while3A_56 = arith.constant 1 : i32
    %while3A_57 = arith.divsi %while3A_54, %while3A_56 : i32
    %while3A_58 = arith.muli %while3A_57, %while3A_56 : i32
    %while3A_59 = arith.addi %while3A_53, %while3A_58 : i32
    %while3A_60 = arith.constant 1 : i32
    scf.for %while3A_67 = %while3A_53 to %while3A_59 step %while3A_60  : i32 {
      "tpu.region"() ({
        %run_scoped3A = tpu.sem_alloc : memref<!tpu.dma_semaphore, #tpu.memory_space<semaphore_mem>>
        %dma_start3A = arith.constant 0 : i32
        %dma_start3A_68 = tpu.memref_slice %arg5[%while3A_67, %dma_start3A] : memref<81x128xi32, #tpu.memory_space<vmem>> -> memref<1x128xi32, #tpu.memory_space<vmem>>
        %dma_start3A_69 = tpu.memref_squeeze %dma_start3A_68 : memref<1x128xi32, #tpu.memory_space<vmem>> -> memref<128xi32, #tpu.memory_space<vmem>>
        %dma_start3A_70 = arith.constant 0 : i32
        %dma_start3A_71 = tpu.memref_slice %arg7[%dma_start3A_70] : memref<10240xf32, #tpu.memory_space<vmem_shared>> -> memref<10240xf32, #tpu.memory_space<vmem_shared>>
        tpu.enqueue_indirect_dma source(%arg6 : memref<128xf32, #tpu.memory_space<vmem>>) target(%dma_start3A_71 : memref<10240xf32, #tpu.memory_space<vmem_shared>>) offsets(%dma_start3A_69 : memref<128xi32, #tpu.memory_space<vmem>>) semaphore(%run_scoped3A : memref<!tpu.dma_semaphore, #tpu.memory_space<semaphore_mem>>) {add = true}
        %dma_wait3A = arith.constant 0 : i32
        %dma_wait3A_72 = tpu.memref_slice %arg5[%while3A_67, %dma_wait3A] : memref<81x128xi32, #tpu.memory_space<vmem>> -> memref<1x128xi32, #tpu.memory_space<vmem>>
        %dma_wait3A_73 = tpu.memref_squeeze %dma_wait3A_72 : memref<1x128xi32, #tpu.memory_space<vmem>> -> memref<128xi32, #tpu.memory_space<vmem>>
        %dma_wait3A_74 = arith.constant 0 : i32
        %dma_wait3A_75 = tpu.memref_slice %arg7[%dma_wait3A_74] : memref<10240xf32, #tpu.memory_space<vmem_shared>> -> memref<10240xf32, #tpu.memory_space<vmem_shared>>
        tpu.wait_indirect_dma semaphore(%run_scoped3A : memref<!tpu.dma_semaphore, #tpu.memory_space<semaphore_mem>>) src(%arg6 : memref<128xf32, #tpu.memory_space<vmem>>) dst(%dma_wait3A_75 : memref<10240xf32, #tpu.memory_space<vmem_shared>>)
        tpu.yield
      }) : () -> ()
    }
    %while3A_61 = arith.constant 1 : i32
    scf.for %while3A_67 = %while3A_59 to %while3A_55 step %while3A_61  : i32 {
      "tpu.region"() ({
        %run_scoped3A = tpu.sem_alloc : memref<!tpu.dma_semaphore, #tpu.memory_space<semaphore_mem>>
        %dma_start3A = arith.constant 0 : i32
        %dma_start3A_68 = tpu.memref_slice %arg5[%while3A_67, %dma_start3A] : memref<81x128xi32, #tpu.memory_space<vmem>> -> memref<1x128xi32, #tpu.memory_space<vmem>>
        %dma_start3A_69 = tpu.memref_squeeze %dma_start3A_68 : memref<1x128xi32, #tpu.memory_space<vmem>> -> memref<128xi32, #tpu.memory_space<vmem>>
        %dma_start3A_70 = arith.constant 0 : i32
        %dma_start3A_71 = tpu.memref_slice %arg7[%dma_start3A_70] : memref<10240xf32, #tpu.memory_space<vmem_shared>> -> memref<10240xf32, #tpu.memory_space<vmem_shared>>
        tpu.enqueue_indirect_dma source(%arg6 : memref<128xf32, #tpu.memory_space<vmem>>) target(%dma_start3A_71 : memref<10240xf32, #tpu.memory_space<vmem_shared>>) offsets(%dma_start3A_69 : memref<128xi32, #tpu.memory_space<vmem>>) semaphore(%run_scoped3A : memref<!tpu.dma_semaphore, #tpu.memory_space<semaphore_mem>>) {add = true}
        %dma_wait3A = arith.constant 0 : i32
        %dma_wait3A_72 = tpu.memref_slice %arg5[%while3A_67, %dma_wait3A] : memref<81x128xi32, #tpu.memory_space<vmem>> -> memref<1x128xi32, #tpu.memory_space<vmem>>
        %dma_wait3A_73 = tpu.memref_squeeze %dma_wait3A_72 : memref<1x128xi32, #tpu.memory_space<vmem>> -> memref<128xi32, #tpu.memory_space<vmem>>
        %dma_wait3A_74 = arith.constant 0 : i32
        %dma_wait3A_75 = tpu.memref_slice %arg7[%dma_wait3A_74] : memref<10240xf32, #tpu.memory_space<vmem_shared>> -> memref<10240xf32, #tpu.memory_space<vmem_shared>>
        tpu.wait_indirect_dma semaphore(%run_scoped3A : memref<!tpu.dma_semaphore, #tpu.memory_space<semaphore_mem>>) src(%arg6 : memref<128xf32, #tpu.memory_space<vmem>>) dst(%dma_wait3A_75 : memref<10240xf32, #tpu.memory_space<vmem_shared>>)
        tpu.yield
      }) : () -> ()
    }
    %barrier3A_62 = arith.constant 0 : index
    tpu.barrier barrier_id(%barrier3A_62)
    %mul3A_63 = arith.constant 640 : i32
    %mul3A_64 = arith.muli %arg1, %mul3A_63 : i32
    %mul3A_65 = arith.constant 640 : i32
    %mul3A_66 = arith.muli %arg1, %mul3A_65 : i32
    "tpu.region"() ({
      %run_scoped3A = tpu.sem_alloc : memref<!tpu.dma_semaphore, #tpu.memory_space<semaphore_mem>>
      %dma_start3A = tpu.memref_slice %arg4[%arg0, %mul3A_66] : memref<2x10240xf32, #tpu.memory_space<hbm>> -> memref<1x640xf32, #tpu.memory_space<hbm>>
      %dma_start3A_67 = tpu.memref_squeeze %dma_start3A : memref<1x640xf32, #tpu.memory_space<hbm>> -> memref<640xf32, #tpu.memory_space<hbm>>
      %dma_start3A_68 = tpu.memref_slice %arg7[%mul3A_64] : memref<10240xf32, #tpu.memory_space<vmem_shared>> -> memref<640xf32, #tpu.memory_space<vmem_shared>>
      tpu.enqueue_dma source(%dma_start3A_68 : memref<640xf32, #tpu.memory_space<vmem_shared>>) target(%dma_start3A_67 : memref<640xf32, #tpu.memory_space<hbm>>) target_semaphore(%run_scoped3A : memref<!tpu.dma_semaphore, #tpu.memory_space<semaphore_mem>>)
      %dma_wait3A = tpu.memref_slice %arg4[%arg0, %mul3A_66] : memref<2x10240xf32, #tpu.memory_space<hbm>> -> memref<1x640xf32, #tpu.memory_space<hbm>>
      %dma_wait3A_69 = tpu.memref_squeeze %dma_wait3A : memref<1x640xf32, #tpu.memory_space<hbm>> -> memref<640xf32, #tpu.memory_space<hbm>>
      %dma_wait3A_70 = tpu.memref_slice %arg7[%mul3A_64] : memref<10240xf32, #tpu.memory_space<vmem_shared>> -> memref<640xf32, #tpu.memory_space<vmem_shared>>
      tpu.wait_dma2 semaphore(%run_scoped3A : memref<!tpu.dma_semaphore, #tpu.memory_space<semaphore_mem>>) src(%dma_wait3A_70 : memref<640xf32, #tpu.memory_space<vmem_shared>>) dst(%dma_wait3A_69 : memref<640xf32, #tpu.memory_space<hbm>>)
      tpu.yield
    }) : () -> ()
    return
  }
}

#map = affine_map<(d0, d1) -> (0, 0)>
#map1 = affine_map<(d0, d1) -> (0, 0, 0)>
module attributes {stable_mosaic.version = 14 : i64} {
  func.func @_agg_body(%arg0: i32, %arg1: i32, %arg2: memref<10000x128xf32, #tpu.memory_space<hbm>>, %arg3: memref<10000x128xf32, #tpu.memory_space<hbm>>, %arg4: memref<32x81x128xi32, #tpu.memory_space<hbm>>, %arg5: memref<32x81x128xi32, #tpu.memory_space<hbm>>, %arg6: memref<10240x128xf32, #tpu.memory_space<hbm>>, %arg7: memref<2x10240x128xf32, #tpu.memory_space<hbm>>, %arg8: memref<81x128xi32, #tpu.memory_space<vmem>>, %arg9: memref<81x128xi32, #tpu.memory_space<vmem>>, %arg10: memref<128x128xf32, #tpu.memory_space<vmem>>, %arg11: memref<10240x128xf32, #tpu.memory_space<vmem_shared>>) attributes {dimension_semantics = [#tpu.dimension_semantics<core_parallel>, #tpu.dimension_semantics<subcore_parallel>], iteration_bounds = array<i64: 2, 16>, scalar_prefetch = 0 : i64, scratch_operands = 4 : i64, tpu.core_type = #tpu.core_type<sc_vector_subcore>, window_params = [{transform_indices = #map}, {transform_indices = #map}, {transform_indices = #map1}, {transform_indices = #map1}, {transform_indices = #map}, {transform_indices = #map1}]} {
    %mul3A = arith.constant 16 : i32
    %mul3A_0 = arith.muli %arg0, %mul3A : i32
    %add3A = arith.addi %mul3A_0, %arg1 : i32
    %eq3A = arith.constant 0 : i32
    %eq3A_1 = arith.cmpi eq, %arg0, %eq3A : i32
    %jit3A = arith.constant 81 : i32
    %jit3A_2 = arith.constant 81 : i32
    %select_n3A = arith.select %eq3A_1, %jit3A, %jit3A_2 : i32
    "tpu.region"() ({
      %run_scoped3A = tpu.sem_alloc : memref<!tpu.dma_semaphore, #tpu.memory_space<semaphore_mem>>
      %dma_start3A = arith.constant 0 : i32
      %dma_start3A_20 = arith.constant 0 : i32
      %dma_start3A_21 = tpu.memref_slice %arg4[%add3A, %dma_start3A, %dma_start3A_20] : memref<32x81x128xi32, #tpu.memory_space<hbm>> -> memref<1x81x128xi32, #tpu.memory_space<hbm>>
      %dma_start3A_22 = tpu.memref_squeeze %dma_start3A_21 : memref<1x81x128xi32, #tpu.memory_space<hbm>> -> memref<81x128xi32, #tpu.memory_space<hbm>>
      %dma_start3A_23 = arith.constant 0 : i32
      %dma_start3A_24 = arith.constant 0 : i32
      %dma_start3A_25 = tpu.memref_slice %arg4[%add3A, %dma_start3A_23, %dma_start3A_24] : memref<32x81x128xi32, #tpu.memory_space<hbm>> -> memref<1x81x128xi32, #tpu.memory_space<hbm>>
      %dma_start3A_26 = tpu.memref_squeeze %dma_start3A_25 : memref<1x81x128xi32, #tpu.memory_space<hbm>> -> memref<81x128xi32, #tpu.memory_space<hbm>>
      tpu.enqueue_dma source(%dma_start3A_26 : memref<81x128xi32, #tpu.memory_space<hbm>>) target(%arg8 : memref<81x128xi32, #tpu.memory_space<vmem>>) target_semaphore(%run_scoped3A : memref<!tpu.dma_semaphore, #tpu.memory_space<semaphore_mem>>)
      %dma_wait3A = arith.constant 0 : i32
      %dma_wait3A_27 = arith.constant 0 : i32
      %dma_wait3A_28 = tpu.memref_slice %arg4[%add3A, %dma_wait3A, %dma_wait3A_27] : memref<32x81x128xi32, #tpu.memory_space<hbm>> -> memref<1x81x128xi32, #tpu.memory_space<hbm>>
      %dma_wait3A_29 = tpu.memref_squeeze %dma_wait3A_28 : memref<1x81x128xi32, #tpu.memory_space<hbm>> -> memref<81x128xi32, #tpu.memory_space<hbm>>
      %dma_wait3A_30 = arith.constant 0 : i32
      %dma_wait3A_31 = arith.constant 0 : i32
      %dma_wait3A_32 = tpu.memref_slice %arg4[%add3A, %dma_wait3A_30, %dma_wait3A_31] : memref<32x81x128xi32, #tpu.memory_space<hbm>> -> memref<1x81x128xi32, #tpu.memory_space<hbm>>
      %dma_wait3A_33 = tpu.memref_squeeze %dma_wait3A_32 : memref<1x81x128xi32, #tpu.memory_space<hbm>> -> memref<81x128xi32, #tpu.memory_space<hbm>>
      tpu.wait_dma2 semaphore(%run_scoped3A : memref<!tpu.dma_semaphore, #tpu.memory_space<semaphore_mem>>) src(%dma_wait3A_33 : memref<81x128xi32, #tpu.memory_space<hbm>>) dst(%arg8 : memref<81x128xi32, #tpu.memory_space<vmem>>)
      tpu.yield
    }) : () -> ()
    "tpu.region"() ({
      %run_scoped3A = tpu.sem_alloc : memref<!tpu.dma_semaphore, #tpu.memory_space<semaphore_mem>>
      %dma_start3A = arith.constant 0 : i32
      %dma_start3A_20 = arith.constant 0 : i32
      %dma_start3A_21 = tpu.memref_slice %arg5[%add3A, %dma_start3A, %dma_start3A_20] : memref<32x81x128xi32, #tpu.memory_space<hbm>> -> memref<1x81x128xi32, #tpu.memory_space<hbm>>
      %dma_start3A_22 = tpu.memref_squeeze %dma_start3A_21 : memref<1x81x128xi32, #tpu.memory_space<hbm>> -> memref<81x128xi32, #tpu.memory_space<hbm>>
      %dma_start3A_23 = arith.constant 0 : i32
      %dma_start3A_24 = arith.constant 0 : i32
      %dma_start3A_25 = tpu.memref_slice %arg5[%add3A, %dma_start3A_23, %dma_start3A_24] : memref<32x81x128xi32, #tpu.memory_space<hbm>> -> memref<1x81x128xi32, #tpu.memory_space<hbm>>
      %dma_start3A_26 = tpu.memref_squeeze %dma_start3A_25 : memref<1x81x128xi32, #tpu.memory_space<hbm>> -> memref<81x128xi32, #tpu.memory_space<hbm>>
      tpu.enqueue_dma source(%dma_start3A_26 : memref<81x128xi32, #tpu.memory_space<hbm>>) target(%arg9 : memref<81x128xi32, #tpu.memory_space<vmem>>) target_semaphore(%run_scoped3A : memref<!tpu.dma_semaphore, #tpu.memory_space<semaphore_mem>>)
      %dma_wait3A = arith.constant 0 : i32
      %dma_wait3A_27 = arith.constant 0 : i32
      %dma_wait3A_28 = tpu.memref_slice %arg5[%add3A, %dma_wait3A, %dma_wait3A_27] : memref<32x81x128xi32, #tpu.memory_space<hbm>> -> memref<1x81x128xi32, #tpu.memory_space<hbm>>
      %dma_wait3A_29 = tpu.memref_squeeze %dma_wait3A_28 : memref<1x81x128xi32, #tpu.memory_space<hbm>> -> memref<81x128xi32, #tpu.memory_space<hbm>>
      %dma_wait3A_30 = arith.constant 0 : i32
      %dma_wait3A_31 = arith.constant 0 : i32
      %dma_wait3A_32 = tpu.memref_slice %arg5[%add3A, %dma_wait3A_30, %dma_wait3A_31] : memref<32x81x128xi32, #tpu.memory_space<hbm>> -> memref<1x81x128xi32, #tpu.memory_space<hbm>>
      %dma_wait3A_33 = tpu.memref_squeeze %dma_wait3A_32 : memref<1x81x128xi32, #tpu.memory_space<hbm>> -> memref<81x128xi32, #tpu.memory_space<hbm>>
      tpu.wait_dma2 semaphore(%run_scoped3A : memref<!tpu.dma_semaphore, #tpu.memory_space<semaphore_mem>>) src(%dma_wait3A_33 : memref<81x128xi32, #tpu.memory_space<hbm>>) dst(%arg9 : memref<81x128xi32, #tpu.memory_space<vmem>>)
      tpu.yield
    }) : () -> ()
    %mul3A_3 = arith.constant 640 : i32
    %mul3A_4 = arith.muli %arg1, %mul3A_3 : i32
    %mul3A_5 = arith.constant 640 : i32
    %mul3A_6 = arith.muli %arg1, %mul3A_5 : i32
    "tpu.region"() ({
      %run_scoped3A = tpu.sem_alloc : memref<!tpu.dma_semaphore, #tpu.memory_space<semaphore_mem>>
      %dma_start3A = arith.constant 0 : i32
      %dma_start3A_20 = tpu.memref_slice %arg11[%mul3A_6, %dma_start3A] : memref<10240x128xf32, #tpu.memory_space<vmem_shared>> -> memref<640x128xf32, #tpu.memory_space<vmem_shared>>
      %dma_start3A_21 = arith.constant 0 : i32
      %dma_start3A_22 = tpu.memref_slice %arg6[%mul3A_4, %dma_start3A_21] : memref<10240x128xf32, #tpu.memory_space<hbm>> -> memref<640x128xf32, #tpu.memory_space<hbm>>
      tpu.enqueue_dma source(%dma_start3A_22 : memref<640x128xf32, #tpu.memory_space<hbm>>) target(%dma_start3A_20 : memref<640x128xf32, #tpu.memory_space<vmem_shared>>) target_semaphore(%run_scoped3A : memref<!tpu.dma_semaphore, #tpu.memory_space<semaphore_mem>>)
      %dma_wait3A = arith.constant 0 : i32
      %dma_wait3A_23 = tpu.memref_slice %arg11[%mul3A_6, %dma_wait3A] : memref<10240x128xf32, #tpu.memory_space<vmem_shared>> -> memref<640x128xf32, #tpu.memory_space<vmem_shared>>
      %dma_wait3A_24 = arith.constant 0 : i32
      %dma_wait3A_25 = tpu.memref_slice %arg6[%mul3A_4, %dma_wait3A_24] : memref<10240x128xf32, #tpu.memory_space<hbm>> -> memref<640x128xf32, #tpu.memory_space<hbm>>
      tpu.wait_dma2 semaphore(%run_scoped3A : memref<!tpu.dma_semaphore, #tpu.memory_space<semaphore_mem>>) src(%dma_wait3A_25 : memref<640x128xf32, #tpu.memory_space<hbm>>) dst(%dma_wait3A_23 : memref<640x128xf32, #tpu.memory_space<vmem_shared>>)
      tpu.yield
    }) : () -> ()
    %barrier3A = arith.constant 0 : index
    tpu.barrier barrier_id(%barrier3A)
    %eq3A_7 = arith.constant 0 : i32
    %eq3A_8 = arith.cmpi eq, %arg0, %eq3A_7 : i32
    %convert_element_type3A = arith.extui %eq3A_8 : i1 to i32
    %cond3A = arith.constant 0 : i32
    %cond3A_9 = arith.cmpi ne, %convert_element_type3A, %cond3A : i32
    scf.if %cond3A_9 {
      %while3A = arith.constant 0 : i32
      %while3A_20 = arith.constant 0 : i32
      %while3A_21 = arith.subi %select_n3A, %while3A_20 : i32
      %while3A_22 = arith.addi %while3A_20, %while3A_21 : i32
      %while3A_23 = arith.constant 1 : i32
      %while3A_24 = arith.divsi %while3A_21, %while3A_23 : i32
      %while3A_25 = arith.muli %while3A_24, %while3A_23 : i32
      %while3A_26 = arith.addi %while3A_20, %while3A_25 : i32
      %while3A_27 = arith.constant 1 : i32
      scf.for %while3A_29 = %while3A_20 to %while3A_26 step %while3A_27  : i32 {
        "tpu.region"() ({
          %run_scoped3A = tpu.sem_alloc : memref<!tpu.dma_semaphore, #tpu.memory_space<semaphore_mem>>
          %dma_start3A = arith.constant 0 : i32
          %dma_start3A_30 = tpu.memref_slice %arg8[%while3A_29, %dma_start3A] : memref<81x128xi32, #tpu.memory_space<vmem>> -> memref<1x128xi32, #tpu.memory_space<vmem>>
          %dma_start3A_31 = tpu.memref_squeeze %dma_start3A_30 : memref<1x128xi32, #tpu.memory_space<vmem>> -> memref<128xi32, #tpu.memory_space<vmem>>
          %dma_start3A_32 = arith.constant 0 : i32
          %dma_start3A_33 = arith.constant 0 : i32
          %dma_start3A_34 = tpu.memref_slice %arg3[%dma_start3A_32, %dma_start3A_33] : memref<10000x128xf32, #tpu.memory_space<hbm>> -> memref<10000x128xf32, #tpu.memory_space<hbm>>
          tpu.enqueue_indirect_dma source(%dma_start3A_34 : memref<10000x128xf32, #tpu.memory_space<hbm>>) target(%arg10 : memref<128x128xf32, #tpu.memory_space<vmem>>) offsets(%dma_start3A_31 : memref<128xi32, #tpu.memory_space<vmem>>) semaphore(%run_scoped3A : memref<!tpu.dma_semaphore, #tpu.memory_space<semaphore_mem>>)
          %dma_wait3A = arith.constant 0 : i32
          %dma_wait3A_35 = tpu.memref_slice %arg8[%while3A_29, %dma_wait3A] : memref<81x128xi32, #tpu.memory_space<vmem>> -> memref<1x128xi32, #tpu.memory_space<vmem>>
          %dma_wait3A_36 = tpu.memref_squeeze %dma_wait3A_35 : memref<1x128xi32, #tpu.memory_space<vmem>> -> memref<128xi32, #tpu.memory_space<vmem>>
          %dma_wait3A_37 = arith.constant 0 : i32
          %dma_wait3A_38 = arith.constant 0 : i32
          %dma_wait3A_39 = tpu.memref_slice %arg3[%dma_wait3A_37, %dma_wait3A_38] : memref<10000x128xf32, #tpu.memory_space<hbm>> -> memref<10000x128xf32, #tpu.memory_space<hbm>>
          tpu.wait_indirect_dma semaphore(%run_scoped3A : memref<!tpu.dma_semaphore, #tpu.memory_space<semaphore_mem>>) src(%dma_wait3A_39 : memref<10000x128xf32, #tpu.memory_space<hbm>>) dst(%arg10 : memref<128x128xf32, #tpu.memory_space<vmem>>)
          tpu.yield
        }) : () -> ()
        "tpu.region"() ({
          %run_scoped3A = tpu.sem_alloc : memref<!tpu.dma_semaphore, #tpu.memory_space<semaphore_mem>>
          %dma_start3A = arith.constant 0 : i32
          %dma_start3A_30 = tpu.memref_slice %arg9[%while3A_29, %dma_start3A] : memref<81x128xi32, #tpu.memory_space<vmem>> -> memref<1x128xi32, #tpu.memory_space<vmem>>
          %dma_start3A_31 = tpu.memref_squeeze %dma_start3A_30 : memref<1x128xi32, #tpu.memory_space<vmem>> -> memref<128xi32, #tpu.memory_space<vmem>>
          %dma_start3A_32 = arith.constant 0 : i32
          %dma_start3A_33 = arith.constant 0 : i32
          %dma_start3A_34 = tpu.memref_slice %arg11[%dma_start3A_32, %dma_start3A_33] : memref<10240x128xf32, #tpu.memory_space<vmem_shared>> -> memref<10240x128xf32, #tpu.memory_space<vmem_shared>>
          tpu.enqueue_indirect_dma source(%arg10 : memref<128x128xf32, #tpu.memory_space<vmem>>) target(%dma_start3A_34 : memref<10240x128xf32, #tpu.memory_space<vmem_shared>>) offsets(%dma_start3A_31 : memref<128xi32, #tpu.memory_space<vmem>>) semaphore(%run_scoped3A : memref<!tpu.dma_semaphore, #tpu.memory_space<semaphore_mem>>) {add = true}
          %dma_wait3A = arith.constant 0 : i32
          %dma_wait3A_35 = tpu.memref_slice %arg9[%while3A_29, %dma_wait3A] : memref<81x128xi32, #tpu.memory_space<vmem>> -> memref<1x128xi32, #tpu.memory_space<vmem>>
          %dma_wait3A_36 = tpu.memref_squeeze %dma_wait3A_35 : memref<1x128xi32, #tpu.memory_space<vmem>> -> memref<128xi32, #tpu.memory_space<vmem>>
          %dma_wait3A_37 = arith.constant 0 : i32
          %dma_wait3A_38 = arith.constant 0 : i32
          %dma_wait3A_39 = tpu.memref_slice %arg11[%dma_wait3A_37, %dma_wait3A_38] : memref<10240x128xf32, #tpu.memory_space<vmem_shared>> -> memref<10240x128xf32, #tpu.memory_space<vmem_shared>>
          tpu.wait_indirect_dma semaphore(%run_scoped3A : memref<!tpu.dma_semaphore, #tpu.memory_space<semaphore_mem>>) src(%arg10 : memref<128x128xf32, #tpu.memory_space<vmem>>) dst(%dma_wait3A_39 : memref<10240x128xf32, #tpu.memory_space<vmem_shared>>)
          tpu.yield
        }) : () -> ()
      }
      %while3A_28 = arith.constant 1 : i32
      scf.for %while3A_29 = %while3A_26 to %while3A_22 step %while3A_28  : i32 {
        "tpu.region"() ({
          %run_scoped3A = tpu.sem_alloc : memref<!tpu.dma_semaphore, #tpu.memory_space<semaphore_mem>>
          %dma_start3A = arith.constant 0 : i32
          %dma_start3A_30 = tpu.memref_slice %arg8[%while3A_29, %dma_start3A] : memref<81x128xi32, #tpu.memory_space<vmem>> -> memref<1x128xi32, #tpu.memory_space<vmem>>
          %dma_start3A_31 = tpu.memref_squeeze %dma_start3A_30 : memref<1x128xi32, #tpu.memory_space<vmem>> -> memref<128xi32, #tpu.memory_space<vmem>>
          %dma_start3A_32 = arith.constant 0 : i32
          %dma_start3A_33 = arith.constant 0 : i32
          %dma_start3A_34 = tpu.memref_slice %arg3[%dma_start3A_32, %dma_start3A_33] : memref<10000x128xf32, #tpu.memory_space<hbm>> -> memref<10000x128xf32, #tpu.memory_space<hbm>>
          tpu.enqueue_indirect_dma source(%dma_start3A_34 : memref<10000x128xf32, #tpu.memory_space<hbm>>) target(%arg10 : memref<128x128xf32, #tpu.memory_space<vmem>>) offsets(%dma_start3A_31 : memref<128xi32, #tpu.memory_space<vmem>>) semaphore(%run_scoped3A : memref<!tpu.dma_semaphore, #tpu.memory_space<semaphore_mem>>)
          %dma_wait3A = arith.constant 0 : i32
          %dma_wait3A_35 = tpu.memref_slice %arg8[%while3A_29, %dma_wait3A] : memref<81x128xi32, #tpu.memory_space<vmem>> -> memref<1x128xi32, #tpu.memory_space<vmem>>
          %dma_wait3A_36 = tpu.memref_squeeze %dma_wait3A_35 : memref<1x128xi32, #tpu.memory_space<vmem>> -> memref<128xi32, #tpu.memory_space<vmem>>
          %dma_wait3A_37 = arith.constant 0 : i32
          %dma_wait3A_38 = arith.constant 0 : i32
          %dma_wait3A_39 = tpu.memref_slice %arg3[%dma_wait3A_37, %dma_wait3A_38] : memref<10000x128xf32, #tpu.memory_space<hbm>> -> memref<10000x128xf32, #tpu.memory_space<hbm>>
          tpu.wait_indirect_dma semaphore(%run_scoped3A : memref<!tpu.dma_semaphore, #tpu.memory_space<semaphore_mem>>) src(%dma_wait3A_39 : memref<10000x128xf32, #tpu.memory_space<hbm>>) dst(%arg10 : memref<128x128xf32, #tpu.memory_space<vmem>>)
          tpu.yield
        }) : () -> ()
        "tpu.region"() ({
          %run_scoped3A = tpu.sem_alloc : memref<!tpu.dma_semaphore, #tpu.memory_space<semaphore_mem>>
          %dma_start3A = arith.constant 0 : i32
          %dma_start3A_30 = tpu.memref_slice %arg9[%while3A_29, %dma_start3A] : memref<81x128xi32, #tpu.memory_space<vmem>> -> memref<1x128xi32, #tpu.memory_space<vmem>>
          %dma_start3A_31 = tpu.memref_squeeze %dma_start3A_30 : memref<1x128xi32, #tpu.memory_space<vmem>> -> memref<128xi32, #tpu.memory_space<vmem>>
          %dma_start3A_32 = arith.constant 0 : i32
          %dma_start3A_33 = arith.constant 0 : i32
          %dma_start3A_34 = tpu.memref_slice %arg11[%dma_start3A_32, %dma_start3A_33] : memref<10240x128xf32, #tpu.memory_space<vmem_shared>> -> memref<10240x128xf32, #tpu.memory_space<vmem_shared>>
          tpu.enqueue_indirect_dma source(%arg10 : memref<128x128xf32, #tpu.memory_space<vmem>>) target(%dma_start3A_34 : memref<10240x128xf32, #tpu.memory_space<vmem_shared>>) offsets(%dma_start3A_31 : memref<128xi32, #tpu.memory_space<vmem>>) semaphore(%run_scoped3A : memref<!tpu.dma_semaphore, #tpu.memory_space<semaphore_mem>>) {add = true}
          %dma_wait3A = arith.constant 0 : i32
          %dma_wait3A_35 = tpu.memref_slice %arg9[%while3A_29, %dma_wait3A] : memref<81x128xi32, #tpu.memory_space<vmem>> -> memref<1x128xi32, #tpu.memory_space<vmem>>
          %dma_wait3A_36 = tpu.memref_squeeze %dma_wait3A_35 : memref<1x128xi32, #tpu.memory_space<vmem>> -> memref<128xi32, #tpu.memory_space<vmem>>
          %dma_wait3A_37 = arith.constant 0 : i32
          %dma_wait3A_38 = arith.constant 0 : i32
          %dma_wait3A_39 = tpu.memref_slice %arg11[%dma_wait3A_37, %dma_wait3A_38] : memref<10240x128xf32, #tpu.memory_space<vmem_shared>> -> memref<10240x128xf32, #tpu.memory_space<vmem_shared>>
          tpu.wait_indirect_dma semaphore(%run_scoped3A : memref<!tpu.dma_semaphore, #tpu.memory_space<semaphore_mem>>) src(%arg10 : memref<128x128xf32, #tpu.memory_space<vmem>>) dst(%dma_wait3A_39 : memref<10240x128xf32, #tpu.memory_space<vmem_shared>>)
          tpu.yield
        }) : () -> ()
      }
    } else {
    }
    %eq3A_10 = arith.constant 1 : i32
    %eq3A_11 = arith.cmpi eq, %arg0, %eq3A_10 : i32
    %convert_element_type3A_12 = arith.extui %eq3A_11 : i1 to i32
    %cond3A_13 = arith.constant 0 : i32
    %cond3A_14 = arith.cmpi ne, %convert_element_type3A_12, %cond3A_13 : i32
    scf.if %cond3A_14 {
      %while3A = arith.constant 0 : i32
      %while3A_20 = arith.constant 0 : i32
      %while3A_21 = arith.subi %select_n3A, %while3A_20 : i32
      %while3A_22 = arith.addi %while3A_20, %while3A_21 : i32
      %while3A_23 = arith.constant 1 : i32
      %while3A_24 = arith.divsi %while3A_21, %while3A_23 : i32
      %while3A_25 = arith.muli %while3A_24, %while3A_23 : i32
      %while3A_26 = arith.addi %while3A_20, %while3A_25 : i32
      %while3A_27 = arith.constant 1 : i32
      scf.for %while3A_29 = %while3A_20 to %while3A_26 step %while3A_27  : i32 {
        "tpu.region"() ({
          %run_scoped3A = tpu.sem_alloc : memref<!tpu.dma_semaphore, #tpu.memory_space<semaphore_mem>>
          %dma_start3A = arith.constant 0 : i32
          %dma_start3A_30 = tpu.memref_slice %arg8[%while3A_29, %dma_start3A] : memref<81x128xi32, #tpu.memory_space<vmem>> -> memref<1x128xi32, #tpu.memory_space<vmem>>
          %dma_start3A_31 = tpu.memref_squeeze %dma_start3A_30 : memref<1x128xi32, #tpu.memory_space<vmem>> -> memref<128xi32, #tpu.memory_space<vmem>>
          %dma_start3A_32 = arith.constant 0 : i32
          %dma_start3A_33 = arith.constant 0 : i32
          %dma_start3A_34 = tpu.memref_slice %arg2[%dma_start3A_32, %dma_start3A_33] : memref<10000x128xf32, #tpu.memory_space<hbm>> -> memref<10000x128xf32, #tpu.memory_space<hbm>>
          tpu.enqueue_indirect_dma source(%dma_start3A_34 : memref<10000x128xf32, #tpu.memory_space<hbm>>) target(%arg10 : memref<128x128xf32, #tpu.memory_space<vmem>>) offsets(%dma_start3A_31 : memref<128xi32, #tpu.memory_space<vmem>>) semaphore(%run_scoped3A : memref<!tpu.dma_semaphore, #tpu.memory_space<semaphore_mem>>)
          %dma_wait3A = arith.constant 0 : i32
          %dma_wait3A_35 = tpu.memref_slice %arg8[%while3A_29, %dma_wait3A] : memref<81x128xi32, #tpu.memory_space<vmem>> -> memref<1x128xi32, #tpu.memory_space<vmem>>
          %dma_wait3A_36 = tpu.memref_squeeze %dma_wait3A_35 : memref<1x128xi32, #tpu.memory_space<vmem>> -> memref<128xi32, #tpu.memory_space<vmem>>
          %dma_wait3A_37 = arith.constant 0 : i32
          %dma_wait3A_38 = arith.constant 0 : i32
          %dma_wait3A_39 = tpu.memref_slice %arg2[%dma_wait3A_37, %dma_wait3A_38] : memref<10000x128xf32, #tpu.memory_space<hbm>> -> memref<10000x128xf32, #tpu.memory_space<hbm>>
          tpu.wait_indirect_dma semaphore(%run_scoped3A : memref<!tpu.dma_semaphore, #tpu.memory_space<semaphore_mem>>) src(%dma_wait3A_39 : memref<10000x128xf32, #tpu.memory_space<hbm>>) dst(%arg10 : memref<128x128xf32, #tpu.memory_space<vmem>>)
          tpu.yield
        }) : () -> ()
        "tpu.region"() ({
          %run_scoped3A = tpu.sem_alloc : memref<!tpu.dma_semaphore, #tpu.memory_space<semaphore_mem>>
          %dma_start3A = arith.constant 0 : i32
          %dma_start3A_30 = tpu.memref_slice %arg9[%while3A_29, %dma_start3A] : memref<81x128xi32, #tpu.memory_space<vmem>> -> memref<1x128xi32, #tpu.memory_space<vmem>>
          %dma_start3A_31 = tpu.memref_squeeze %dma_start3A_30 : memref<1x128xi32, #tpu.memory_space<vmem>> -> memref<128xi32, #tpu.memory_space<vmem>>
          %dma_start3A_32 = arith.constant 0 : i32
          %dma_start3A_33 = arith.constant 0 : i32
          %dma_start3A_34 = tpu.memref_slice %arg11[%dma_start3A_32, %dma_start3A_33] : memref<10240x128xf32, #tpu.memory_space<vmem_shared>> -> memref<10240x128xf32, #tpu.memory_space<vmem_shared>>
          tpu.enqueue_indirect_dma source(%arg10 : memref<128x128xf32, #tpu.memory_space<vmem>>) target(%dma_start3A_34 : memref<10240x128xf32, #tpu.memory_space<vmem_shared>>) offsets(%dma_start3A_31 : memref<128xi32, #tpu.memory_space<vmem>>) semaphore(%run_scoped3A : memref<!tpu.dma_semaphore, #tpu.memory_space<semaphore_mem>>) {add = true}
          %dma_wait3A = arith.constant 0 : i32
          %dma_wait3A_35 = tpu.memref_slice %arg9[%while3A_29, %dma_wait3A] : memref<81x128xi32, #tpu.memory_space<vmem>> -> memref<1x128xi32, #tpu.memory_space<vmem>>
          %dma_wait3A_36 = tpu.memref_squeeze %dma_wait3A_35 : memref<1x128xi32, #tpu.memory_space<vmem>> -> memref<128xi32, #tpu.memory_space<vmem>>
          %dma_wait3A_37 = arith.constant 0 : i32
          %dma_wait3A_38 = arith.constant 0 : i32
          %dma_wait3A_39 = tpu.memref_slice %arg11[%dma_wait3A_37, %dma_wait3A_38] : memref<10240x128xf32, #tpu.memory_space<vmem_shared>> -> memref<10240x128xf32, #tpu.memory_space<vmem_shared>>
          tpu.wait_indirect_dma semaphore(%run_scoped3A : memref<!tpu.dma_semaphore, #tpu.memory_space<semaphore_mem>>) src(%arg10 : memref<128x128xf32, #tpu.memory_space<vmem>>) dst(%dma_wait3A_39 : memref<10240x128xf32, #tpu.memory_space<vmem_shared>>)
          tpu.yield
        }) : () -> ()
      }
      %while3A_28 = arith.constant 1 : i32
      scf.for %while3A_29 = %while3A_26 to %while3A_22 step %while3A_28  : i32 {
        "tpu.region"() ({
          %run_scoped3A = tpu.sem_alloc : memref<!tpu.dma_semaphore, #tpu.memory_space<semaphore_mem>>
          %dma_start3A = arith.constant 0 : i32
          %dma_start3A_30 = tpu.memref_slice %arg8[%while3A_29, %dma_start3A] : memref<81x128xi32, #tpu.memory_space<vmem>> -> memref<1x128xi32, #tpu.memory_space<vmem>>
          %dma_start3A_31 = tpu.memref_squeeze %dma_start3A_30 : memref<1x128xi32, #tpu.memory_space<vmem>> -> memref<128xi32, #tpu.memory_space<vmem>>
          %dma_start3A_32 = arith.constant 0 : i32
          %dma_start3A_33 = arith.constant 0 : i32
          %dma_start3A_34 = tpu.memref_slice %arg2[%dma_start3A_32, %dma_start3A_33] : memref<10000x128xf32, #tpu.memory_space<hbm>> -> memref<10000x128xf32, #tpu.memory_space<hbm>>
          tpu.enqueue_indirect_dma source(%dma_start3A_34 : memref<10000x128xf32, #tpu.memory_space<hbm>>) target(%arg10 : memref<128x128xf32, #tpu.memory_space<vmem>>) offsets(%dma_start3A_31 : memref<128xi32, #tpu.memory_space<vmem>>) semaphore(%run_scoped3A : memref<!tpu.dma_semaphore, #tpu.memory_space<semaphore_mem>>)
          %dma_wait3A = arith.constant 0 : i32
          %dma_wait3A_35 = tpu.memref_slice %arg8[%while3A_29, %dma_wait3A] : memref<81x128xi32, #tpu.memory_space<vmem>> -> memref<1x128xi32, #tpu.memory_space<vmem>>
          %dma_wait3A_36 = tpu.memref_squeeze %dma_wait3A_35 : memref<1x128xi32, #tpu.memory_space<vmem>> -> memref<128xi32, #tpu.memory_space<vmem>>
          %dma_wait3A_37 = arith.constant 0 : i32
          %dma_wait3A_38 = arith.constant 0 : i32
          %dma_wait3A_39 = tpu.memref_slice %arg2[%dma_wait3A_37, %dma_wait3A_38] : memref<10000x128xf32, #tpu.memory_space<hbm>> -> memref<10000x128xf32, #tpu.memory_space<hbm>>
          tpu.wait_indirect_dma semaphore(%run_scoped3A : memref<!tpu.dma_semaphore, #tpu.memory_space<semaphore_mem>>) src(%dma_wait3A_39 : memref<10000x128xf32, #tpu.memory_space<hbm>>) dst(%arg10 : memref<128x128xf32, #tpu.memory_space<vmem>>)
          tpu.yield
        }) : () -> ()
        "tpu.region"() ({
          %run_scoped3A = tpu.sem_alloc : memref<!tpu.dma_semaphore, #tpu.memory_space<semaphore_mem>>
          %dma_start3A = arith.constant 0 : i32
          %dma_start3A_30 = tpu.memref_slice %arg9[%while3A_29, %dma_start3A] : memref<81x128xi32, #tpu.memory_space<vmem>> -> memref<1x128xi32, #tpu.memory_space<vmem>>
          %dma_start3A_31 = tpu.memref_squeeze %dma_start3A_30 : memref<1x128xi32, #tpu.memory_space<vmem>> -> memref<128xi32, #tpu.memory_space<vmem>>
          %dma_start3A_32 = arith.constant 0 : i32
          %dma_start3A_33 = arith.constant 0 : i32
          %dma_start3A_34 = tpu.memref_slice %arg11[%dma_start3A_32, %dma_start3A_33] : memref<10240x128xf32, #tpu.memory_space<vmem_shared>> -> memref<10240x128xf32, #tpu.memory_space<vmem_shared>>
          tpu.enqueue_indirect_dma source(%arg10 : memref<128x128xf32, #tpu.memory_space<vmem>>) target(%dma_start3A_34 : memref<10240x128xf32, #tpu.memory_space<vmem_shared>>) offsets(%dma_start3A_31 : memref<128xi32, #tpu.memory_space<vmem>>) semaphore(%run_scoped3A : memref<!tpu.dma_semaphore, #tpu.memory_space<semaphore_mem>>) {add = true}
          %dma_wait3A = arith.constant 0 : i32
          %dma_wait3A_35 = tpu.memref_slice %arg9[%while3A_29, %dma_wait3A] : memref<81x128xi32, #tpu.memory_space<vmem>> -> memref<1x128xi32, #tpu.memory_space<vmem>>
          %dma_wait3A_36 = tpu.memref_squeeze %dma_wait3A_35 : memref<1x128xi32, #tpu.memory_space<vmem>> -> memref<128xi32, #tpu.memory_space<vmem>>
          %dma_wait3A_37 = arith.constant 0 : i32
          %dma_wait3A_38 = arith.constant 0 : i32
          %dma_wait3A_39 = tpu.memref_slice %arg11[%dma_wait3A_37, %dma_wait3A_38] : memref<10240x128xf32, #tpu.memory_space<vmem_shared>> -> memref<10240x128xf32, #tpu.memory_space<vmem_shared>>
          tpu.wait_indirect_dma semaphore(%run_scoped3A : memref<!tpu.dma_semaphore, #tpu.memory_space<semaphore_mem>>) src(%arg10 : memref<128x128xf32, #tpu.memory_space<vmem>>) dst(%dma_wait3A_39 : memref<10240x128xf32, #tpu.memory_space<vmem_shared>>)
          tpu.yield
        }) : () -> ()
      }
    } else {
    }
    %barrier3A_15 = arith.constant 0 : index
    tpu.barrier barrier_id(%barrier3A_15)
    %mul3A_16 = arith.constant 640 : i32
    %mul3A_17 = arith.muli %arg1, %mul3A_16 : i32
    %mul3A_18 = arith.constant 640 : i32
    %mul3A_19 = arith.muli %arg1, %mul3A_18 : i32
    "tpu.region"() ({
      %run_scoped3A = tpu.sem_alloc : memref<!tpu.dma_semaphore, #tpu.memory_space<semaphore_mem>>
      %dma_start3A = arith.constant 0 : i32
      %dma_start3A_20 = tpu.memref_slice %arg7[%arg0, %mul3A_19, %dma_start3A] : memref<2x10240x128xf32, #tpu.memory_space<hbm>> -> memref<1x640x128xf32, #tpu.memory_space<hbm>>
      %dma_start3A_21 = tpu.memref_squeeze %dma_start3A_20 : memref<1x640x128xf32, #tpu.memory_space<hbm>> -> memref<640x128xf32, #tpu.memory_space<hbm>>
      %dma_start3A_22 = arith.constant 0 : i32
      %dma_start3A_23 = tpu.memref_slice %arg11[%mul3A_17, %dma_start3A_22] : memref<10240x128xf32, #tpu.memory_space<vmem_shared>> -> memref<640x128xf32, #tpu.memory_space<vmem_shared>>
      tpu.enqueue_dma source(%dma_start3A_23 : memref<640x128xf32, #tpu.memory_space<vmem_shared>>) target(%dma_start3A_21 : memref<640x128xf32, #tpu.memory_space<hbm>>) target_semaphore(%run_scoped3A : memref<!tpu.dma_semaphore, #tpu.memory_space<semaphore_mem>>)
      %dma_wait3A = arith.constant 0 : i32
      %dma_wait3A_24 = tpu.memref_slice %arg7[%arg0, %mul3A_19, %dma_wait3A] : memref<2x10240x128xf32, #tpu.memory_space<hbm>> -> memref<1x640x128xf32, #tpu.memory_space<hbm>>
      %dma_wait3A_25 = tpu.memref_squeeze %dma_wait3A_24 : memref<1x640x128xf32, #tpu.memory_space<hbm>> -> memref<640x128xf32, #tpu.memory_space<hbm>>
      %dma_wait3A_26 = arith.constant 0 : i32
      %dma_wait3A_27 = tpu.memref_slice %arg11[%mul3A_17, %dma_wait3A_26] : memref<10240x128xf32, #tpu.memory_space<vmem_shared>> -> memref<640x128xf32, #tpu.memory_space<vmem_shared>>
      tpu.wait_dma2 semaphore(%run_scoped3A : memref<!tpu.dma_semaphore, #tpu.memory_space<semaphore_mem>>) src(%dma_wait3A_27 : memref<640x128xf32, #tpu.memory_space<vmem_shared>>) dst(%dma_wait3A_25 : memref<640x128xf32, #tpu.memory_space<hbm>>)
      tpu.yield
    }) : () -> ()
    return
  }
}

#map = affine_map<(d0, d1) -> (0, 0)>
#map1 = affine_map<(d0, d1) -> (0, 0, 0)>
module attributes {stable_mosaic.version = 14 : i64} {
  func.func @_agg_body(%arg0: i32, %arg1: i32, %arg2: memref<10000x128xf32, #tpu.memory_space<hbm>>, %arg3: memref<10000x128xf32, #tpu.memory_space<hbm>>, %arg4: memref<32x81x128xi32, #tpu.memory_space<hbm>>, %arg5: memref<32x81x128xi32, #tpu.memory_space<hbm>>, %arg6: memref<10240x128xf32, #tpu.memory_space<hbm>>, %arg7: memref<2x10240x128xf32, #tpu.memory_space<hbm>>, %arg8: memref<81x128xi32, #tpu.memory_space<vmem>>, %arg9: memref<81x128xi32, #tpu.memory_space<vmem>>, %arg10: memref<128x128xf32, #tpu.memory_space<vmem>>, %arg11: memref<10240x128xf32, #tpu.memory_space<vmem_shared>>) attributes {dimension_semantics = [#tpu.dimension_semantics<core_parallel>, #tpu.dimension_semantics<subcore_parallel>], iteration_bounds = array<i64: 2, 16>, scalar_prefetch = 0 : i64, scratch_operands = 4 : i64, tpu.core_type = #tpu.core_type<sc_vector_subcore>, window_params = [{transform_indices = #map}, {transform_indices = #map}, {transform_indices = #map1}, {transform_indices = #map1}, {transform_indices = #map}, {transform_indices = #map1}]} {
    %mul3A = arith.constant 16 : i32
    %mul3A_0 = arith.muli %arg0, %mul3A : i32
    %add3A = arith.addi %mul3A_0, %arg1 : i32
    %eq3A = arith.constant 0 : i32
    %eq3A_1 = arith.cmpi eq, %arg0, %eq3A : i32
    %jit3A = arith.constant 81 : i32
    %jit3A_2 = arith.constant 81 : i32
    %select_n3A = arith.select %eq3A_1, %jit3A, %jit3A_2 : i32
    "tpu.region"() ({
      %run_scoped3A = tpu.sem_alloc : memref<!tpu.dma_semaphore, #tpu.memory_space<semaphore_mem>>
      %dma_start3A = arith.constant 0 : i32
      %dma_start3A_20 = arith.constant 0 : i32
      %dma_start3A_21 = tpu.memref_slice %arg4[%add3A, %dma_start3A, %dma_start3A_20] : memref<32x81x128xi32, #tpu.memory_space<hbm>> -> memref<1x81x128xi32, #tpu.memory_space<hbm>>
      %dma_start3A_22 = tpu.memref_squeeze %dma_start3A_21 : memref<1x81x128xi32, #tpu.memory_space<hbm>> -> memref<81x128xi32, #tpu.memory_space<hbm>>
      %dma_start3A_23 = arith.constant 0 : i32
      %dma_start3A_24 = arith.constant 0 : i32
      %dma_start3A_25 = tpu.memref_slice %arg4[%add3A, %dma_start3A_23, %dma_start3A_24] : memref<32x81x128xi32, #tpu.memory_space<hbm>> -> memref<1x81x128xi32, #tpu.memory_space<hbm>>
      %dma_start3A_26 = tpu.memref_squeeze %dma_start3A_25 : memref<1x81x128xi32, #tpu.memory_space<hbm>> -> memref<81x128xi32, #tpu.memory_space<hbm>>
      tpu.enqueue_dma source(%dma_start3A_26 : memref<81x128xi32, #tpu.memory_space<hbm>>) target(%arg8 : memref<81x128xi32, #tpu.memory_space<vmem>>) target_semaphore(%run_scoped3A : memref<!tpu.dma_semaphore, #tpu.memory_space<semaphore_mem>>)
      %dma_wait3A = arith.constant 0 : i32
      %dma_wait3A_27 = arith.constant 0 : i32
      %dma_wait3A_28 = tpu.memref_slice %arg4[%add3A, %dma_wait3A, %dma_wait3A_27] : memref<32x81x128xi32, #tpu.memory_space<hbm>> -> memref<1x81x128xi32, #tpu.memory_space<hbm>>
      %dma_wait3A_29 = tpu.memref_squeeze %dma_wait3A_28 : memref<1x81x128xi32, #tpu.memory_space<hbm>> -> memref<81x128xi32, #tpu.memory_space<hbm>>
      %dma_wait3A_30 = arith.constant 0 : i32
      %dma_wait3A_31 = arith.constant 0 : i32
      %dma_wait3A_32 = tpu.memref_slice %arg4[%add3A, %dma_wait3A_30, %dma_wait3A_31] : memref<32x81x128xi32, #tpu.memory_space<hbm>> -> memref<1x81x128xi32, #tpu.memory_space<hbm>>
      %dma_wait3A_33 = tpu.memref_squeeze %dma_wait3A_32 : memref<1x81x128xi32, #tpu.memory_space<hbm>> -> memref<81x128xi32, #tpu.memory_space<hbm>>
      tpu.wait_dma2 semaphore(%run_scoped3A : memref<!tpu.dma_semaphore, #tpu.memory_space<semaphore_mem>>) src(%dma_wait3A_33 : memref<81x128xi32, #tpu.memory_space<hbm>>) dst(%arg8 : memref<81x128xi32, #tpu.memory_space<vmem>>)
      tpu.yield
    }) : () -> ()
    "tpu.region"() ({
      %run_scoped3A = tpu.sem_alloc : memref<!tpu.dma_semaphore, #tpu.memory_space<semaphore_mem>>
      %dma_start3A = arith.constant 0 : i32
      %dma_start3A_20 = arith.constant 0 : i32
      %dma_start3A_21 = tpu.memref_slice %arg5[%add3A, %dma_start3A, %dma_start3A_20] : memref<32x81x128xi32, #tpu.memory_space<hbm>> -> memref<1x81x128xi32, #tpu.memory_space<hbm>>
      %dma_start3A_22 = tpu.memref_squeeze %dma_start3A_21 : memref<1x81x128xi32, #tpu.memory_space<hbm>> -> memref<81x128xi32, #tpu.memory_space<hbm>>
      %dma_start3A_23 = arith.constant 0 : i32
      %dma_start3A_24 = arith.constant 0 : i32
      %dma_start3A_25 = tpu.memref_slice %arg5[%add3A, %dma_start3A_23, %dma_start3A_24] : memref<32x81x128xi32, #tpu.memory_space<hbm>> -> memref<1x81x128xi32, #tpu.memory_space<hbm>>
      %dma_start3A_26 = tpu.memref_squeeze %dma_start3A_25 : memref<1x81x128xi32, #tpu.memory_space<hbm>> -> memref<81x128xi32, #tpu.memory_space<hbm>>
      tpu.enqueue_dma source(%dma_start3A_26 : memref<81x128xi32, #tpu.memory_space<hbm>>) target(%arg9 : memref<81x128xi32, #tpu.memory_space<vmem>>) target_semaphore(%run_scoped3A : memref<!tpu.dma_semaphore, #tpu.memory_space<semaphore_mem>>)
      %dma_wait3A = arith.constant 0 : i32
      %dma_wait3A_27 = arith.constant 0 : i32
      %dma_wait3A_28 = tpu.memref_slice %arg5[%add3A, %dma_wait3A, %dma_wait3A_27] : memref<32x81x128xi32, #tpu.memory_space<hbm>> -> memref<1x81x128xi32, #tpu.memory_space<hbm>>
      %dma_wait3A_29 = tpu.memref_squeeze %dma_wait3A_28 : memref<1x81x128xi32, #tpu.memory_space<hbm>> -> memref<81x128xi32, #tpu.memory_space<hbm>>
      %dma_wait3A_30 = arith.constant 0 : i32
      %dma_wait3A_31 = arith.constant 0 : i32
      %dma_wait3A_32 = tpu.memref_slice %arg5[%add3A, %dma_wait3A_30, %dma_wait3A_31] : memref<32x81x128xi32, #tpu.memory_space<hbm>> -> memref<1x81x128xi32, #tpu.memory_space<hbm>>
      %dma_wait3A_33 = tpu.memref_squeeze %dma_wait3A_32 : memref<1x81x128xi32, #tpu.memory_space<hbm>> -> memref<81x128xi32, #tpu.memory_space<hbm>>
      tpu.wait_dma2 semaphore(%run_scoped3A : memref<!tpu.dma_semaphore, #tpu.memory_space<semaphore_mem>>) src(%dma_wait3A_33 : memref<81x128xi32, #tpu.memory_space<hbm>>) dst(%arg9 : memref<81x128xi32, #tpu.memory_space<vmem>>)
      tpu.yield
    }) : () -> ()
    %mul3A_3 = arith.constant 640 : i32
    %mul3A_4 = arith.muli %arg1, %mul3A_3 : i32
    %mul3A_5 = arith.constant 640 : i32
    %mul3A_6 = arith.muli %arg1, %mul3A_5 : i32
    "tpu.region"() ({
      %run_scoped3A = tpu.sem_alloc : memref<!tpu.dma_semaphore, #tpu.memory_space<semaphore_mem>>
      %dma_start3A = arith.constant 0 : i32
      %dma_start3A_20 = tpu.memref_slice %arg11[%mul3A_6, %dma_start3A] : memref<10240x128xf32, #tpu.memory_space<vmem_shared>> -> memref<640x128xf32, #tpu.memory_space<vmem_shared>>
      %dma_start3A_21 = arith.constant 0 : i32
      %dma_start3A_22 = tpu.memref_slice %arg6[%mul3A_4, %dma_start3A_21] : memref<10240x128xf32, #tpu.memory_space<hbm>> -> memref<640x128xf32, #tpu.memory_space<hbm>>
      tpu.enqueue_dma source(%dma_start3A_22 : memref<640x128xf32, #tpu.memory_space<hbm>>) target(%dma_start3A_20 : memref<640x128xf32, #tpu.memory_space<vmem_shared>>) target_semaphore(%run_scoped3A : memref<!tpu.dma_semaphore, #tpu.memory_space<semaphore_mem>>)
      %dma_wait3A = arith.constant 0 : i32
      %dma_wait3A_23 = tpu.memref_slice %arg11[%mul3A_6, %dma_wait3A] : memref<10240x128xf32, #tpu.memory_space<vmem_shared>> -> memref<640x128xf32, #tpu.memory_space<vmem_shared>>
      %dma_wait3A_24 = arith.constant 0 : i32
      %dma_wait3A_25 = tpu.memref_slice %arg6[%mul3A_4, %dma_wait3A_24] : memref<10240x128xf32, #tpu.memory_space<hbm>> -> memref<640x128xf32, #tpu.memory_space<hbm>>
      tpu.wait_dma2 semaphore(%run_scoped3A : memref<!tpu.dma_semaphore, #tpu.memory_space<semaphore_mem>>) src(%dma_wait3A_25 : memref<640x128xf32, #tpu.memory_space<hbm>>) dst(%dma_wait3A_23 : memref<640x128xf32, #tpu.memory_space<vmem_shared>>)
      tpu.yield
    }) : () -> ()
    %barrier3A = arith.constant 0 : index
    tpu.barrier barrier_id(%barrier3A)
    %eq3A_7 = arith.constant 0 : i32
    %eq3A_8 = arith.cmpi eq, %arg0, %eq3A_7 : i32
    %convert_element_type3A = arith.extui %eq3A_8 : i1 to i32
    %cond3A = arith.constant 0 : i32
    %cond3A_9 = arith.cmpi ne, %convert_element_type3A, %cond3A : i32
    scf.if %cond3A_9 {
      %while3A = arith.constant 0 : i32
      %while3A_20 = arith.constant 0 : i32
      %while3A_21 = arith.subi %select_n3A, %while3A_20 : i32
      %while3A_22 = arith.addi %while3A_20, %while3A_21 : i32
      %while3A_23 = arith.constant 1 : i32
      %while3A_24 = arith.divsi %while3A_21, %while3A_23 : i32
      %while3A_25 = arith.muli %while3A_24, %while3A_23 : i32
      %while3A_26 = arith.addi %while3A_20, %while3A_25 : i32
      %while3A_27 = arith.constant 1 : i32
      scf.for %while3A_29 = %while3A_20 to %while3A_26 step %while3A_27  : i32 {
        "tpu.region"() ({
          %run_scoped3A = tpu.sem_alloc : memref<!tpu.dma_semaphore, #tpu.memory_space<semaphore_mem>>
          %dma_start3A = arith.constant 0 : i32
          %dma_start3A_30 = tpu.memref_slice %arg8[%while3A_29, %dma_start3A] : memref<81x128xi32, #tpu.memory_space<vmem>> -> memref<1x128xi32, #tpu.memory_space<vmem>>
          %dma_start3A_31 = tpu.memref_squeeze %dma_start3A_30 : memref<1x128xi32, #tpu.memory_space<vmem>> -> memref<128xi32, #tpu.memory_space<vmem>>
          %dma_start3A_32 = arith.constant 0 : i32
          %dma_start3A_33 = arith.constant 0 : i32
          %dma_start3A_34 = tpu.memref_slice %arg3[%dma_start3A_32, %dma_start3A_33] : memref<10000x128xf32, #tpu.memory_space<hbm>> -> memref<10000x128xf32, #tpu.memory_space<hbm>>
          tpu.enqueue_indirect_dma source(%dma_start3A_34 : memref<10000x128xf32, #tpu.memory_space<hbm>>) target(%arg10 : memref<128x128xf32, #tpu.memory_space<vmem>>) offsets(%dma_start3A_31 : memref<128xi32, #tpu.memory_space<vmem>>) semaphore(%run_scoped3A : memref<!tpu.dma_semaphore, #tpu.memory_space<semaphore_mem>>)
          %dma_wait3A = arith.constant 0 : i32
          %dma_wait3A_35 = tpu.memref_slice %arg8[%while3A_29, %dma_wait3A] : memref<81x128xi32, #tpu.memory_space<vmem>> -> memref<1x128xi32, #tpu.memory_space<vmem>>
          %dma_wait3A_36 = tpu.memref_squeeze %dma_wait3A_35 : memref<1x128xi32, #tpu.memory_space<vmem>> -> memref<128xi32, #tpu.memory_space<vmem>>
          %dma_wait3A_37 = arith.constant 0 : i32
          %dma_wait3A_38 = arith.constant 0 : i32
          %dma_wait3A_39 = tpu.memref_slice %arg3[%dma_wait3A_37, %dma_wait3A_38] : memref<10000x128xf32, #tpu.memory_space<hbm>> -> memref<10000x128xf32, #tpu.memory_space<hbm>>
          tpu.wait_indirect_dma semaphore(%run_scoped3A : memref<!tpu.dma_semaphore, #tpu.memory_space<semaphore_mem>>) src(%dma_wait3A_39 : memref<10000x128xf32, #tpu.memory_space<hbm>>) dst(%arg10 : memref<128x128xf32, #tpu.memory_space<vmem>>)
          tpu.yield
        }) : () -> ()
        "tpu.region"() ({
          %run_scoped3A = tpu.sem_alloc : memref<!tpu.dma_semaphore, #tpu.memory_space<semaphore_mem>>
          %dma_start3A = arith.constant 0 : i32
          %dma_start3A_30 = tpu.memref_slice %arg9[%while3A_29, %dma_start3A] : memref<81x128xi32, #tpu.memory_space<vmem>> -> memref<1x128xi32, #tpu.memory_space<vmem>>
          %dma_start3A_31 = tpu.memref_squeeze %dma_start3A_30 : memref<1x128xi32, #tpu.memory_space<vmem>> -> memref<128xi32, #tpu.memory_space<vmem>>
          %dma_start3A_32 = arith.constant 0 : i32
          %dma_start3A_33 = arith.constant 0 : i32
          %dma_start3A_34 = tpu.memref_slice %arg11[%dma_start3A_32, %dma_start3A_33] : memref<10240x128xf32, #tpu.memory_space<vmem_shared>> -> memref<10240x128xf32, #tpu.memory_space<vmem_shared>>
          tpu.enqueue_indirect_dma source(%arg10 : memref<128x128xf32, #tpu.memory_space<vmem>>) target(%dma_start3A_34 : memref<10240x128xf32, #tpu.memory_space<vmem_shared>>) offsets(%dma_start3A_31 : memref<128xi32, #tpu.memory_space<vmem>>) semaphore(%run_scoped3A : memref<!tpu.dma_semaphore, #tpu.memory_space<semaphore_mem>>) {add = true}
          %dma_wait3A = arith.constant 0 : i32
          %dma_wait3A_35 = tpu.memref_slice %arg9[%while3A_29, %dma_wait3A] : memref<81x128xi32, #tpu.memory_space<vmem>> -> memref<1x128xi32, #tpu.memory_space<vmem>>
          %dma_wait3A_36 = tpu.memref_squeeze %dma_wait3A_35 : memref<1x128xi32, #tpu.memory_space<vmem>> -> memref<128xi32, #tpu.memory_space<vmem>>
          %dma_wait3A_37 = arith.constant 0 : i32
          %dma_wait3A_38 = arith.constant 0 : i32
          %dma_wait3A_39 = tpu.memref_slice %arg11[%dma_wait3A_37, %dma_wait3A_38] : memref<10240x128xf32, #tpu.memory_space<vmem_shared>> -> memref<10240x128xf32, #tpu.memory_space<vmem_shared>>
          tpu.wait_indirect_dma semaphore(%run_scoped3A : memref<!tpu.dma_semaphore, #tpu.memory_space<semaphore_mem>>) src(%arg10 : memref<128x128xf32, #tpu.memory_space<vmem>>) dst(%dma_wait3A_39 : memref<10240x128xf32, #tpu.memory_space<vmem_shared>>)
          tpu.yield
        }) : () -> ()
      }
      %while3A_28 = arith.constant 1 : i32
      scf.for %while3A_29 = %while3A_26 to %while3A_22 step %while3A_28  : i32 {
        "tpu.region"() ({
          %run_scoped3A = tpu.sem_alloc : memref<!tpu.dma_semaphore, #tpu.memory_space<semaphore_mem>>
          %dma_start3A = arith.constant 0 : i32
          %dma_start3A_30 = tpu.memref_slice %arg8[%while3A_29, %dma_start3A] : memref<81x128xi32, #tpu.memory_space<vmem>> -> memref<1x128xi32, #tpu.memory_space<vmem>>
          %dma_start3A_31 = tpu.memref_squeeze %dma_start3A_30 : memref<1x128xi32, #tpu.memory_space<vmem>> -> memref<128xi32, #tpu.memory_space<vmem>>
          %dma_start3A_32 = arith.constant 0 : i32
          %dma_start3A_33 = arith.constant 0 : i32
          %dma_start3A_34 = tpu.memref_slice %arg3[%dma_start3A_32, %dma_start3A_33] : memref<10000x128xf32, #tpu.memory_space<hbm>> -> memref<10000x128xf32, #tpu.memory_space<hbm>>
          tpu.enqueue_indirect_dma source(%dma_start3A_34 : memref<10000x128xf32, #tpu.memory_space<hbm>>) target(%arg10 : memref<128x128xf32, #tpu.memory_space<vmem>>) offsets(%dma_start3A_31 : memref<128xi32, #tpu.memory_space<vmem>>) semaphore(%run_scoped3A : memref<!tpu.dma_semaphore, #tpu.memory_space<semaphore_mem>>)
          %dma_wait3A = arith.constant 0 : i32
          %dma_wait3A_35 = tpu.memref_slice %arg8[%while3A_29, %dma_wait3A] : memref<81x128xi32, #tpu.memory_space<vmem>> -> memref<1x128xi32, #tpu.memory_space<vmem>>
          %dma_wait3A_36 = tpu.memref_squeeze %dma_wait3A_35 : memref<1x128xi32, #tpu.memory_space<vmem>> -> memref<128xi32, #tpu.memory_space<vmem>>
          %dma_wait3A_37 = arith.constant 0 : i32
          %dma_wait3A_38 = arith.constant 0 : i32
          %dma_wait3A_39 = tpu.memref_slice %arg3[%dma_wait3A_37, %dma_wait3A_38] : memref<10000x128xf32, #tpu.memory_space<hbm>> -> memref<10000x128xf32, #tpu.memory_space<hbm>>
          tpu.wait_indirect_dma semaphore(%run_scoped3A : memref<!tpu.dma_semaphore, #tpu.memory_space<semaphore_mem>>) src(%dma_wait3A_39 : memref<10000x128xf32, #tpu.memory_space<hbm>>) dst(%arg10 : memref<128x128xf32, #tpu.memory_space<vmem>>)
          tpu.yield
        }) : () -> ()
        "tpu.region"() ({
          %run_scoped3A = tpu.sem_alloc : memref<!tpu.dma_semaphore, #tpu.memory_space<semaphore_mem>>
          %dma_start3A = arith.constant 0 : i32
          %dma_start3A_30 = tpu.memref_slice %arg9[%while3A_29, %dma_start3A] : memref<81x128xi32, #tpu.memory_space<vmem>> -> memref<1x128xi32, #tpu.memory_space<vmem>>
          %dma_start3A_31 = tpu.memref_squeeze %dma_start3A_30 : memref<1x128xi32, #tpu.memory_space<vmem>> -> memref<128xi32, #tpu.memory_space<vmem>>
          %dma_start3A_32 = arith.constant 0 : i32
          %dma_start3A_33 = arith.constant 0 : i32
          %dma_start3A_34 = tpu.memref_slice %arg11[%dma_start3A_32, %dma_start3A_33] : memref<10240x128xf32, #tpu.memory_space<vmem_shared>> -> memref<10240x128xf32, #tpu.memory_space<vmem_shared>>
          tpu.enqueue_indirect_dma source(%arg10 : memref<128x128xf32, #tpu.memory_space<vmem>>) target(%dma_start3A_34 : memref<10240x128xf32, #tpu.memory_space<vmem_shared>>) offsets(%dma_start3A_31 : memref<128xi32, #tpu.memory_space<vmem>>) semaphore(%run_scoped3A : memref<!tpu.dma_semaphore, #tpu.memory_space<semaphore_mem>>) {add = true}
          %dma_wait3A = arith.constant 0 : i32
          %dma_wait3A_35 = tpu.memref_slice %arg9[%while3A_29, %dma_wait3A] : memref<81x128xi32, #tpu.memory_space<vmem>> -> memref<1x128xi32, #tpu.memory_space<vmem>>
          %dma_wait3A_36 = tpu.memref_squeeze %dma_wait3A_35 : memref<1x128xi32, #tpu.memory_space<vmem>> -> memref<128xi32, #tpu.memory_space<vmem>>
          %dma_wait3A_37 = arith.constant 0 : i32
          %dma_wait3A_38 = arith.constant 0 : i32
          %dma_wait3A_39 = tpu.memref_slice %arg11[%dma_wait3A_37, %dma_wait3A_38] : memref<10240x128xf32, #tpu.memory_space<vmem_shared>> -> memref<10240x128xf32, #tpu.memory_space<vmem_shared>>
          tpu.wait_indirect_dma semaphore(%run_scoped3A : memref<!tpu.dma_semaphore, #tpu.memory_space<semaphore_mem>>) src(%arg10 : memref<128x128xf32, #tpu.memory_space<vmem>>) dst(%dma_wait3A_39 : memref<10240x128xf32, #tpu.memory_space<vmem_shared>>)
          tpu.yield
        }) : () -> ()
      }
    } else {
    }
    %eq3A_10 = arith.constant 1 : i32
    %eq3A_11 = arith.cmpi eq, %arg0, %eq3A_10 : i32
    %convert_element_type3A_12 = arith.extui %eq3A_11 : i1 to i32
    %cond3A_13 = arith.constant 0 : i32
    %cond3A_14 = arith.cmpi ne, %convert_element_type3A_12, %cond3A_13 : i32
    scf.if %cond3A_14 {
      %while3A = arith.constant 0 : i32
      %while3A_20 = arith.constant 0 : i32
      %while3A_21 = arith.subi %select_n3A, %while3A_20 : i32
      %while3A_22 = arith.addi %while3A_20, %while3A_21 : i32
      %while3A_23 = arith.constant 1 : i32
      %while3A_24 = arith.divsi %while3A_21, %while3A_23 : i32
      %while3A_25 = arith.muli %while3A_24, %while3A_23 : i32
      %while3A_26 = arith.addi %while3A_20, %while3A_25 : i32
      %while3A_27 = arith.constant 1 : i32
      scf.for %while3A_29 = %while3A_20 to %while3A_26 step %while3A_27  : i32 {
        "tpu.region"() ({
          %run_scoped3A = tpu.sem_alloc : memref<!tpu.dma_semaphore, #tpu.memory_space<semaphore_mem>>
          %dma_start3A = arith.constant 0 : i32
          %dma_start3A_30 = tpu.memref_slice %arg8[%while3A_29, %dma_start3A] : memref<81x128xi32, #tpu.memory_space<vmem>> -> memref<1x128xi32, #tpu.memory_space<vmem>>
          %dma_start3A_31 = tpu.memref_squeeze %dma_start3A_30 : memref<1x128xi32, #tpu.memory_space<vmem>> -> memref<128xi32, #tpu.memory_space<vmem>>
          %dma_start3A_32 = arith.constant 0 : i32
          %dma_start3A_33 = arith.constant 0 : i32
          %dma_start3A_34 = tpu.memref_slice %arg2[%dma_start3A_32, %dma_start3A_33] : memref<10000x128xf32, #tpu.memory_space<hbm>> -> memref<10000x128xf32, #tpu.memory_space<hbm>>
          tpu.enqueue_indirect_dma source(%dma_start3A_34 : memref<10000x128xf32, #tpu.memory_space<hbm>>) target(%arg10 : memref<128x128xf32, #tpu.memory_space<vmem>>) offsets(%dma_start3A_31 : memref<128xi32, #tpu.memory_space<vmem>>) semaphore(%run_scoped3A : memref<!tpu.dma_semaphore, #tpu.memory_space<semaphore_mem>>)
          %dma_wait3A = arith.constant 0 : i32
          %dma_wait3A_35 = tpu.memref_slice %arg8[%while3A_29, %dma_wait3A] : memref<81x128xi32, #tpu.memory_space<vmem>> -> memref<1x128xi32, #tpu.memory_space<vmem>>
          %dma_wait3A_36 = tpu.memref_squeeze %dma_wait3A_35 : memref<1x128xi32, #tpu.memory_space<vmem>> -> memref<128xi32, #tpu.memory_space<vmem>>
          %dma_wait3A_37 = arith.constant 0 : i32
          %dma_wait3A_38 = arith.constant 0 : i32
          %dma_wait3A_39 = tpu.memref_slice %arg2[%dma_wait3A_37, %dma_wait3A_38] : memref<10000x128xf32, #tpu.memory_space<hbm>> -> memref<10000x128xf32, #tpu.memory_space<hbm>>
          tpu.wait_indirect_dma semaphore(%run_scoped3A : memref<!tpu.dma_semaphore, #tpu.memory_space<semaphore_mem>>) src(%dma_wait3A_39 : memref<10000x128xf32, #tpu.memory_space<hbm>>) dst(%arg10 : memref<128x128xf32, #tpu.memory_space<vmem>>)
          tpu.yield
        }) : () -> ()
        "tpu.region"() ({
          %run_scoped3A = tpu.sem_alloc : memref<!tpu.dma_semaphore, #tpu.memory_space<semaphore_mem>>
          %dma_start3A = arith.constant 0 : i32
          %dma_start3A_30 = tpu.memref_slice %arg9[%while3A_29, %dma_start3A] : memref<81x128xi32, #tpu.memory_space<vmem>> -> memref<1x128xi32, #tpu.memory_space<vmem>>
          %dma_start3A_31 = tpu.memref_squeeze %dma_start3A_30 : memref<1x128xi32, #tpu.memory_space<vmem>> -> memref<128xi32, #tpu.memory_space<vmem>>
          %dma_start3A_32 = arith.constant 0 : i32
          %dma_start3A_33 = arith.constant 0 : i32
          %dma_start3A_34 = tpu.memref_slice %arg11[%dma_start3A_32, %dma_start3A_33] : memref<10240x128xf32, #tpu.memory_space<vmem_shared>> -> memref<10240x128xf32, #tpu.memory_space<vmem_shared>>
          tpu.enqueue_indirect_dma source(%arg10 : memref<128x128xf32, #tpu.memory_space<vmem>>) target(%dma_start3A_34 : memref<10240x128xf32, #tpu.memory_space<vmem_shared>>) offsets(%dma_start3A_31 : memref<128xi32, #tpu.memory_space<vmem>>) semaphore(%run_scoped3A : memref<!tpu.dma_semaphore, #tpu.memory_space<semaphore_mem>>) {add = true}
          %dma_wait3A = arith.constant 0 : i32
          %dma_wait3A_35 = tpu.memref_slice %arg9[%while3A_29, %dma_wait3A] : memref<81x128xi32, #tpu.memory_space<vmem>> -> memref<1x128xi32, #tpu.memory_space<vmem>>
          %dma_wait3A_36 = tpu.memref_squeeze %dma_wait3A_35 : memref<1x128xi32, #tpu.memory_space<vmem>> -> memref<128xi32, #tpu.memory_space<vmem>>
          %dma_wait3A_37 = arith.constant 0 : i32
          %dma_wait3A_38 = arith.constant 0 : i32
          %dma_wait3A_39 = tpu.memref_slice %arg11[%dma_wait3A_37, %dma_wait3A_38] : memref<10240x128xf32, #tpu.memory_space<vmem_shared>> -> memref<10240x128xf32, #tpu.memory_space<vmem_shared>>
          tpu.wait_indirect_dma semaphore(%run_scoped3A : memref<!tpu.dma_semaphore, #tpu.memory_space<semaphore_mem>>) src(%arg10 : memref<128x128xf32, #tpu.memory_space<vmem>>) dst(%dma_wait3A_39 : memref<10240x128xf32, #tpu.memory_space<vmem_shared>>)
          tpu.yield
        }) : () -> ()
      }
      %while3A_28 = arith.constant 1 : i32
      scf.for %while3A_29 = %while3A_26 to %while3A_22 step %while3A_28  : i32 {
        "tpu.region"() ({
          %run_scoped3A = tpu.sem_alloc : memref<!tpu.dma_semaphore, #tpu.memory_space<semaphore_mem>>
          %dma_start3A = arith.constant 0 : i32
          %dma_start3A_30 = tpu.memref_slice %arg8[%while3A_29, %dma_start3A] : memref<81x128xi32, #tpu.memory_space<vmem>> -> memref<1x128xi32, #tpu.memory_space<vmem>>
          %dma_start3A_31 = tpu.memref_squeeze %dma_start3A_30 : memref<1x128xi32, #tpu.memory_space<vmem>> -> memref<128xi32, #tpu.memory_space<vmem>>
          %dma_start3A_32 = arith.constant 0 : i32
          %dma_start3A_33 = arith.constant 0 : i32
          %dma_start3A_34 = tpu.memref_slice %arg2[%dma_start3A_32, %dma_start3A_33] : memref<10000x128xf32, #tpu.memory_space<hbm>> -> memref<10000x128xf32, #tpu.memory_space<hbm>>
          tpu.enqueue_indirect_dma source(%dma_start3A_34 : memref<10000x128xf32, #tpu.memory_space<hbm>>) target(%arg10 : memref<128x128xf32, #tpu.memory_space<vmem>>) offsets(%dma_start3A_31 : memref<128xi32, #tpu.memory_space<vmem>>) semaphore(%run_scoped3A : memref<!tpu.dma_semaphore, #tpu.memory_space<semaphore_mem>>)
          %dma_wait3A = arith.constant 0 : i32
          %dma_wait3A_35 = tpu.memref_slice %arg8[%while3A_29, %dma_wait3A] : memref<81x128xi32, #tpu.memory_space<vmem>> -> memref<1x128xi32, #tpu.memory_space<vmem>>
          %dma_wait3A_36 = tpu.memref_squeeze %dma_wait3A_35 : memref<1x128xi32, #tpu.memory_space<vmem>> -> memref<128xi32, #tpu.memory_space<vmem>>
          %dma_wait3A_37 = arith.constant 0 : i32
          %dma_wait3A_38 = arith.constant 0 : i32
          %dma_wait3A_39 = tpu.memref_slice %arg2[%dma_wait3A_37, %dma_wait3A_38] : memref<10000x128xf32, #tpu.memory_space<hbm>> -> memref<10000x128xf32, #tpu.memory_space<hbm>>
          tpu.wait_indirect_dma semaphore(%run_scoped3A : memref<!tpu.dma_semaphore, #tpu.memory_space<semaphore_mem>>) src(%dma_wait3A_39 : memref<10000x128xf32, #tpu.memory_space<hbm>>) dst(%arg10 : memref<128x128xf32, #tpu.memory_space<vmem>>)
          tpu.yield
        }) : () -> ()
        "tpu.region"() ({
          %run_scoped3A = tpu.sem_alloc : memref<!tpu.dma_semaphore, #tpu.memory_space<semaphore_mem>>
          %dma_start3A = arith.constant 0 : i32
          %dma_start3A_30 = tpu.memref_slice %arg9[%while3A_29, %dma_start3A] : memref<81x128xi32, #tpu.memory_space<vmem>> -> memref<1x128xi32, #tpu.memory_space<vmem>>
          %dma_start3A_31 = tpu.memref_squeeze %dma_start3A_30 : memref<1x128xi32, #tpu.memory_space<vmem>> -> memref<128xi32, #tpu.memory_space<vmem>>
          %dma_start3A_32 = arith.constant 0 : i32
          %dma_start3A_33 = arith.constant 0 : i32
          %dma_start3A_34 = tpu.memref_slice %arg11[%dma_start3A_32, %dma_start3A_33] : memref<10240x128xf32, #tpu.memory_space<vmem_shared>> -> memref<10240x128xf32, #tpu.memory_space<vmem_shared>>
          tpu.enqueue_indirect_dma source(%arg10 : memref<128x128xf32, #tpu.memory_space<vmem>>) target(%dma_start3A_34 : memref<10240x128xf32, #tpu.memory_space<vmem_shared>>) offsets(%dma_start3A_31 : memref<128xi32, #tpu.memory_space<vmem>>) semaphore(%run_scoped3A : memref<!tpu.dma_semaphore, #tpu.memory_space<semaphore_mem>>) {add = true}
          %dma_wait3A = arith.constant 0 : i32
          %dma_wait3A_35 = tpu.memref_slice %arg9[%while3A_29, %dma_wait3A] : memref<81x128xi32, #tpu.memory_space<vmem>> -> memref<1x128xi32, #tpu.memory_space<vmem>>
          %dma_wait3A_36 = tpu.memref_squeeze %dma_wait3A_35 : memref<1x128xi32, #tpu.memory_space<vmem>> -> memref<128xi32, #tpu.memory_space<vmem>>
          %dma_wait3A_37 = arith.constant 0 : i32
          %dma_wait3A_38 = arith.constant 0 : i32
          %dma_wait3A_39 = tpu.memref_slice %arg11[%dma_wait3A_37, %dma_wait3A_38] : memref<10240x128xf32, #tpu.memory_space<vmem_shared>> -> memref<10240x128xf32, #tpu.memory_space<vmem_shared>>
          tpu.wait_indirect_dma semaphore(%run_scoped3A : memref<!tpu.dma_semaphore, #tpu.memory_space<semaphore_mem>>) src(%arg10 : memref<128x128xf32, #tpu.memory_space<vmem>>) dst(%dma_wait3A_39 : memref<10240x128xf32, #tpu.memory_space<vmem_shared>>)
          tpu.yield
        }) : () -> ()
      }
    } else {
    }
    %barrier3A_15 = arith.constant 0 : index
    tpu.barrier barrier_id(%barrier3A_15)
    %mul3A_16 = arith.constant 640 : i32
    %mul3A_17 = arith.muli %arg1, %mul3A_16 : i32
    %mul3A_18 = arith.constant 640 : i32
    %mul3A_19 = arith.muli %arg1, %mul3A_18 : i32
    "tpu.region"() ({
      %run_scoped3A = tpu.sem_alloc : memref<!tpu.dma_semaphore, #tpu.memory_space<semaphore_mem>>
      %dma_start3A = arith.constant 0 : i32
      %dma_start3A_20 = tpu.memref_slice %arg7[%arg0, %mul3A_19, %dma_start3A] : memref<2x10240x128xf32, #tpu.memory_space<hbm>> -> memref<1x640x128xf32, #tpu.memory_space<hbm>>
      %dma_start3A_21 = tpu.memref_squeeze %dma_start3A_20 : memref<1x640x128xf32, #tpu.memory_space<hbm>> -> memref<640x128xf32, #tpu.memory_space<hbm>>
      %dma_start3A_22 = arith.constant 0 : i32
      %dma_start3A_23 = tpu.memref_slice %arg11[%mul3A_17, %dma_start3A_22] : memref<10240x128xf32, #tpu.memory_space<vmem_shared>> -> memref<640x128xf32, #tpu.memory_space<vmem_shared>>
      tpu.enqueue_dma source(%dma_start3A_23 : memref<640x128xf32, #tpu.memory_space<vmem_shared>>) target(%dma_start3A_21 : memref<640x128xf32, #tpu.memory_space<hbm>>) target_semaphore(%run_scoped3A : memref<!tpu.dma_semaphore, #tpu.memory_space<semaphore_mem>>)
      %dma_wait3A = arith.constant 0 : i32
      %dma_wait3A_24 = tpu.memref_slice %arg7[%arg0, %mul3A_19, %dma_wait3A] : memref<2x10240x128xf32, #tpu.memory_space<hbm>> -> memref<1x640x128xf32, #tpu.memory_space<hbm>>
      %dma_wait3A_25 = tpu.memref_squeeze %dma_wait3A_24 : memref<1x640x128xf32, #tpu.memory_space<hbm>> -> memref<640x128xf32, #tpu.memory_space<hbm>>
      %dma_wait3A_26 = arith.constant 0 : i32
      %dma_wait3A_27 = tpu.memref_slice %arg11[%mul3A_17, %dma_wait3A_26] : memref<10240x128xf32, #tpu.memory_space<vmem_shared>> -> memref<640x128xf32, #tpu.memory_space<vmem_shared>>
      tpu.wait_dma2 semaphore(%run_scoped3A : memref<!tpu.dma_semaphore, #tpu.memory_space<semaphore_mem>>) src(%dma_wait3A_27 : memref<640x128xf32, #tpu.memory_space<vmem_shared>>) dst(%dma_wait3A_25 : memref<640x128xf32, #tpu.memory_space<hbm>>)
      tpu.yield
    }) : () -> ()
    return
  }
}

module attributes {stable_mosaic.version = 14 : i64} {
  func.func @_k0_body(%arg0: i32, %arg1: memref<1000x2xf32, #tpu.memory_space<vmem>>, %arg2: memref<1000x128xf32, #tpu.memory_space<vmem>>, %arg3: memref<128x128xf32, #tpu.memory_space<vmem>>, %arg4: memref<1000x128xf32, #tpu.memory_space<vmem>>, %arg5: memref<1000x128xf32, #tpu.memory_space<vmem>>, %arg6: memref<1000x1xf32, #tpu.memory_space<vmem>>) attributes {dimension_semantics = [#tpu.dimension_semantics<arbitrary>], iteration_bounds = array<i64: 10>, scalar_prefetch = 0 : i64, scratch_operands = 0 : i64, tpu.core_type = #tpu.core_type<tc>, window_params = [{transform_indices = @transform_0, window_bounds = array<i64: 1000, 2>}, {transform_indices = @transform_1, window_bounds = array<i64: 1000, 128>}, {pipeline_mode = #tpu.pipeline_mode<synchronous>, transform_indices = @transform_2, window_bounds = array<i64: 128, 128>}, {transform_indices = @transform_3, window_bounds = array<i64: 1000, 128>}, {transform_indices = @transform_4, window_bounds = array<i64: 1000, 128>}, {transform_indices = @transform_5, window_bounds = array<i64: 1000, 1>}]} {
    %get3A = arith.constant 0 : index
    %get3A_0 = arith.constant 0 : index
    %get3A_1 = vector.load %arg1[%get3A, %get3A_0] : memref<1000x2xf32, #tpu.memory_space<vmem>>, vector<1000x1xf32>
    %get3A_2 = arith.constant 0 : index
    %get3A_3 = arith.constant 1 : index
    %get3A_4 = vector.load %arg1[%get3A_2, %get3A_3] : memref<1000x2xf32, #tpu.memory_space<vmem>>, vector<1000x1xf32>
    %add3A = arith.addf %get3A_1, %get3A_4 : vector<1000x1xf32>
    %gt3A = arith.constant 0.000000e+00 : f32
    %gt3A_5 = vector.broadcast %gt3A : f32 to vector<1000x1xf32>
    %gt3A_6 = arith.cmpf ogt, %add3A, %gt3A_5 : vector<1000x1xf32>
    %max3A = arith.constant 9.99999996E-13 : f32
    %max3A_7 = vector.broadcast %max3A : f32 to vector<1000x1xf32>
    %max3A_8 = arith.maximumf %add3A, %max3A_7 : vector<1000x1xf32>
    %rsqrt3A = math.rsqrt %max3A_8 : vector<1000x1xf32>
    %jit3A = arith.constant 0.000000e+00 : f32
    %broadcast_in_dim3A = vector.broadcast %jit3A : f32 to vector<1000x1xf32>
    %select_n3A = arith.select %gt3A_6, %rsqrt3A, %broadcast_in_dim3A : vector<1000x1xi1>, vector<1000x1xf32>
    %swap3A = arith.constant 0 : index
    %swap3A_9 = arith.constant 0 : index
    %swap3A_10 = vector.load %arg6[%swap3A, %swap3A_9] : memref<1000x1xf32, #tpu.memory_space<vmem>>, vector<1000x1xf32>
    tpu.vector_store %arg6[%swap3A, %swap3A_9], %select_n3A {strides = array<i32>} : memref<1000x1xf32, #tpu.memory_space<vmem>>, vector<1000x1xf32>,
    %get3A_11 = arith.constant 0 : index
    %get3A_12 = arith.constant 0 : index
    %get3A_13 = vector.load %arg2[%get3A_11, %get3A_12] : memref<1000x128xf32, #tpu.memory_space<vmem>>, vector<1000x128xf32>
    %mul3A = vector.broadcast %select_n3A : vector<1000x1xf32> to vector<1000x128xf32>
    %mul3A_14 = arith.mulf %get3A_13, %mul3A : vector<1000x128xf32>
    %get3A_15 = arith.constant 0 : index
    %get3A_16 = arith.constant 0 : index
    %get3A_17 = vector.load %arg3[%get3A_15, %get3A_16] : memref<128x128xf32, #tpu.memory_space<vmem>>, vector<128x128xf32>
    %dot_general3A = arith.constant dense<0.000000e+00> : vector<1000x128xf32>
    %dot_general3A_18 = tpu.matmul %mul3A_14, %get3A_17, %dot_general3A {dimension_numbers = #tpu.dot_dimension_numbers<[1], [0], [0], [1], [0, 0, 1, 1], [], []>, transpose_lhs_hint = false} : vector<1000x128xf32>, vector<128x128xf32>, vector<1000x128xf32> -> vector<1000x128xf32>
    %swap3A_19 = arith.constant 0 : index
    %swap3A_20 = arith.constant 0 : index
    %swap3A_21 = vector.load %arg4[%swap3A_19, %swap3A_20] : memref<1000x128xf32, #tpu.memory_space<vmem>>, vector<1000x128xf32>
    tpu.vector_store %arg4[%swap3A_19, %swap3A_20], %dot_general3A_18 {strides = array<i32>} : memref<1000x128xf32, #tpu.memory_space<vmem>>, vector<1000x128xf32>,
    %swap3A_22 = arith.constant 0 : index
    %swap3A_23 = arith.constant 0 : index
    %swap3A_24 = vector.load %arg5[%swap3A_22, %swap3A_23] : memref<1000x128xf32, #tpu.memory_space<vmem>>, vector<1000x128xf32>
    tpu.vector_store %arg5[%swap3A_22, %swap3A_23], %dot_general3A_18 {strides = array<i32>} : memref<1000x128xf32, #tpu.memory_space<vmem>>, vector<1000x128xf32>,
    return
  }
  func.func @transform_0(%arg0: i32) -> (i32, i32) {
    %c0_i32 = arith.constant 0 : i32
    %c0_i32_0 = arith.constant 0 : i32
    return %arg0, %c0_i32 : i32, i32
  }
  func.func @transform_1(%arg0: i32) -> (i32, i32) {
    %c0_i32 = arith.constant 0 : i32
    %c0_i32_0 = arith.constant 0 : i32
    return %arg0, %c0_i32 : i32, i32
  }
  func.func @transform_2(%arg0: i32) -> (i32, i32) {
    %c0_i32 = arith.constant 0 : i32
    %c0_i32_0 = arith.constant 0 : i32
    %c0_i32_1 = arith.constant 0 : i32
    return %c0_i32, %c0_i32_0 : i32, i32
  }
  func.func @transform_3(%arg0: i32) -> (i32, i32) {
    %c0_i32 = arith.constant 0 : i32
    %c0_i32_0 = arith.constant 0 : i32
    return %arg0, %c0_i32 : i32, i32
  }
  func.func @transform_4(%arg0: i32) -> (i32, i32) {
    %c0_i32 = arith.constant 0 : i32
    %c0_i32_0 = arith.constant 0 : i32
    return %arg0, %c0_i32 : i32, i32
  }
  func.func @transform_5(%arg0: i32) -> (i32, i32) {
    %c0_i32 = arith.constant 0 : i32
    %c0_i32_0 = arith.constant 0 : i32
    return %arg0, %c0_i32 : i32, i32
  }
}

module attributes {stable_mosaic.version = 14 : i64} {
  func.func @_kmid_body(%arg0: i32, %arg1: memref<2x1000x128xf32, #tpu.memory_space<vmem>>, %arg2: memref<1000x1xf32, #tpu.memory_space<vmem>>, %arg3: memref<1x128xf32, #tpu.memory_space<vmem>>, %arg4: memref<128x128xf32, #tpu.memory_space<vmem>>, %arg5: memref<1000x128xf32, #tpu.memory_space<vmem>>, %arg6: memref<1000x128xf32, #tpu.memory_space<vmem>>, %arg7: memref<1000x128xf32, #tpu.memory_space<vmem>>) attributes {dimension_semantics = [#tpu.dimension_semantics<arbitrary>], iteration_bounds = array<i64: 10>, scalar_prefetch = 0 : i64, scratch_operands = 0 : i64, tpu.core_type = #tpu.core_type<tc>, window_params = [{transform_indices = @transform_0, window_bounds = array<i64: 2, 1000, 128>}, {transform_indices = @transform_1, window_bounds = array<i64: 1000, 1>}, {pipeline_mode = #tpu.pipeline_mode<synchronous>, transform_indices = @transform_2, window_bounds = array<i64: 1, 128>}, {pipeline_mode = #tpu.pipeline_mode<synchronous>, transform_indices = @transform_3, window_bounds = array<i64: 128, 128>}, {transform_indices = @transform_4, window_bounds = array<i64: 1000, 128>}, {transform_indices = @transform_5, window_bounds = array<i64: 1000, 128>}, {transform_indices = @transform_6, window_bounds = array<i64: 1000, 128>}]} {
    %get3A = arith.constant 0 : index
    %get3A_0 = arith.constant 0 : index
    %get3A_1 = arith.constant 0 : index
    %get3A_2 = vector.load %arg1[%get3A, %get3A_0, %get3A_1] : memref<2x1000x128xf32, #tpu.memory_space<vmem>>, vector<1x1000x128xf32>
    %get3A_3 = vector.shape_cast %get3A_2 : vector<1x1000x128xf32> to vector<1000x128xf32>
    %get3A_4 = arith.constant 1 : index
    %get3A_5 = arith.constant 0 : index
    %get3A_6 = arith.constant 0 : index
    %get3A_7 = vector.load %arg1[%get3A_4, %get3A_5, %get3A_6] : memref<2x1000x128xf32, #tpu.memory_space<vmem>>, vector<1x1000x128xf32>
    %get3A_8 = vector.shape_cast %get3A_7 : vector<1x1000x128xf32> to vector<1000x128xf32>
    %add3A = arith.addf %get3A_3, %get3A_8 : vector<1000x128xf32>
    %get3A_9 = arith.constant 0 : index
    %get3A_10 = arith.constant 0 : index
    %get3A_11 = vector.load %arg2[%get3A_9, %get3A_10] : memref<1000x1xf32, #tpu.memory_space<vmem>>, vector<1000x1xf32>
    %mul3A = vector.broadcast %get3A_11 : vector<1000x1xf32> to vector<1000x128xf32>
    %mul3A_12 = arith.mulf %add3A, %mul3A : vector<1000x128xf32>
    %get3A_13 = arith.constant 0 : index
    %get3A_14 = arith.constant 0 : index
    %get3A_15 = vector.load %arg3[%get3A_13, %get3A_14] : memref<1x128xf32, #tpu.memory_space<vmem>>, vector<1x128xf32>
    %add3A_16 = vector.broadcast %get3A_15 : vector<1x128xf32> to vector<1000x128xf32>
    %add3A_17 = arith.addf %mul3A_12, %add3A_16 : vector<1000x128xf32>
    %max3A = arith.constant 0.000000e+00 : f32
    %max3A_18 = vector.broadcast %max3A : f32 to vector<1000x128xf32>
    %max3A_19 = arith.maximumf %add3A_17, %max3A_18 : vector<1000x128xf32>
    %swap3A = arith.constant 0 : index
    %swap3A_20 = arith.constant 0 : index
    %swap3A_21 = vector.load %arg5[%swap3A, %swap3A_20] : memref<1000x128xf32, #tpu.memory_space<vmem>>, vector<1000x128xf32>
    tpu.vector_store %arg5[%swap3A, %swap3A_20], %max3A_19 {strides = array<i32>} : memref<1000x128xf32, #tpu.memory_space<vmem>>, vector<1000x128xf32>,
    %mul3A_22 = vector.broadcast %get3A_11 : vector<1000x1xf32> to vector<1000x128xf32>
    %mul3A_23 = arith.mulf %max3A_19, %mul3A_22 : vector<1000x128xf32>
    %get3A_24 = arith.constant 0 : index
    %get3A_25 = arith.constant 0 : index
    %get3A_26 = vector.load %arg4[%get3A_24, %get3A_25] : memref<128x128xf32, #tpu.memory_space<vmem>>, vector<128x128xf32>
    %dot_general3A = arith.constant dense<0.000000e+00> : vector<1000x128xf32>
    %dot_general3A_27 = tpu.matmul %mul3A_23, %get3A_26, %dot_general3A {dimension_numbers = #tpu.dot_dimension_numbers<[1], [0], [0], [1], [0, 0, 1, 1], [], []>, transpose_lhs_hint = false} : vector<1000x128xf32>, vector<128x128xf32>, vector<1000x128xf32> -> vector<1000x128xf32>
    %swap3A_28 = arith.constant 0 : index
    %swap3A_29 = arith.constant 0 : index
    %swap3A_30 = vector.load %arg6[%swap3A_28, %swap3A_29] : memref<1000x128xf32, #tpu.memory_space<vmem>>, vector<1000x128xf32>
    tpu.vector_store %arg6[%swap3A_28, %swap3A_29], %dot_general3A_27 {strides = array<i32>} : memref<1000x128xf32, #tpu.memory_space<vmem>>, vector<1000x128xf32>,
    %swap3A_31 = arith.constant 0 : index
    %swap3A_32 = arith.constant 0 : index
    %swap3A_33 = vector.load %arg7[%swap3A_31, %swap3A_32] : memref<1000x128xf32, #tpu.memory_space<vmem>>, vector<1000x128xf32>
    tpu.vector_store %arg7[%swap3A_31, %swap3A_32], %dot_general3A_27 {strides = array<i32>} : memref<1000x128xf32, #tpu.memory_space<vmem>>, vector<1000x128xf32>,
    return
  }
  func.func @transform_0(%arg0: i32) -> (i32, i32, i32) {
    %c0_i32 = arith.constant 0 : i32
    %c0_i32_0 = arith.constant 0 : i32
    %c0_i32_1 = arith.constant 0 : i32
    return %c0_i32, %arg0, %c0_i32_0 : i32, i32, i32
  }
  func.func @transform_1(%arg0: i32) -> (i32, i32) {
    %c0_i32 = arith.constant 0 : i32
    %c0_i32_0 = arith.constant 0 : i32
    return %arg0, %c0_i32 : i32, i32
  }
  func.func @transform_2(%arg0: i32) -> (i32, i32) {
    %c0_i32 = arith.constant 0 : i32
    %c0_i32_0 = arith.constant 0 : i32
    %c0_i32_1 = arith.constant 0 : i32
    return %c0_i32, %c0_i32_0 : i32, i32
  }
  func.func @transform_3(%arg0: i32) -> (i32, i32) {
    %c0_i32 = arith.constant 0 : i32
    %c0_i32_0 = arith.constant 0 : i32
    %c0_i32_1 = arith.constant 0 : i32
    return %c0_i32, %c0_i32_0 : i32, i32
  }
  func.func @transform_4(%arg0: i32) -> (i32, i32) {
    %c0_i32 = arith.constant 0 : i32
    %c0_i32_0 = arith.constant 0 : i32
    return %arg0, %c0_i32 : i32, i32
  }
  func.func @transform_5(%arg0: i32) -> (i32, i32) {
    %c0_i32 = arith.constant 0 : i32
    %c0_i32_0 = arith.constant 0 : i32
    return %arg0, %c0_i32 : i32, i32
  }
  func.func @transform_6(%arg0: i32) -> (i32, i32) {
    %c0_i32 = arith.constant 0 : i32
    %c0_i32_0 = arith.constant 0 : i32
    return %arg0, %c0_i32 : i32, i32
  }
}

module attributes {stable_mosaic.version = 14 : i64} {
  func.func @_klast_body(%arg0: i32, %arg1: memref<2x1000x128xf32, #tpu.memory_space<vmem>>, %arg2: memref<1000x1xf32, #tpu.memory_space<vmem>>, %arg3: memref<1x128xf32, #tpu.memory_space<vmem>>, %arg4: memref<1000x128xf32, #tpu.memory_space<vmem>>) attributes {dimension_semantics = [#tpu.dimension_semantics<arbitrary>], iteration_bounds = array<i64: 10>, scalar_prefetch = 0 : i64, scratch_operands = 0 : i64, tpu.core_type = #tpu.core_type<tc>, window_params = [{transform_indices = @transform_0, window_bounds = array<i64: 2, 1000, 128>}, {transform_indices = @transform_1, window_bounds = array<i64: 1000, 1>}, {pipeline_mode = #tpu.pipeline_mode<synchronous>, transform_indices = @transform_2, window_bounds = array<i64: 1, 128>}, {transform_indices = @transform_3, window_bounds = array<i64: 1000, 128>}]} {
    %get3A = arith.constant 0 : index
    %get3A_0 = arith.constant 0 : index
    %get3A_1 = arith.constant 0 : index
    %get3A_2 = vector.load %arg1[%get3A, %get3A_0, %get3A_1] : memref<2x1000x128xf32, #tpu.memory_space<vmem>>, vector<1x1000x128xf32>
    %get3A_3 = vector.shape_cast %get3A_2 : vector<1x1000x128xf32> to vector<1000x128xf32>
    %get3A_4 = arith.constant 1 : index
    %get3A_5 = arith.constant 0 : index
    %get3A_6 = arith.constant 0 : index
    %get3A_7 = vector.load %arg1[%get3A_4, %get3A_5, %get3A_6] : memref<2x1000x128xf32, #tpu.memory_space<vmem>>, vector<1x1000x128xf32>
    %get3A_8 = vector.shape_cast %get3A_7 : vector<1x1000x128xf32> to vector<1000x128xf32>
    %add3A = arith.addf %get3A_3, %get3A_8 : vector<1000x128xf32>
    %get3A_9 = arith.constant 0 : index
    %get3A_10 = arith.constant 0 : index
    %get3A_11 = vector.load %arg2[%get3A_9, %get3A_10] : memref<1000x1xf32, #tpu.memory_space<vmem>>, vector<1000x1xf32>
    %mul3A = vector.broadcast %get3A_11 : vector<1000x1xf32> to vector<1000x128xf32>
    %mul3A_12 = arith.mulf %add3A, %mul3A : vector<1000x128xf32>
    %get3A_13 = arith.constant 0 : index
    %get3A_14 = arith.constant 0 : index
    %get3A_15 = vector.load %arg3[%get3A_13, %get3A_14] : memref<1x128xf32, #tpu.memory_space<vmem>>, vector<1x128xf32>
    %add3A_16 = vector.broadcast %get3A_15 : vector<1x128xf32> to vector<1000x128xf32>
    %add3A_17 = arith.addf %mul3A_12, %add3A_16 : vector<1000x128xf32>
    %max3A = arith.constant 0.000000e+00 : f32
    %max3A_18 = vector.broadcast %max3A : f32 to vector<1000x128xf32>
    %max3A_19 = arith.maximumf %add3A_17, %max3A_18 : vector<1000x128xf32>
    %swap3A = arith.constant 0 : index
    %swap3A_20 = arith.constant 0 : index
    %swap3A_21 = vector.load %arg4[%swap3A, %swap3A_20] : memref<1000x128xf32, #tpu.memory_space<vmem>>, vector<1000x128xf32>
    tpu.vector_store %arg4[%swap3A, %swap3A_20], %max3A_19 {strides = array<i32>} : memref<1000x128xf32, #tpu.memory_space<vmem>>, vector<1000x128xf32>,
    return
  }
  func.func @transform_0(%arg0: i32) -> (i32, i32, i32) {
    %c0_i32 = arith.constant 0 : i32
    %c0_i32_0 = arith.constant 0 : i32
    %c0_i32_1 = arith.constant 0 : i32
    return %c0_i32, %arg0, %c0_i32_0 : i32, i32, i32
  }
  func.func @transform_1(%arg0: i32) -> (i32, i32) {
    %c0_i32 = arith.constant 0 : i32
    %c0_i32_0 = arith.constant 0 : i32
    return %arg0, %c0_i32 : i32, i32
  }
  func.func @transform_2(%arg0: i32) -> (i32, i32) {
    %c0_i32 = arith.constant 0 : i32
    %c0_i32_0 = arith.constant 0 : i32
    %c0_i32_1 = arith.constant 0 : i32
    return %c0_i32, %c0_i32_0 : i32, i32
  }
  func.func @transform_3(%arg0: i32) -> (i32, i32) {
    %c0_i32 = arith.constant 0 : i32
    %c0_i32_0 = arith.constant 0 : i32
    return %arg0, %c0_i32 : i32, i32
  }
}

module attributes {stable_mosaic.version = 14 : i64} {
  func.func @_pool_body(%arg0: i32, %arg1: memref<10x2xi32, #tpu.memory_space<smem>>, %arg2: memref<1000x1xi32, #tpu.memory_space<vmem>>, %arg3: memref<1000x128xf32, #tpu.memory_space<vmem>>, %arg4: memref<1000x128xf32, #tpu.memory_space<vmem>>, %arg5: memref<1000x128xf32, #tpu.memory_space<vmem>>, %arg6: memref<1152x128xf32, #tpu.memory_space<vmem>>, %arg7: memref<1x128xf32, #tpu.memory_space<vmem>>, %arg8: memref<128x2xf32, #tpu.memory_space<vmem>>, %arg9: memref<1x2xf32, #tpu.memory_space<vmem>>, %arg10: memref<64x2xf32, #tpu.memory_space<vmem>>, %arg11: memref<64x384xf32, #tpu.memory_space<vmem>>, %arg12: memref<64x384xf32, #tpu.memory_space<vmem>>, %arg13: memref<64x1xf32, #tpu.memory_space<vmem>>) attributes {dimension_semantics = [#tpu.dimension_semantics<arbitrary>], iteration_bounds = array<i64: 10>, scalar_prefetch = 0 : i64, scratch_operands = 3 : i64, tpu.core_type = #tpu.core_type<tc>, window_params = [{transform_indices = @transform_0, window_bounds = array<i64: 10, 2>}, {transform_indices = @transform_1, window_bounds = array<i64: 1000, 1>}, {transform_indices = @transform_2, window_bounds = array<i64: 1000, 128>}, {transform_indices = @transform_3, window_bounds = array<i64: 1000, 128>}, {transform_indices = @transform_4, window_bounds = array<i64: 1000, 128>}, {pipeline_mode = #tpu.pipeline_mode<synchronous>, transform_indices = @transform_5, window_bounds = array<i64: 1152, 128>}, {pipeline_mode = #tpu.pipeline_mode<synchronous>, transform_indices = @transform_6, window_bounds = array<i64: 1, 128>}, {pipeline_mode = #tpu.pipeline_mode<synchronous>, transform_indices = @transform_7, window_bounds = array<i64: 128, 2>}, {pipeline_mode = #tpu.pipeline_mode<synchronous>, transform_indices = @transform_8, window_bounds = array<i64: 1, 2>}, {pipeline_mode = #tpu.pipeline_mode<synchronous>, transform_indices = @transform_9, window_bounds = array<i64: 64, 2>}]} {
    %eq3A = arith.constant 0 : i32
    %eq3A_0 = arith.cmpi eq, %arg0, %eq3A : i32
    %convert_element_type3A = arith.extui %eq3A_0 : i1 to i32
    %cond3A = arith.constant 0 : i32
    %cond3A_1 = arith.cmpi ne, %convert_element_type3A, %cond3A : i32
    scf.if %cond3A_1 {
      %broadcast_in_dim3A = arith.constant 0.000000e+00 : f32
      %broadcast_in_dim3A_34 = vector.broadcast %broadcast_in_dim3A : f32 to vector<64x384xf32>
      %swap3A = arith.constant 0 : index
      %swap3A_35 = arith.constant 0 : index
      %swap3A_36 = vector.load %arg11[%swap3A, %swap3A_35] : memref<64x384xf32, #tpu.memory_space<vmem>>, vector<64x384xf32>
      tpu.vector_store %arg11[%swap3A, %swap3A_35], %broadcast_in_dim3A_34 {strides = array<i32>} : memref<64x384xf32, #tpu.memory_space<vmem>>, vector<64x384xf32>,
      %broadcast_in_dim3A_37 = arith.constant 0xFF800000 : f32
      %broadcast_in_dim3A_38 = vector.broadcast %broadcast_in_dim3A_37 : f32 to vector<64x384xf32>
      %swap3A_39 = arith.constant 0 : index
      %swap3A_40 = arith.constant 0 : index
      %swap3A_41 = vector.load %arg12[%swap3A_39, %swap3A_40] : memref<64x384xf32, #tpu.memory_space<vmem>>, vector<64x384xf32>
      tpu.vector_store %arg12[%swap3A_39, %swap3A_40], %broadcast_in_dim3A_38 {strides = array<i32>} : memref<64x384xf32, #tpu.memory_space<vmem>>, vector<64x384xf32>,
      %broadcast_in_dim3A_42 = arith.constant 0.000000e+00 : f32
      %broadcast_in_dim3A_43 = vector.broadcast %broadcast_in_dim3A_42 : f32 to vector<64x1xf32>
      %swap3A_44 = arith.constant 0 : index
      %swap3A_45 = arith.constant 0 : index
      %swap3A_46 = vector.load %arg13[%swap3A_44, %swap3A_45] : memref<64x1xf32, #tpu.memory_space<vmem>>, vector<64x1xf32>
      tpu.vector_store %arg13[%swap3A_44, %swap3A_45], %broadcast_in_dim3A_43 {strides = array<i32>} : memref<64x1xf32, #tpu.memory_space<vmem>>, vector<64x1xf32>,
    } else {
    }
    %get3A = arith.constant 0 : index
    %get3A_2 = arith.constant 0 : index
    %get3A_3 = vector.load %arg2[%get3A, %get3A_2] : memref<1000x1xi32, #tpu.memory_space<vmem>>, vector<1000x1xi32>
    %get3A_4 = arith.constant 0 : index
    %get3A_5 = arith.constant 0 : index
    %get3A_6 = vector.load %arg3[%get3A_4, %get3A_5] : memref<1000x128xf32, #tpu.memory_space<vmem>>, vector<1000x128xf32>
    %get3A_7 = arith.constant 0 : index
    %get3A_8 = arith.constant 0 : index
    %get3A_9 = vector.load %arg4[%get3A_7, %get3A_8] : memref<1000x128xf32, #tpu.memory_space<vmem>>, vector<1000x128xf32>
    %get3A_10 = arith.constant 0 : index
    %get3A_11 = arith.constant 0 : index
    %get3A_12 = vector.load %arg5[%get3A_10, %get3A_11] : memref<1000x128xf32, #tpu.memory_space<vmem>>, vector<1000x128xf32>
    %get3A_13 = arith.index_cast %arg0 : i32 to index
    %get3A_14 = arith.constant 0 : index
    %get3A_15 = memref.load %arg1[%get3A_13, %get3A_14] : memref<10x2xi32, #tpu.memory_space<smem>>
    %get3A_16 = arith.index_cast %arg0 : i32 to index
    %get3A_17 = arith.constant 1 : index
    %get3A_18 = memref.load %arg1[%get3A_16, %get3A_17] : memref<10x2xi32, #tpu.memory_space<smem>>
    %add3A = arith.constant 1 : i32
    %add3A_19 = arith.addi %get3A_18, %add3A : i32
    %while3A = arith.constant 0 : i32
    %while3A_20 = arith.constant 0xFF800000 : f32
    %while3A_21 = arith.subi %add3A_19, %get3A_15 : i32
    %while3A_22 = arith.addi %get3A_15, %while3A_21 : i32
    %while3A_23 = arith.constant 1 : i32
    %while3A_24 = arith.divsi %while3A_21, %while3A_23 : i32
    %while3A_25 = arith.muli %while3A_24, %while3A_23 : i32
    %while3A_26 = arith.addi %get3A_15, %while3A_25 : i32
    %while3A_27 = arith.constant 1 : i32
    scf.for %while3A_34 = %get3A_15 to %while3A_26 step %while3A_27  : i32 {
      %eq3A_35 = vector.broadcast %while3A_34 : i32 to vector<1000x1xi32>
      %eq3A_36 = arith.cmpi eq, %get3A_3, %eq3A_35 : vector<1000x1xi32>
      %jit3A = arith.constant 0.000000e+00 : f32
      %broadcast_in_dim3A = vector.shape_cast %eq3A_36 : vector<1000x1xi1> to vector<1000x1xi1>
      %broadcast_in_dim3A_37 = vector.broadcast %broadcast_in_dim3A : vector<1000x1xi1> to vector<1000x128xi1>
      %broadcast_in_dim3A_38 = vector.broadcast %jit3A : f32 to vector<1000x128xf32>
      %select_n3A = arith.select %broadcast_in_dim3A_37, %get3A_6, %broadcast_in_dim3A_38 : vector<1000x128xi1>, vector<1000x128xf32>
      %reduce_sum3A = arith.constant dense<0.000000e+00> : vector<128xf32>
      %reduce_sum3A_39 = vector.multi_reduction <add>, %select_n3A, %reduce_sum3A [0] : vector<1000x128xf32> to vector<128xf32>
      %broadcast_in_dim3A_40 = vector.shape_cast %reduce_sum3A_39 : vector<128xf32> to vector<1x128xf32>
      %jit3A_41 = arith.constant 0.000000e+00 : f32
      %broadcast_in_dim3A_42 = vector.shape_cast %eq3A_36 : vector<1000x1xi1> to vector<1000x1xi1>
      %broadcast_in_dim3A_43 = vector.broadcast %broadcast_in_dim3A_42 : vector<1000x1xi1> to vector<1000x128xi1>
      %broadcast_in_dim3A_44 = vector.broadcast %jit3A_41 : f32 to vector<1000x128xf32>
      %select_n3A_45 = arith.select %broadcast_in_dim3A_43, %get3A_9, %broadcast_in_dim3A_44 : vector<1000x128xi1>, vector<1000x128xf32>
      %reduce_sum3A_46 = arith.constant dense<0.000000e+00> : vector<128xf32>
      %reduce_sum3A_47 = vector.multi_reduction <add>, %select_n3A_45, %reduce_sum3A_46 [0] : vector<1000x128xf32> to vector<128xf32>
      %broadcast_in_dim3A_48 = vector.shape_cast %reduce_sum3A_47 : vector<128xf32> to vector<1x128xf32>
      %jit3A_49 = arith.constant 0.000000e+00 : f32
      %broadcast_in_dim3A_50 = vector.shape_cast %eq3A_36 : vector<1000x1xi1> to vector<1000x1xi1>
      %broadcast_in_dim3A_51 = vector.broadcast %broadcast_in_dim3A_50 : vector<1000x1xi1> to vector<1000x128xi1>
      %broadcast_in_dim3A_52 = vector.broadcast %jit3A_49 : f32 to vector<1000x128xf32>
      %select_n3A_53 = arith.select %broadcast_in_dim3A_51, %get3A_12, %broadcast_in_dim3A_52 : vector<1000x128xi1>, vector<1000x128xf32>
      %reduce_sum3A_54 = arith.constant dense<0.000000e+00> : vector<128xf32>
      %reduce_sum3A_55 = vector.multi_reduction <add>, %select_n3A_53, %reduce_sum3A_54 [0] : vector<1000x128xf32> to vector<128xf32>
      %broadcast_in_dim3A_56 = vector.shape_cast %reduce_sum3A_55 : vector<128xf32> to vector<1x128xf32>
      %concatenate3A = tpu.concatenate %broadcast_in_dim3A_40, %broadcast_in_dim3A_48, %broadcast_in_dim3A_56 in 1 : vector<1x128xf32>, vector<1x128xf32>, vector<1x128xf32> -> vector<1x384xf32>
      %broadcast_in_dim3A_57 = vector.shape_cast %eq3A_36 : vector<1000x1xi1> to vector<1000x1xi1>
      %broadcast_in_dim3A_58 = vector.broadcast %broadcast_in_dim3A_57 : vector<1000x1xi1> to vector<1000x128xi1>
      %broadcast_in_dim3A_59 = vector.broadcast %while3A_20 : f32 to vector<1000x128xf32>
      %select_n3A_60 = arith.select %broadcast_in_dim3A_58, %get3A_6, %broadcast_in_dim3A_59 : vector<1000x128xi1>, vector<1000x128xf32>
      %reduce_max3A = arith.constant dense<0xFF800000> : vector<128xf32>
      %reduce_max3A_61 = vector.multi_reduction <maximumf>, %select_n3A_60, %reduce_max3A [0] : vector<1000x128xf32> to vector<128xf32>
      %broadcast_in_dim3A_62 = vector.shape_cast %reduce_max3A_61 : vector<128xf32> to vector<1x128xf32>
      %broadcast_in_dim3A_63 = vector.shape_cast %eq3A_36 : vector<1000x1xi1> to vector<1000x1xi1>
      %broadcast_in_dim3A_64 = vector.broadcast %broadcast_in_dim3A_63 : vector<1000x1xi1> to vector<1000x128xi1>
      %broadcast_in_dim3A_65 = vector.broadcast %while3A_20 : f32 to vector<1000x128xf32>
      %select_n3A_66 = arith.select %broadcast_in_dim3A_64, %get3A_9, %broadcast_in_dim3A_65 : vector<1000x128xi1>, vector<1000x128xf32>
      %reduce_max3A_67 = arith.constant dense<0xFF800000> : vector<128xf32>
      %reduce_max3A_68 = vector.multi_reduction <maximumf>, %select_n3A_66, %reduce_max3A_67 [0] : vector<1000x128xf32> to vector<128xf32>
      %broadcast_in_dim3A_69 = vector.shape_cast %reduce_max3A_68 : vector<128xf32> to vector<1x128xf32>
      %broadcast_in_dim3A_70 = vector.shape_cast %eq3A_36 : vector<1000x1xi1> to vector<1000x1xi1>
      %broadcast_in_dim3A_71 = vector.broadcast %broadcast_in_dim3A_70 : vector<1000x1xi1> to vector<1000x128xi1>
      %broadcast_in_dim3A_72 = vector.broadcast %while3A_20 : f32 to vector<1000x128xf32>
      %select_n3A_73 = arith.select %broadcast_in_dim3A_71, %get3A_12, %broadcast_in_dim3A_72 : vector<1000x128xi1>, vector<1000x128xf32>
      %reduce_max3A_74 = arith.constant dense<0xFF800000> : vector<128xf32>
      %reduce_max3A_75 = vector.multi_reduction <maximumf>, %select_n3A_73, %reduce_max3A_74 [0] : vector<1000x128xf32> to vector<128xf32>
      %broadcast_in_dim3A_76 = vector.shape_cast %reduce_max3A_75 : vector<128xf32> to vector<1x128xf32>
      %concatenate3A_77 = tpu.concatenate %broadcast_in_dim3A_62, %broadcast_in_dim3A_69, %broadcast_in_dim3A_76 in 1 : vector<1x128xf32>, vector<1x128xf32>, vector<1x128xf32> -> vector<1x384xf32>
      %convert_element_type3A_78 = arith.extui %eq3A_36 : vector<1000x1xi1> to vector<1000x1xi32>
      %convert_element_type3A_79 = arith.sitofp %convert_element_type3A_78 : vector<1000x1xi32> to vector<1000x1xf32>
      %reduce_sum3A_80 = arith.constant dense<0.000000e+00> : vector<1xf32>
      %reduce_sum3A_81 = vector.multi_reduction <add>, %convert_element_type3A_79, %reduce_sum3A_80 [0] : vector<1000x1xf32> to vector<1xf32>
      %broadcast_in_dim3A_82 = vector.shape_cast %reduce_sum3A_81 : vector<1xf32> to vector<1x1xf32>
      %get3A_83 = arith.index_cast %while3A_34 : i32 to index
      %get3A_84 = arith.constant 0 : index
      %get3A_85 = vector.load %arg11[%get3A_83, %get3A_84] : memref<64x384xf32, #tpu.memory_space<vmem>>, vector<1x384xf32>
      %add3A_86 = arith.addf %get3A_85, %concatenate3A : vector<1x384xf32>
      %swap3A = arith.index_cast %while3A_34 : i32 to index
      %swap3A_87 = arith.constant 0 : index
      %swap3A_88 = vector.load %arg11[%swap3A, %swap3A_87] : memref<64x384xf32, #tpu.memory_space<vmem>>, vector<1x384xf32>
      tpu.vector_store %arg11[%swap3A, %swap3A_87], %add3A_86 {strides = array<i32>} : memref<64x384xf32, #tpu.memory_space<vmem>>, vector<1x384xf32>,
      %get3A_89 = arith.index_cast %while3A_34 : i32 to index
      %get3A_90 = arith.constant 0 : index
      %get3A_91 = vector.load %arg12[%get3A_89, %get3A_90] : memref<64x384xf32, #tpu.memory_space<vmem>>, vector<1x384xf32>
      %max3A = arith.maximumf %get3A_91, %concatenate3A_77 : vector<1x384xf32>
      %swap3A_92 = arith.index_cast %while3A_34 : i32 to index
      %swap3A_93 = arith.constant 0 : index
      %swap3A_94 = vector.load %arg12[%swap3A_92, %swap3A_93] : memref<64x384xf32, #tpu.memory_space<vmem>>, vector<1x384xf32>
      tpu.vector_store %arg12[%swap3A_92, %swap3A_93], %max3A {strides = array<i32>} : memref<64x384xf32, #tpu.memory_space<vmem>>, vector<1x384xf32>,
      %get3A_95 = arith.index_cast %while3A_34 : i32 to index
      %get3A_96 = arith.constant 0 : index
      %get3A_97 = vector.load %arg13[%get3A_95, %get3A_96] : memref<64x1xf32, #tpu.memory_space<vmem>>, vector<1x1xf32>
      %add3A_98 = arith.addf %get3A_97, %broadcast_in_dim3A_82 : vector<1x1xf32>
      %swap3A_99 = arith.index_cast %while3A_34 : i32 to index
      %swap3A_100 = arith.constant 0 : index
      %swap3A_101 = vector.load %arg13[%swap3A_99, %swap3A_100] : memref<64x1xf32, #tpu.memory_space<vmem>>, vector<1x1xf32>
      tpu.vector_store %arg13[%swap3A_99, %swap3A_100], %add3A_98 {strides = array<i32>} : memref<64x1xf32, #tpu.memory_space<vmem>>, vector<1x1xf32>,
    }
    %while3A_28 = arith.constant 1 : i32
    scf.for %while3A_34 = %while3A_26 to %while3A_22 step %while3A_28  : i32 {
      %eq3A_35 = vector.broadcast %while3A_34 : i32 to vector<1000x1xi32>
      %eq3A_36 = arith.cmpi eq, %get3A_3, %eq3A_35 : vector<1000x1xi32>
      %jit3A = arith.constant 0.000000e+00 : f32
      %broadcast_in_dim3A = vector.shape_cast %eq3A_36 : vector<1000x1xi1> to vector<1000x1xi1>
      %broadcast_in_dim3A_37 = vector.broadcast %broadcast_in_dim3A : vector<1000x1xi1> to vector<1000x128xi1>
      %broadcast_in_dim3A_38 = vector.broadcast %jit3A : f32 to vector<1000x128xf32>
      %select_n3A = arith.select %broadcast_in_dim3A_37, %get3A_6, %broadcast_in_dim3A_38 : vector<1000x128xi1>, vector<1000x128xf32>
      %reduce_sum3A = arith.constant dense<0.000000e+00> : vector<128xf32>
      %reduce_sum3A_39 = vector.multi_reduction <add>, %select_n3A, %reduce_sum3A [0] : vector<1000x128xf32> to vector<128xf32>
      %broadcast_in_dim3A_40 = vector.shape_cast %reduce_sum3A_39 : vector<128xf32> to vector<1x128xf32>
      %jit3A_41 = arith.constant 0.000000e+00 : f32
      %broadcast_in_dim3A_42 = vector.shape_cast %eq3A_36 : vector<1000x1xi1> to vector<1000x1xi1>
      %broadcast_in_dim3A_43 = vector.broadcast %broadcast_in_dim3A_42 : vector<1000x1xi1> to vector<1000x128xi1>
      %broadcast_in_dim3A_44 = vector.broadcast %jit3A_41 : f32 to vector<1000x128xf32>
      %select_n3A_45 = arith.select %broadcast_in_dim3A_43, %get3A_9, %broadcast_in_dim3A_44 : vector<1000x128xi1>, vector<1000x128xf32>
      %reduce_sum3A_46 = arith.constant dense<0.000000e+00> : vector<128xf32>
      %reduce_sum3A_47 = vector.multi_reduction <add>, %select_n3A_45, %reduce_sum3A_46 [0] : vector<1000x128xf32> to vector<128xf32>
      %broadcast_in_dim3A_48 = vector.shape_cast %reduce_sum3A_47 : vector<128xf32> to vector<1x128xf32>
      %jit3A_49 = arith.constant 0.000000e+00 : f32
      %broadcast_in_dim3A_50 = vector.shape_cast %eq3A_36 : vector<1000x1xi1> to vector<1000x1xi1>
      %broadcast_in_dim3A_51 = vector.broadcast %broadcast_in_dim3A_50 : vector<1000x1xi1> to vector<1000x128xi1>
      %broadcast_in_dim3A_52 = vector.broadcast %jit3A_49 : f32 to vector<1000x128xf32>
      %select_n3A_53 = arith.select %broadcast_in_dim3A_51, %get3A_12, %broadcast_in_dim3A_52 : vector<1000x128xi1>, vector<1000x128xf32>
      %reduce_sum3A_54 = arith.constant dense<0.000000e+00> : vector<128xf32>
      %reduce_sum3A_55 = vector.multi_reduction <add>, %select_n3A_53, %reduce_sum3A_54 [0] : vector<1000x128xf32> to vector<128xf32>
      %broadcast_in_dim3A_56 = vector.shape_cast %reduce_sum3A_55 : vector<128xf32> to vector<1x128xf32>
      %concatenate3A = tpu.concatenate %broadcast_in_dim3A_40, %broadcast_in_dim3A_48, %broadcast_in_dim3A_56 in 1 : vector<1x128xf32>, vector<1x128xf32>, vector<1x128xf32> -> vector<1x384xf32>
      %broadcast_in_dim3A_57 = vector.shape_cast %eq3A_36 : vector<1000x1xi1> to vector<1000x1xi1>
      %broadcast_in_dim3A_58 = vector.broadcast %broadcast_in_dim3A_57 : vector<1000x1xi1> to vector<1000x128xi1>
      %broadcast_in_dim3A_59 = vector.broadcast %while3A_20 : f32 to vector<1000x128xf32>
      %select_n3A_60 = arith.select %broadcast_in_dim3A_58, %get3A_6, %broadcast_in_dim3A_59 : vector<1000x128xi1>, vector<1000x128xf32>
      %reduce_max3A = arith.constant dense<0xFF800000> : vector<128xf32>
      %reduce_max3A_61 = vector.multi_reduction <maximumf>, %select_n3A_60, %reduce_max3A [0] : vector<1000x128xf32> to vector<128xf32>
      %broadcast_in_dim3A_62 = vector.shape_cast %reduce_max3A_61 : vector<128xf32> to vector<1x128xf32>
      %broadcast_in_dim3A_63 = vector.shape_cast %eq3A_36 : vector<1000x1xi1> to vector<1000x1xi1>
      %broadcast_in_dim3A_64 = vector.broadcast %broadcast_in_dim3A_63 : vector<1000x1xi1> to vector<1000x128xi1>
      %broadcast_in_dim3A_65 = vector.broadcast %while3A_20 : f32 to vector<1000x128xf32>
      %select_n3A_66 = arith.select %broadcast_in_dim3A_64, %get3A_9, %broadcast_in_dim3A_65 : vector<1000x128xi1>, vector<1000x128xf32>
      %reduce_max3A_67 = arith.constant dense<0xFF800000> : vector<128xf32>
      %reduce_max3A_68 = vector.multi_reduction <maximumf>, %select_n3A_66, %reduce_max3A_67 [0] : vector<1000x128xf32> to vector<128xf32>
      %broadcast_in_dim3A_69 = vector.shape_cast %reduce_max3A_68 : vector<128xf32> to vector<1x128xf32>
      %broadcast_in_dim3A_70 = vector.shape_cast %eq3A_36 : vector<1000x1xi1> to vector<1000x1xi1>
      %broadcast_in_dim3A_71 = vector.broadcast %broadcast_in_dim3A_70 : vector<1000x1xi1> to vector<1000x128xi1>
      %broadcast_in_dim3A_72 = vector.broadcast %while3A_20 : f32 to vector<1000x128xf32>
      %select_n3A_73 = arith.select %broadcast_in_dim3A_71, %get3A_12, %broadcast_in_dim3A_72 : vector<1000x128xi1>, vector<1000x128xf32>
      %reduce_max3A_74 = arith.constant dense<0xFF800000> : vector<128xf32>
      %reduce_max3A_75 = vector.multi_reduction <maximumf>, %select_n3A_73, %reduce_max3A_74 [0] : vector<1000x128xf32> to vector<128xf32>
      %broadcast_in_dim3A_76 = vector.shape_cast %reduce_max3A_75 : vector<128xf32> to vector<1x128xf32>
      %concatenate3A_77 = tpu.concatenate %broadcast_in_dim3A_62, %broadcast_in_dim3A_69, %broadcast_in_dim3A_76 in 1 : vector<1x128xf32>, vector<1x128xf32>, vector<1x128xf32> -> vector<1x384xf32>
      %convert_element_type3A_78 = arith.extui %eq3A_36 : vector<1000x1xi1> to vector<1000x1xi32>
      %convert_element_type3A_79 = arith.sitofp %convert_element_type3A_78 : vector<1000x1xi32> to vector<1000x1xf32>
      %reduce_sum3A_80 = arith.constant dense<0.000000e+00> : vector<1xf32>
      %reduce_sum3A_81 = vector.multi_reduction <add>, %convert_element_type3A_79, %reduce_sum3A_80 [0] : vector<1000x1xf32> to vector<1xf32>
      %broadcast_in_dim3A_82 = vector.shape_cast %reduce_sum3A_81 : vector<1xf32> to vector<1x1xf32>
      %get3A_83 = arith.index_cast %while3A_34 : i32 to index
      %get3A_84 = arith.constant 0 : index
      %get3A_85 = vector.load %arg11[%get3A_83, %get3A_84] : memref<64x384xf32, #tpu.memory_space<vmem>>, vector<1x384xf32>
      %add3A_86 = arith.addf %get3A_85, %concatenate3A : vector<1x384xf32>
      %swap3A = arith.index_cast %while3A_34 : i32 to index
      %swap3A_87 = arith.constant 0 : index
      %swap3A_88 = vector.load %arg11[%swap3A, %swap3A_87] : memref<64x384xf32, #tpu.memory_space<vmem>>, vector<1x384xf32>
      tpu.vector_store %arg11[%swap3A, %swap3A_87], %add3A_86 {strides = array<i32>} : memref<64x384xf32, #tpu.memory_space<vmem>>, vector<1x384xf32>,
      %get3A_89 = arith.index_cast %while3A_34 : i32 to index
      %get3A_90 = arith.constant 0 : index
      %get3A_91 = vector.load %arg12[%get3A_89, %get3A_90] : memref<64x384xf32, #tpu.memory_space<vmem>>, vector<1x384xf32>
      %max3A = arith.maximumf %get3A_91, %concatenate3A_77 : vector<1x384xf32>
      %swap3A_92 = arith.index_cast %while3A_34 : i32 to index
      %swap3A_93 = arith.constant 0 : index
      %swap3A_94 = vector.load %arg12[%swap3A_92, %swap3A_93] : memref<64x384xf32, #tpu.memory_space<vmem>>, vector<1x384xf32>
      tpu.vector_store %arg12[%swap3A_92, %swap3A_93], %max3A {strides = array<i32>} : memref<64x384xf32, #tpu.memory_space<vmem>>, vector<1x384xf32>,
      %get3A_95 = arith.index_cast %while3A_34 : i32 to index
      %get3A_96 = arith.constant 0 : index
      %get3A_97 = vector.load %arg13[%get3A_95, %get3A_96] : memref<64x1xf32, #tpu.memory_space<vmem>>, vector<1x1xf32>
      %add3A_98 = arith.addf %get3A_97, %broadcast_in_dim3A_82 : vector<1x1xf32>
      %swap3A_99 = arith.index_cast %while3A_34 : i32 to index
      %swap3A_100 = arith.constant 0 : index
      %swap3A_101 = vector.load %arg13[%swap3A_99, %swap3A_100] : memref<64x1xf32, #tpu.memory_space<vmem>>, vector<1x1xf32>
      tpu.vector_store %arg13[%swap3A_99, %swap3A_100], %add3A_98 {strides = array<i32>} : memref<64x1xf32, #tpu.memory_space<vmem>>, vector<1x1xf32>,
    }
    %eq3A_29 = arith.constant 9 : i32
    %eq3A_30 = arith.cmpi eq, %arg0, %eq3A_29 : i32
    %convert_element_type3A_31 = arith.extui %eq3A_30 : i1 to i32
    %cond3A_32 = arith.constant 0 : i32
    %cond3A_33 = arith.cmpi ne, %convert_element_type3A_31, %cond3A_32 : i32
    scf.if %cond3A_33 {
      %get3A_34 = arith.constant 0 : index
      %get3A_35 = arith.constant 0 : index
      %get3A_36 = vector.load %arg11[%get3A_34, %get3A_35] : memref<64x384xf32, #tpu.memory_space<vmem>>, vector<64x384xf32>
      %get3A_37 = arith.constant 0 : index
      %get3A_38 = arith.constant 0 : index
      %get3A_39 = vector.load %arg13[%get3A_37, %get3A_38] : memref<64x1xf32, #tpu.memory_space<vmem>>, vector<64x1xf32>
      %max3A = arith.constant 1.000000e+00 : f32
      %max3A_40 = vector.broadcast %max3A : f32 to vector<64x1xf32>
      %max3A_41 = arith.maximumf %get3A_39, %max3A_40 : vector<64x1xf32>
      %div3A = vector.broadcast %max3A_41 : vector<64x1xf32> to vector<64x384xf32>
      %div3A_42 = arith.divf %get3A_36, %div3A : vector<64x384xf32>
      %gt3A = arith.constant 0.000000e+00 : f32
      %gt3A_43 = vector.broadcast %gt3A : f32 to vector<64x1xf32>
      %gt3A_44 = arith.cmpf ogt, %get3A_39, %gt3A_43 : vector<64x1xf32>
      %get3A_45 = arith.constant 0 : index
      %get3A_46 = arith.constant 0 : index
      %get3A_47 = vector.load %arg12[%get3A_45, %get3A_46] : memref<64x384xf32, #tpu.memory_space<vmem>>, vector<64x384xf32>
      %jit3A = arith.constant 0.000000e+00 : f32
      %broadcast_in_dim3A = vector.shape_cast %gt3A_44 : vector<64x1xi1> to vector<64x1xi1>
      %broadcast_in_dim3A_48 = vector.broadcast %broadcast_in_dim3A : vector<64x1xi1> to vector<64x384xi1>
      %broadcast_in_dim3A_49 = vector.broadcast %jit3A : f32 to vector<64x384xf32>
      %select_n3A = arith.select %broadcast_in_dim3A_48, %get3A_47, %broadcast_in_dim3A_49 : vector<64x384xi1>, vector<64x384xf32>
      %concatenate3A = tpu.concatenate %get3A_36, %div3A_42, %select_n3A in 1 : vector<64x384xf32>, vector<64x384xf32>, vector<64x384xf32> -> vector<64x1152xf32>
      %get3A_50 = arith.constant 0 : index
      %get3A_51 = arith.constant 0 : index
      %get3A_52 = vector.load %arg6[%get3A_50, %get3A_51] : memref<1152x128xf32, #tpu.memory_space<vmem>>, vector<1152x128xf32>
      %dot_general3A = arith.constant dense<0.000000e+00> : vector<64x128xf32>
      %dot_general3A_53 = tpu.matmul %concatenate3A, %get3A_52, %dot_general3A {dimension_numbers = #tpu.dot_dimension_numbers<[1], [0], [0], [1], [0, 0, 1, 1], [], []>, transpose_lhs_hint = false} : vector<64x1152xf32>, vector<1152x128xf32>, vector<64x128xf32> -> vector<64x128xf32>
      %get3A_54 = arith.constant 0 : index
      %get3A_55 = arith.constant 0 : index
      %get3A_56 = vector.load %arg7[%get3A_54, %get3A_55] : memref<1x128xf32, #tpu.memory_space<vmem>>, vector<1x128xf32>
      %add3A_57 = vector.broadcast %get3A_56 : vector<1x128xf32> to vector<64x128xf32>
      %add3A_58 = arith.addf %dot_general3A_53, %add3A_57 : vector<64x128xf32>
      %max3A_59 = arith.constant 0.000000e+00 : f32
      %max3A_60 = vector.broadcast %max3A_59 : f32 to vector<64x128xf32>
      %max3A_61 = arith.maximumf %add3A_58, %max3A_60 : vector<64x128xf32>
      %get3A_62 = arith.constant 0 : index
      %get3A_63 = arith.constant 0 : index
      %get3A_64 = vector.load %arg8[%get3A_62, %get3A_63] : memref<128x2xf32, #tpu.memory_space<vmem>>, vector<128x2xf32>
      %dot_general3A_65 = arith.constant dense<0.000000e+00> : vector<64x2xf32>
      %dot_general3A_66 = tpu.matmul %max3A_61, %get3A_64, %dot_general3A_65 {dimension_numbers = #tpu.dot_dimension_numbers<[1], [0], [0], [1], [0, 0, 1, 1], [], []>, transpose_lhs_hint = false} : vector<64x128xf32>, vector<128x2xf32>, vector<64x2xf32> -> vector<64x2xf32>
      %get3A_67 = arith.constant 0 : index
      %get3A_68 = arith.constant 0 : index
      %get3A_69 = vector.load %arg9[%get3A_67, %get3A_68] : memref<1x2xf32, #tpu.memory_space<vmem>>, vector<1x2xf32>
      %add3A_70 = vector.broadcast %get3A_69 : vector<1x2xf32> to vector<64x2xf32>
      %add3A_71 = arith.addf %dot_general3A_66, %add3A_70 : vector<64x2xf32>
      %reduce_max3A = arith.constant dense<0xFF800000> : vector<64xf32>
      %reduce_max3A_72 = vector.multi_reduction <maximumf>, %add3A_71, %reduce_max3A [1] : vector<64x2xf32> to vector<64xf32>
      %broadcast_in_dim3A_73 = vector.shape_cast %reduce_max3A_72 : vector<64xf32> to vector<64x1xf32>
      %sub3A = vector.broadcast %broadcast_in_dim3A_73 : vector<64x1xf32> to vector<64x2xf32>
      %sub3A_74 = arith.subf %add3A_71, %sub3A : vector<64x2xf32>
      %exp3A = math.exp %sub3A_74 : vector<64x2xf32>
      %sub3A_75 = vector.broadcast %broadcast_in_dim3A_73 : vector<64x1xf32> to vector<64x2xf32>
      %sub3A_76 = arith.subf %add3A_71, %sub3A_75 : vector<64x2xf32>
      %reduce_sum3A = arith.constant dense<0.000000e+00> : vector<64xf32>
      %reduce_sum3A_77 = vector.multi_reduction <add>, %exp3A, %reduce_sum3A [1] : vector<64x2xf32> to vector<64xf32>
      %broadcast_in_dim3A_78 = vector.shape_cast %reduce_sum3A_77 : vector<64xf32> to vector<64x1xf32>
      %log3A = math.log %broadcast_in_dim3A_78 : vector<64x1xf32>
      %sub3A_79 = vector.broadcast %log3A : vector<64x1xf32> to vector<64x2xf32>
      %sub3A_80 = arith.subf %sub3A_76, %sub3A_79 : vector<64x2xf32>
      %swap3A = arith.constant 0 : index
      %swap3A_81 = arith.constant 0 : index
      %swap3A_82 = vector.load %arg10[%swap3A, %swap3A_81] : memref<64x2xf32, #tpu.memory_space<vmem>>, vector<64x2xf32>
      tpu.vector_store %arg10[%swap3A, %swap3A_81], %sub3A_80 {strides = array<i32>} : memref<64x2xf32, #tpu.memory_space<vmem>>, vector<64x2xf32>,
    } else {
    }
    return
  }
  func.func @transform_0(%arg0: i32) -> (i32, i32) {
    %c0_i32 = arith.constant 0 : i32
    %c0_i32_0 = arith.constant 0 : i32
    %c0_i32_1 = arith.constant 0 : i32
    return %c0_i32, %c0_i32_0 : i32, i32
  }
  func.func @transform_1(%arg0: i32) -> (i32, i32) {
    %c0_i32 = arith.constant 0 : i32
    %c0_i32_0 = arith.constant 0 : i32
    return %arg0, %c0_i32 : i32, i32
  }
  func.func @transform_2(%arg0: i32) -> (i32, i32) {
    %c0_i32 = arith.constant 0 : i32
    %c0_i32_0 = arith.constant 0 : i32
    return %arg0, %c0_i32 : i32, i32
  }
  func.func @transform_3(%arg0: i32) -> (i32, i32) {
    %c0_i32 = arith.constant 0 : i32
    %c0_i32_0 = arith.constant 0 : i32
    return %arg0, %c0_i32 : i32, i32
  }
  func.func @transform_4(%arg0: i32) -> (i32, i32) {
    %c0_i32 = arith.constant 0 : i32
    %c0_i32_0 = arith.constant 0 : i32
    return %arg0, %c0_i32 : i32, i32
  }
  func.func @transform_5(%arg0: i32) -> (i32, i32) {
    %c0_i32 = arith.constant 0 : i32
    %c0_i32_0 = arith.constant 0 : i32
    %c0_i32_1 = arith.constant 0 : i32
    return %c0_i32, %c0_i32_0 : i32, i32
  }
  func.func @transform_6(%arg0: i32) -> (i32, i32) {
    %c0_i32 = arith.constant 0 : i32
    %c0_i32_0 = arith.constant 0 : i32
    %c0_i32_1 = arith.constant 0 : i32
    return %c0_i32, %c0_i32_0 : i32, i32
  }
  func.func @transform_7(%arg0: i32) -> (i32, i32) {
    %c0_i32 = arith.constant 0 : i32
    %c0_i32_0 = arith.constant 0 : i32
    %c0_i32_1 = arith.constant 0 : i32
    return %c0_i32, %c0_i32_0 : i32, i32
  }
  func.func @transform_8(%arg0: i32) -> (i32, i32) {
    %c0_i32 = arith.constant 0 : i32
    %c0_i32_0 = arith.constant 0 : i32
    %c0_i32_1 = arith.constant 0 : i32
    return %c0_i32, %c0_i32_0 : i32, i32
  }
  func.func @transform_9(%arg0: i32) -> (i32, i32) {
    %c0_i32 = arith.constant 0 : i32
    %c0_i32_0 = arith.constant 0 : i32
    %c0_i32_1 = arith.constant 0 : i32
    return %c0_i32, %c0_i32_0 : i32, i32
  }
}

</mosaic_0001>

<sc_bundles>
// kernel: _impl.11.cloned.1.call-start
scs
__scs_entry_jumppad:
0x0: {  	(pc) =	sbr.rel $0x88, $3  }
0x1: {  	(tag) =	ssettag $0x0;
	lr =	simm.s32 $0x1  }
0x2: {  	[smem:$0x3F94] =	sst lr;
	_ =	strace $0xD0000000  }
0x3: {  	_ = 	snop  }
0x4: {  	_ = 	snop  }
0x5: {  	_ = 	snop  }
0x6: {  	_ = 	snop  }
0x7: {  	_ = 	snop  }
__scs_overlays_trampoline_lowered:
0x8: {  	[smem:$0x3FA3] =	sst s0  }
0x9: {  	[smem:$0x3FA4] =	sst s1  }
0xa: {  	[smem:$0x3FA5] =	sst s2  }
0xb: {  	[smem:$0x3FA6] =	sst s3  }
0xc: {  	[smem:$0x3FA7] =	sst s4  }
0xd: {  	[smem:$0x3FA8] =	sst s5  }
0xe: {  	[smem:$0x3FA9] =	sst s6  }
0xf: {  	[smem:$0x3FAA] =	sst s7  }
0x10: {  	[smem:$0x3FAB] =	sst s8  }
0x11: {  	[smem:$0x3FAC] =	sst s9;
	s0 =	simm.s32 @!p0 $0x0  }
0x12: {  	s1 =	sld [smem:$0x3F92];
	s0 =	simm.s32 @p0 $0x1  }
0x13: {  	[smem:$0x3FAD] =	sst s0;
	s0 =	simm.s32 @!p1 $0x0  }
0x14: {  	s2 =	sld [smem:$0x3F91];
	s0 =	simm.s32 @p1 $0x1  }
0x15: {  	[smem:$0x3FAE] =	sst s0;
	s0 =	simm.s32 @!p2 $0x0  }
0x16: {  	s3 =	sld [smem:$0x3FDB];
	s0 =	simm.s32 @p2 $0x1  }
0x17: {  	s4 =	simm.s32 $0x1BF5;
	[smem:$0x3FB0] =	sst s0  }
0x18: {  	s0 =	sld [smem:$0x3F93];
	_ =	swait.ge [sflag:s4], $0x0  }
0x19: {  	s7 =	sld [smem:$0x3F94]  }
0x1a: {  	s8 =	sadd.s32 $0xFFFFE003, lr  }
0x1b: {  	s9 =	sadd.s32 $0xFFFFFEF7, lr;
	s5 =	simm.s32 $0xFFFFFFFF;
	p2 =	slt.u32 s8, $0xFFFFF086  }
0x1c: {  	p1 =	slt.u32 s9, $0xF7A;
	s5 =	simm.s32 @!p2 $0x0  }
0x1d: {  	s5 =	simm.s32 @p1 $0x1;
	p0 =	seq.s32 s7, s2  }
0x1e: {  	s7 =	smul.u32 @!p0 $0xF7A, s2;
	p2 =	seq.s32 @!p0 s5, $0x0  }
0x1f: {  	s9 =	smul.u32 $0xF7A, s1;
	s8 =	simm.s32 @!p0 $0x1BF5;
	p2 =	por !p2, p0  }
0x20: {  	[sflag:s8] =	ssyncset.s32 @!p0 $0xFFFFF086;
	s6 =	sadd.s32 @!p0 s3, s7;
	s7 =	simm.s32 @!p0 $0x108  }
0x21: {  	s3 =	sadd.s32 s3, s9;
	s6 =	sadd.s32 @!p0 $0x88, s6;
	s7 =	simm.s32 @p2 $0x1082  }
0x22: {  	[simem:s7], [sflag:s8] =	dma.local @!p0 [hbm:s6], $0xF7A  }
0x23: {  	s9 =	sor.u32 $0xD0000000, s2;
	s6 =	simm.s32 $0x108;
	_ =	swait.ge @!p0 [sflag:s8], $0x0  }
0x24: {  	s3 =	sadd.s32 $0x88, s3;
	s6 =	simm.s32 @!p1 $0x1082;
	[sflag:s4] =	ssyncset.s32 $0xFFFFF086  }
0x25: {  	[simem:s6], [sflag:s4] =	dma.local [hbm:s3], $0xF7A  }
0x26: {  	[smem:$0x3F94] =	sst s1;
	(tag) =	ssettag s2;
	_ =	strace s9  }
0x27: {  	s1 =	sld [smem:$0x3FA4]  }
0x28: {  	s2 =	sld [smem:$0x3FA5]  }
0x29: {  	s4 =	sld [smem:$0x3FA7]  }
0x2a: {  	p0 =	seq.s32 s5, $0x0;
	s5 =	sld [smem:$0x3FA8]  }
0x2b: {  	s6 =	sld [smem:$0x3FA9]  }
0x2c: {  	s7 =	sld [smem:$0x3FAA]  }
0x2d: {  	s3 =	simm.s32 $0x108;
	s8 =	sld [smem:$0x3FAB]  }
0x2e: {  	s3 =	simm.s32 @!p0 $0x1082;
	s9 =	sld [smem:$0x3FAC]  }
0x2f: {  	lr =	sadd.s32 s0, s3;
	s0 =	sld [smem:$0x3FA3]  }
0x30: {  	s3 =	sld [smem:$0x3FA6]  }
0x31: {  	[smem:$0x3FAF] =	sst s10  }
0x32: {  	s10 =	sld [smem:$0x3FAD];
	_ =	sdelay $0x3  }
0x33: {  	p0 =	seq.s32 s10, $0x1;
	s10 =	sld [smem:$0x3FAF];
	_ =	sdelay $0x3  }
0x34: {  	[smem:$0x3FAF] =	sst s10  }
0x35: {  	s10 =	sld [smem:$0x3FAE];
	_ =	sdelay $0x3  }
0x36: {  	p1 =	seq.s32 s10, $0x1;
	s10 =	sld [smem:$0x3FAF];
	_ =	sdelay $0x3  }
0x37: {  	[smem:$0x3FAF] =	sst s10  }
0x38: {  	s10 =	sld [smem:$0x3FB0]  }
0x39: {  	_ = 	snop;
	(pc) =	sbr.ind lr, $3  }
0x3a: {  	_ = 	snop  }
0x3b: {  	_ = 	snop  }
0x3c: {  	p2 =	seq.s32 s10, $0x1;
	s10 =	sld [smem:$0x3FAF]  }
0x3d: {  	_ =	shalt  }
0x3e: {  	_ =	shalt  }
0x3f: {  	_ =	shalt  }
0x40: {  	_ =	shalt  }
0x41: {  	_ =	shalt  }
0x42: {  	_ =	shalt  }
0x43: {  	_ =	shalt  }
0x44: {  	_ =	shalt  }
0x45: {  	_ =	shalt  }
0x46: {  	_ =	shalt  }
0x47: {  	_ =	shalt  }
0x48: {  	_ =	shalt  }
0x49: {  	_ =	shalt  }
0x4a: {  	_ =	shalt  }
0x4b: {  	_ =	shalt  }
0x4c: {  	_ =	shalt  }
0x4d: {  	_ =	shalt  }
0x4e: {  	_ =	shalt  }
0x4f: {  	_ =	shalt  }
0x50: {  	_ =	shalt  }
0x51: {  	_ =	shalt  }
0x52: {  	_ =	shalt  }
0x53: {  	_ =	shalt  }
0x54: {  	_ =	shalt  }
0x55: {  	_ =	shalt  }
0x56: {  	_ =	shalt  }
0x57: {  	_ =	shalt  }
0x58: {  	_ =	shalt  }
0x59: {  	_ =	shalt  }
0x5a: {  	_ =	shalt  }
0x5b: {  	_ =	shalt  }
0x5c: {  	_ =	shalt  }
0x5d: {  	_ =	shalt  }
0x5e: {  	_ =	shalt  }
0x5f: {  	_ =	shalt  }
0x60: {  	_ =	shalt  }
0x61: {  	_ =	shalt  }
0x62: {  	_ =	shalt  }
0x63: {  	_ =	shalt  }
0x64: {  	_ =	shalt  }
0x65: {  	_ =	shalt  }
0x66: {  	_ =	shalt  }
0x67: {  	_ =	shalt  }
0x68: {  	_ =	shalt  }
0x69: {  	_ =	shalt  }
0x6a: {  	_ =	shalt  }
0x6b: {  	_ =	shalt  }
0x6c: {  	_ =	shalt  }
0x6d: {  	_ =	shalt  }
0x6e: {  	_ =	shalt  }
0x6f: {  	_ =	shalt  }
0x70: {  	_ =	shalt  }
0x71: {  	_ =	shalt  }
0x72: {  	_ =	shalt  }
0x73: {  	_ =	shalt  }
0x74: {  	_ =	shalt  }
0x75: {  	_ =	shalt  }
0x76: {  	_ =	shalt  }
0x77: {  	_ =	shalt  }
0x78: {  	_ =	shalt  }
0x79: {  	_ =	shalt  }
0x7a: {  	_ =	shalt  }
0x7b: {  	_ =	shalt  }
0x7c: {  	_ =	shalt  }
0x7d: {  	_ =	shalt  }
0x7e: {  	_ =	shalt  }
0x7f: {  	_ =	shalt  }
0x80: {  	_ =	shalt  }
0x81: {  	_ =	shalt  }
0x82: {  	_ =	shalt  }
0x83: {  	_ =	shalt  }
0x84: {  	_ =	shalt  }
0x85: {  	_ =	shalt  }
0x86: {  	_ =	shalt  }
0x87: {  	_ =	shalt  }
.Lfunc_end0:
.L_simem_size_0:
called_computation_lowered:
.L_overlay_start_0:
0x88: {  	s2 =	sld [smem:$0x3FD9]  }
0x89: {  	s3 =	sld [smem:$0x3FFE];
	_ =	sdelay $0x1  }
0x8a: {  	s1 =	srdreg.scid  }
0x8b: {  	s0 =	sand.u32 $0x1, s1  }
0x8c: {  	s16 =	sshll.u32 s0, $0xA;
	s2 =	sadd.s32 s3, s2  }
0x8d: {  	s2 =	sadd.s32 s2, s16  }
0x8e: {  	[smem:$0x3FBB] =	sst s2  }
0x8f: {  	_ = 	snop  }
0x90: {  	(tm) =	ssettm $0x1  }
0x91: {  	s17 =	sld [smem:$0x3FFB];
	_ =	sdelay $0x3  }
0x92: {  	_ =	strace s17  }
0x93: {  	s2 =	sld [smem:$0x3FFC];
	_ =	sdelay $0x3  }
0x94: {  	_ =	strace s2  }
0x95: {  	s2 =	sld [smem:$0x3FFD];
	_ =	sdelay $0x3  }
0x96: {  	_ =	strace s2  }
0x97: {  	_ =	strace $0x8FFFFFFF  }
0x98: {  	s18 =	sld [smem:$0x3FDB];
	_ =	sdelay $0x1  }
0x99: {  	s19 =	simm.s32 $_scs_section_size  }
0x9a: {  	s4 =	simm.s32 $_size__tile_overlayer_lowered;
	s5 =	simm.s32 $_tile_overlayer_lowered  }
0x9b: {  	s22 =	simm.s32 $0x1BFF;
	s21 =	sshll.u32 s5, $0x1;
	s2 =	sadd.s32 s19, s18  }
0x9c: {  	s6 =	simm.s32 $0x0;
	s20 =	sshll.u32 s4, $0x1;
	s4 =	sadd.s32 s21, s2  }
0x9d: {  	[timem:s6], [sflag:s22] =	dma.local [hbm:s4], s20  }
0x9e: {  	_ =	swait.ge [sflag:s22], s20  }
0x9f: {  	s3 =	ssub.s32 $0x0, s20;
	[sflag:s22] =	ssyncset.done $0x0  }
0xa0: {  	[sflag:s22] =	ssyncadd.s32 s3;
	_ =	sdelay $0x1  }
0xa1: {  	s23 =	simm.s32 $0x1B8B  }
0xa2: {  	_ =	swait.ge [sflag:s23], $0x1  }
0xa3: {  	[sflag:s23] =	ssyncset.done $0x0  }
0xa4: {  	s25 =	simm.s32 $0x1B8E;
	s24 =	sld [smem:$0x3FFE];
	[sflag:s23] =	ssyncadd.s32 $0xFFFFFFFF  }
0xa5: {  	s26 =	simm.s32 $execute0_lowered;
	[smem:$0x3FD2] =	sst s25  }
0xa6: {  	s4 =	sshll.u32 s26, $0x1;
	_ =	strace $0x80000046;
	[dreg:$0x1] =	wrdreg $0xFFFFFFFF  }
0xa7: {  	s28 =	simm.s32 $_size_execute0_lowered;
	s2 =	sadd.s32 s2, s4;
	[dreg:$0x0] =	wrdreg $0x0  }
0xa8: {  	s4 =	sshll.u32 s28, $0x1;
	[dreg:$0x2] =	wrdreg s2  }
0xa9: {  	[dreg:$0x3] =	wrdreg s4  }
0xaa: {  	[dreg:$0x4] =	wrdreg $0xC0  }
0xab: {  	_ =	task [dreg:s6], $0x5FFFF  }
0xac: {  	[dreg:$0x1] =	wrdreg $0xFFFFFFFF  }
0xad: {  	[dreg:$0x0] =	wrdreg $0x60  }
0xae: {  	[dreg:$0x2] =	wrdreg s24  }
0xaf: {  	[dreg:$0x3] =	wrdreg $0x2C800  }
0xb0: {  	[dreg:$0x4] =	wrdreg $0x9  }
0xb1: {  	_ =	task.clear_ibuf [dreg:s6], $0x5FFFF;
	_ =	strace $0x90000046  }
0xb2: {  	s29 =	simm.s32 $0x9;
	_ =	strace $0x80000048  }
0xb3: {  	_ =	swait.ge [sflag:s29], $0x1  }
0xb4: {  	[sflag:s29] =	ssyncadd.s32 $0xFFFFFFFF  }
0xb5: {  	_ =	strace $0x90000048  }
0xb6: {  	_ =	sfence  }
0xb7: {  	s30 =	sld [smem:$0x0];
	_ =	sdelay $0x2  }
0xb8: {  	s31 =	sshll.u32 s1, $0xD;
	s1 =	sshrl.u32 s1, $0x2  }
0xb9: {  	s3 =	sand.u32 $0x4000, s31;
	s1 =	sadd.s32 s1, s30  }
0xba: {  	s0 =	sor.u32 s3, s0;
	s1 =	sshll.u32 s1, $0x11  }
0xbb: {  	s0 =	sor.u32 s1, s0  }
0xbc: {  	s0 =	sadd.s32 $0x8F2B, s0  }
0xbd: {  	[sflag:s0] =	ssyncadd.remote.s32 $0x1  }
0xbe: {  	_ =	sfence.sel $0xFFFF  }
0xbf: {  	[dreg:$0x0] =	wrdreg $0xFFFFFFFF;
	(pc) =	sbr.abs _section_cstart, $3  }
0xc0: {  	[dreg:$0x1] =	wrdreg $0xFFFFFFFF  }
0xc1: {  	_ =	task.clear_ibuf [dreg:s6], $0x2FFFF;
	_ =	strace $0x9FFFFFFF  }
0xc2: {  	(tm) =	ssettm $0x7FFFFFFF  }
0xc3: {  	_ =	shalt  }
tec
execute0_lowered:
.L_overlay_start_1:
0x0: {  	(tag) =	ssettag $0x1  }
0x1: {  	s0 =	srdreg.scid;
	s5 =	rddreg [dreg:$0x0]  }
0x2: {  	s2 =	rddreg [dreg:$0x1];
	s3 =	simm.s32 $0x0;
	s12 =	simm.s32 $0x2C00  }
0x3: {  	s13 =	simm.s32 $0x20;
	s4 =	sand.u32 $0x1, s0;
	s0 =	stileid.u32  }
0x4: {  	s14 =	simm.s32 $0x10;
	s15 =	simm.s32 $0x0;
	s7 =	smul.u32 $0x500, s0  }
0x5: {  	[smem:$0x7FF] =	sst s3;
	s1 =	sshll.u32 s4, $0x4;
	s8 =	smul.u32 $0x280, s0  }
0x6: {  	s9 =	sshll.u32 s4, $0x7;
	s4 =	ssub.s32 $0x2, s4;
	s1 =	sor.u32 s0, s1  }
0x7: {  	s31 =	sshll.u32 s0, $0x6;
	s30 =	sshrl.u32 s4, $0x1;
	s6 =	smul.u32 $0x580, s1  }
0x8: {  	s1 =	rddreg [dreg:$0x2];
	_ =	strace $0x80000047;
	s7 =	sor.u32 s9, s7  }
0x9: {  	s29 =	sshrl.u32 s8, $0x3;
	s10 =	ssub.s32 s4, s30;
	s11 =	sadd.s32 s8, s2  }
0xa: {  	s8 =	simm.s32 $0x1;
	s7 =	sshrl.u32 s7, $0x3;
	s9 =	sadd.s32 s29, s5  }
0xb: {  	s6 =	sadd.s32 s6, s5;
	s7 =	sadd.s32 s7, s5;
	s5 =	sadd.s32 $0x1A000, s9  }
0xc: {  	s9 =	sor.u32 $0x1C01, s31;
	s4 =	sadd.s32 $0x4000, s6;
	s6 =	sadd.s32 $0x1A600, s7  }
0xd: {  	v0 =	vimm.f32 $1.000000000e+00;
	s7 =	smax.u32 s10, $0x1;
	s10 =	sshrl.u32 s11, $0x3;
	s11 =	simm.s32 $0x80  }
.LBB2_1:
0xe: {  	[tilespmem:s3], [sflag:$0x1] =	stream.linear.gather [hbm4b:s4+s3], $0x2880, $0x38;
	[tilespmem:$0x2F00] =	vst v63  }
0xf: {  	_ =	swait.ge [sflag:s8], $0x2880  }
0x10: {  	[sflag:s8] =	ssyncset.done $0x0  }
0x11: {  	[sflag:s8] =	ssyncadd.s32 $0xFFFFD780  }
0x12: {  	[tilespmem:$0x2C00] =	vst v0  }
0x13: {  	[tilespmem:$0x2C10] =	vst v0  }
0x14: {  	[tilespmem:$0x2C20] =	vst v0  }
0x15: {  	[tilespmem:$0x2C30] =	vst v0  }
0x16: {  	[tilespmem:$0x2C40] =	vst v0  }
0x17: {  	[tilespmem:$0x2C50] =	vst v0  }
0x18: {  	[tilespmem:$0x2C60] =	vst v0  }
0x19: {  	[tilespmem:$0x2C70] =	vst v0  }
0x1a: {  	[spmem:s10], [sflag:s9] =	dma.local [hbm:s5], $0x50  }
0x1b: {  	_ =	swait.ge [sflag:s8], $0x50  }
0x1c: {  	[sflag:s8] =	ssyncset.done $0x0  }
0x1d: {  	[sflag:s8] =	ssyncadd.s32 $0xFFFFFFB0  }
0x1e: {  	s16 =	simm.s32 $0x0;
	[bflag:$0x0] =	sbarrier.arrive $0xFFFF  }
0x1f: {  	[spmem:s2] =	stream.indirect.scatter.add.f32 [tilespmem:s12], [sflag:$0x1], $0x1, s16, s11, $0xb8;
	[tilespmem:$0x2F00] =	vst v63  }
0x20: {  	_ =	swait.ge [sflag:s8], $0x80  }
0x21: {  	s16 =	simm.s32 $0x200;
	[sflag:s8] =	ssyncset.done $0x0  }
.LBB2_2:
0x22: {  	s17 =	sshra.s32 s16, $0x2;
	[sflag:s8] =	ssyncadd.s32 $0xFFFFFF80;
	p0 =	sne.s32 s16, $0xA000  }
0x23: {  	[spmem:s2] =	stream.indirect.scatter.add.f32 [tilespmem:s12], [sflag:$0x1], $0x1, s17, s11, $0xb8;
	[tilespmem:$0x2F00] =	vst v63  }
.Ltmp0:
0x24: {  	_ = 	snop;
	(pc) =	sbr.rel @p0 .LBB2_2-.Ltmp0, $4  }
0x25: {  	_ = 	snop  }
0x26: {  	s16 =	sadd.s32 $0x200, s16  }
0x27: {  	_ =	swait.ge [sflag:s8], $0x80  }
0x28: {  	[sflag:s8] =	ssyncset.done $0x0  }
0x29: {  	s15 =	sadd.s32 $0x1, s15  }
0x2a: {  	[sflag:s8] =	ssyncadd.s32 $0xFFFFFF80;
	p0 =	sne.s32 s15, s7  }
.Ltmp1:
0x2b: {  	[bflag:$0x0] =	sbarrier.arrive $0xFFFF;
	(pc) =	sbr.rel @p0 .LBB2_1-.Ltmp1, $4  }
0x2c: {  	[hbm:s6@s13], [sflag:s9] =	dma.strided [spmem:s10@s14], $0x50, s8, $0x10   }
0x2d: {  	_ =	swait.ge [sflag:s8], $0x50  }
0x2e: {  	[sflag:s8] =	ssyncset.done $0x0  }
0x2f: {  	[sflag:s8] =	ssyncadd.s32 $0xFFFFFFB0  }
0x30: {  	_ =	sfence.sel $0x180000  }
0x31: {  	[bflag:$0x0] =	sbarrier.arrive $0xFFFF  }
0x32: {  	p0 =	sne.s32 s0, $0x0;
	_ =	strace $0x90000047  }
0x33: {  	s0 =	sadd.s32 @!p0 $0x100000, s1;
	[bflag:$0x2] =	sbarrier.arrive $0xFFFF  }
0x34: {  	[sflag:s0] =	ssyncadd.tile.s32 @!p0 $0x1;
	_ =	shalt  }
.Lfunc_end2:
_tile_overlayer_lowered:
.L_overlay_start_2:
0x35: {  	(tag) =	ssettag $0x2  }
0x36: {  	s0 =	rddreg [dreg:$0x0];
	s2 =	stileid.u32  }
0x37: {  	s1 =	rddreg [dreg:$0x1];
	p0 =	sne.s32 s2, $0x0  }
0x38: {  	s3 =	rddreg [dreg:$0x2];
	[bflag:$0x3] =	sbarrier.arrive $0xFFFF;
	s2 =	simm.s32 @!p0 $0x1C01  }
0x39: {  	[timem:s3], [sflag:s2] =	dma.local @!p0 [hbm:s0], s1  }
0x3a: {  	s0 =	simm.s32 @!p0 $0x1  }
0x3b: {  	_ =	swait.ge @!p0 [sflag:s0], s1  }
0x3c: {  	s1 =	ssub.s32 @!p0 $0x0, s1;
	[sflag:s0] =	ssyncset.done @!p0 $0x0  }
0x3d: {  	[sflag:s0] =	ssyncadd.s32 @!p0 s1  }
0x3e: {  	[bflag:$0x3] =	sbarrier.arrive $0xFFFF  }
0x3f: {  	_ =	shalt  }

// kernel: _impl.14.cloned.1.call-start
scs
__scs_entry_jumppad:
0x0: {  	(pc) =	sbr.rel $0x88, $3  }
0x1: {  	(tag) =	ssettag $0x0;
	lr =	simm.s32 $0x1  }
0x2: {  	[smem:$0x3F94] =	sst lr;
	_ =	strace $0xD0000000  }
0x3: {  	_ = 	snop  }
0x4: {  	_ = 	snop  }
0x5: {  	_ = 	snop  }
0x6: {  	_ = 	snop  }
0x7: {  	_ = 	snop  }
__scs_overlays_trampoline_lowered:
0x8: {  	[smem:$0x3FA3] =	sst s0  }
0x9: {  	[smem:$0x3FA4] =	sst s1  }
0xa: {  	[smem:$0x3FA5] =	sst s2  }
0xb: {  	[smem:$0x3FA6] =	sst s3  }
0xc: {  	[smem:$0x3FA7] =	sst s4  }
0xd: {  	[smem:$0x3FA8] =	sst s5  }
0xe: {  	[smem:$0x3FA9] =	sst s6  }
0xf: {  	[smem:$0x3FAA] =	sst s7  }
0x10: {  	[smem:$0x3FAB] =	sst s8  }
0x11: {  	[smem:$0x3FAC] =	sst s9;
	s0 =	simm.s32 @!p0 $0x0  }
0x12: {  	s1 =	sld [smem:$0x3F92];
	s0 =	simm.s32 @p0 $0x1  }
0x13: {  	[smem:$0x3FAD] =	sst s0;
	s0 =	simm.s32 @!p1 $0x0  }
0x14: {  	s2 =	sld [smem:$0x3F91];
	s0 =	simm.s32 @p1 $0x1  }
0x15: {  	[smem:$0x3FAE] =	sst s0;
	s0 =	simm.s32 @!p2 $0x0  }
0x16: {  	s3 =	sld [smem:$0x3FDB];
	s0 =	simm.s32 @p2 $0x1  }
0x17: {  	s4 =	simm.s32 $0x1BF5;
	[smem:$0x3FB0] =	sst s0  }
0x18: {  	s0 =	sld [smem:$0x3F93];
	_ =	swait.ge [sflag:s4], $0x0  }
0x19: {  	s7 =	sld [smem:$0x3F94]  }
0x1a: {  	s8 =	sadd.s32 $0xFFFFE003, lr  }
0x1b: {  	s9 =	sadd.s32 $0xFFFFFEF7, lr;
	s5 =	simm.s32 $0xFFFFFFFF;
	p2 =	slt.u32 s8, $0xFFFFF086  }
0x1c: {  	p1 =	slt.u32 s9, $0xF7A;
	s5 =	simm.s32 @!p2 $0x0  }
0x1d: {  	s5 =	simm.s32 @p1 $0x1;
	p0 =	seq.s32 s7, s2  }
0x1e: {  	s7 =	smul.u32 @!p0 $0xF7A, s2;
	p2 =	seq.s32 @!p0 s5, $0x0  }
0x1f: {  	s9 =	smul.u32 $0xF7A, s1;
	s8 =	simm.s32 @!p0 $0x1BF5;
	p2 =	por !p2, p0  }
0x20: {  	[sflag:s8] =	ssyncset.s32 @!p0 $0xFFFFF086;
	s6 =	sadd.s32 @!p0 s3, s7;
	s7 =	simm.s32 @!p0 $0x108  }
0x21: {  	s3 =	sadd.s32 s3, s9;
	s6 =	sadd.s32 @!p0 $0x88, s6;
	s7 =	simm.s32 @p2 $0x1082  }
0x22: {  	[simem:s7], [sflag:s8] =	dma.local @!p0 [hbm:s6], $0xF7A  }
0x23: {  	s9 =	sor.u32 $0xD0000000, s2;
	s6 =	simm.s32 $0x108;
	_ =	swait.ge @!p0 [sflag:s8], $0x0  }
0x24: {  	s3 =	sadd.s32 $0x88, s3;
	s6 =	simm.s32 @!p1 $0x1082;
	[sflag:s4] =	ssyncset.s32 $0xFFFFF086  }
0x25: {  	[simem:s6], [sflag:s4] =	dma.local [hbm:s3], $0xF7A  }
0x26: {  	[smem:$0x3F94] =	sst s1;
	(tag) =	ssettag s2;
	_ =	strace s9  }
0x27: {  	s1 =	sld [smem:$0x3FA4]  }
0x28: {  	s2 =	sld [smem:$0x3FA5]  }
0x29: {  	s4 =	sld [smem:$0x3FA7]  }
0x2a: {  	p0 =	seq.s32 s5, $0x0;
	s5 =	sld [smem:$0x3FA8]  }
0x2b: {  	s6 =	sld [smem:$0x3FA9]  }
0x2c: {  	s7 =	sld [smem:$0x3FAA]  }
0x2d: {  	s3 =	simm.s32 $0x108;
	s8 =	sld [smem:$0x3FAB]  }
0x2e: {  	s3 =	simm.s32 @!p0 $0x1082;
	s9 =	sld [smem:$0x3FAC]  }
0x2f: {  	lr =	sadd.s32 s0, s3;
	s0 =	sld [smem:$0x3FA3]  }
0x30: {  	s3 =	sld [smem:$0x3FA6]  }
0x31: {  	[smem:$0x3FAF] =	sst s10  }
0x32: {  	s10 =	sld [smem:$0x3FAD];
	_ =	sdelay $0x3  }
0x33: {  	p0 =	seq.s32 s10, $0x1;
	s10 =	sld [smem:$0x3FAF];
	_ =	sdelay $0x3  }
0x34: {  	[smem:$0x3FAF] =	sst s10  }
0x35: {  	s10 =	sld [smem:$0x3FAE];
	_ =	sdelay $0x3  }
0x36: {  	p1 =	seq.s32 s10, $0x1;
	s10 =	sld [smem:$0x3FAF];
	_ =	sdelay $0x3  }
0x37: {  	[smem:$0x3FAF] =	sst s10  }
0x38: {  	s10 =	sld [smem:$0x3FB0]  }
0x39: {  	_ = 	snop;
	(pc) =	sbr.ind lr, $3  }
0x3a: {  	_ = 	snop  }
0x3b: {  	_ = 	snop  }
0x3c: {  	p2 =	seq.s32 s10, $0x1;
	s10 =	sld [smem:$0x3FAF]  }
0x3d: {  	_ =	shalt  }
0x3e: {  	_ =	shalt  }
0x3f: {  	_ =	shalt  }
0x40: {  	_ =	shalt  }
0x41: {  	_ =	shalt  }
0x42: {  	_ =	shalt  }
0x43: {  	_ =	shalt  }
0x44: {  	_ =	shalt  }
0x45: {  	_ =	shalt  }
0x46: {  	_ =	shalt  }
0x47: {  	_ =	shalt  }
0x48: {  	_ =	shalt  }
0x49: {  	_ =	shalt  }
0x4a: {  	_ =	shalt  }
0x4b: {  	_ =	shalt  }
0x4c: {  	_ =	shalt  }
0x4d: {  	_ =	shalt  }
0x4e: {  	_ =	shalt  }
0x4f: {  	_ =	shalt  }
0x50: {  	_ =	shalt  }
0x51: {  	_ =	shalt  }
0x52: {  	_ =	shalt  }
0x53: {  	_ =	shalt  }
0x54: {  	_ =	shalt  }
0x55: {  	_ =	shalt  }
0x56: {  	_ =	shalt  }
0x57: {  	_ =	shalt  }
0x58: {  	_ =	shalt  }
0x59: {  	_ =	shalt  }
0x5a: {  	_ =	shalt  }
0x5b: {  	_ =	shalt  }
0x5c: {  	_ =	shalt  }
0x5d: {  	_ =	shalt  }
0x5e: {  	_ =	shalt  }
0x5f: {  	_ =	shalt  }
0x60: {  	_ =	shalt  }
0x61: {  	_ =	shalt  }
0x62: {  	_ =	shalt  }
0x63: {  	_ =	shalt  }
0x64: {  	_ =	shalt  }
0x65: {  	_ =	shalt  }
0x66: {  	_ =	shalt  }
0x67: {  	_ =	shalt  }
0x68: {  	_ =	shalt  }
0x69: {  	_ =	shalt  }
0x6a: {  	_ =	shalt  }
0x6b: {  	_ =	shalt  }
0x6c: {  	_ =	shalt  }
0x6d: {  	_ =	shalt  }
0x6e: {  	_ =	shalt  }
0x6f: {  	_ =	shalt  }
0x70: {  	_ =	shalt  }
0x71: {  	_ =	shalt  }
0x72: {  	_ =	shalt  }
0x73: {  	_ =	shalt  }
0x74: {  	_ =	shalt  }
0x75: {  	_ =	shalt  }
0x76: {  	_ =	shalt  }
0x77: {  	_ =	shalt  }
0x78: {  	_ =	shalt  }
0x79: {  	_ =	shalt  }
0x7a: {  	_ =	shalt  }
0x7b: {  	_ =	shalt  }
0x7c: {  	_ =	shalt  }
0x7d: {  	_ =	shalt  }
0x7e: {  	_ =	shalt  }
0x7f: {  	_ =	shalt  }
0x80: {  	_ =	shalt  }
0x81: {  	_ =	shalt  }
0x82: {  	_ =	shalt  }
0x83: {  	_ =	shalt  }
0x84: {  	_ =	shalt  }
0x85: {  	_ =	shalt  }
0x86: {  	_ =	shalt  }
0x87: {  	_ =	shalt  }
.Lfunc_end0:
.L_simem_size_0:
called_computation.1_lowered:
.L_overlay_start_0:
0x88: {  	s2 =	sld [smem:$0x3FD9]  }
0x89: {  	s3 =	sld [smem:$0x3FFE];
	_ =	sdelay $0x1  }
0x8a: {  	s1 =	srdreg.scid  }
0x8b: {  	s0 =	sand.u32 $0x1, s1  }
0x8c: {  	s16 =	sshll.u32 s0, $0xA;
	s2 =	sadd.s32 s3, s2  }
0x8d: {  	s2 =	sadd.s32 s2, s16  }
0x8e: {  	[smem:$0x3FBB] =	sst s2  }
0x8f: {  	_ = 	snop  }
0x90: {  	(tm) =	ssettm $0x1  }
0x91: {  	s17 =	sld [smem:$0x3FFB];
	_ =	sdelay $0x3  }
0x92: {  	_ =	strace s17  }
0x93: {  	s2 =	sld [smem:$0x3FFC];
	_ =	sdelay $0x3  }
0x94: {  	_ =	strace s2  }
0x95: {  	s2 =	sld [smem:$0x3FFD];
	_ =	sdelay $0x3  }
0x96: {  	_ =	strace s2  }
0x97: {  	_ =	strace $0x8FFFFFFF  }
0x98: {  	s18 =	sld [smem:$0x3FDB];
	_ =	sdelay $0x1  }
0x99: {  	s19 =	simm.s32 $_scs_section_size  }
0x9a: {  	s4 =	simm.s32 $_size__tile_overlayer_lowered;
	s5 =	simm.s32 $_tile_overlayer_lowered  }
0x9b: {  	s22 =	simm.s32 $0x1BFF;
	s21 =	sshll.u32 s5, $0x1;
	s2 =	sadd.s32 s19, s18  }
0x9c: {  	s6 =	simm.s32 $0x0;
	s20 =	sshll.u32 s4, $0x1;
	s4 =	sadd.s32 s21, s2  }
0x9d: {  	[timem:s6], [sflag:s22] =	dma.local [hbm:s4], s20  }
0x9e: {  	_ =	swait.ge [sflag:s22], s20  }
0x9f: {  	s3 =	ssub.s32 $0x0, s20;
	[sflag:s22] =	ssyncset.done $0x0  }
0xa0: {  	[sflag:s22] =	ssyncadd.s32 s3;
	_ =	sdelay $0x1  }
0xa1: {  	s23 =	simm.s32 $0x1B8B  }
0xa2: {  	_ =	swait.ge [sflag:s23], $0x1  }
0xa3: {  	[sflag:s23] =	ssyncset.done $0x0  }
0xa4: {  	s25 =	simm.s32 $0x1B8E;
	s24 =	sld [smem:$0x3FFE];
	[sflag:s23] =	ssyncadd.s32 $0xFFFFFFFF  }
0xa5: {  	s26 =	simm.s32 $execute0_lowered;
	[smem:$0x3FD2] =	sst s25  }
0xa6: {  	s4 =	sshll.u32 s26, $0x1;
	_ =	strace $0x80000049;
	[dreg:$0x1] =	wrdreg $0xFFFFFFFF  }
0xa7: {  	s28 =	simm.s32 $_size_execute0_lowered;
	s2 =	sadd.s32 s2, s4;
	[dreg:$0x0] =	wrdreg $0x0  }
0xa8: {  	s4 =	sshll.u32 s28, $0x1;
	[dreg:$0x2] =	wrdreg s2  }
0xa9: {  	[dreg:$0x3] =	wrdreg s4  }
0xaa: {  	[dreg:$0x4] =	wrdreg $0xC0  }
0xab: {  	_ =	task [dreg:s6], $0x5FFFF  }
0xac: {  	[dreg:$0x1] =	wrdreg $0xFFFFFFFF  }
0xad: {  	[dreg:$0x0] =	wrdreg $0x60  }
0xae: {  	[dreg:$0x2] =	wrdreg s24  }
0xaf: {  	[dreg:$0x3] =	wrdreg $0x98000  }
0xb0: {  	[dreg:$0x4] =	wrdreg $0x9  }
0xb1: {  	_ =	task.clear_ibuf [dreg:s6], $0x5FFFF;
	_ =	strace $0x90000049  }
0xb2: {  	s29 =	simm.s32 $0x9;
	_ =	strace $0x8000004B  }
0xb3: {  	_ =	swait.ge [sflag:s29], $0x1  }
0xb4: {  	[sflag:s29] =	ssyncadd.s32 $0xFFFFFFFF  }
0xb5: {  	_ =	strace $0x9000004B  }
0xb6: {  	_ =	sfence  }
0xb7: {  	s30 =	sld [smem:$0x0];
	_ =	sdelay $0x2  }
0xb8: {  	s31 =	sshll.u32 s1, $0xD;
	s1 =	sshrl.u32 s1, $0x2  }
0xb9: {  	s3 =	sand.u32 $0x4000, s31;
	s1 =	sadd.s32 s1, s30  }
0xba: {  	s0 =	sor.u32 s3, s0;
	s1 =	sshll.u32 s1, $0x11  }
0xbb: {  	s0 =	sor.u32 s1, s0  }
0xbc: {  	s0 =	sadd.s32 $0x8F2B, s0  }
0xbd: {  	[sflag:s0] =	ssyncadd.remote.s32 $0x1  }
0xbe: {  	_ =	sfence.sel $0xFFFF  }
0xbf: {  	[dreg:$0x0] =	wrdreg $0xFFFFFFFF;
	(pc) =	sbr.abs _section_cstart, $3  }
0xc0: {  	[dreg:$0x1] =	wrdreg $0xFFFFFFFF  }
0xc1: {  	_ =	task.clear_ibuf [dreg:s6], $0x2FFFF;
	_ =	strace $0x9FFFFFFF  }
0xc2: {  	(tm) =	ssettm $0x7FFFFFFF  }
0xc3: {  	_ =	shalt  }
tec
execute0_lowered:
.L_overlay_start_1:
0x0: {  	(tag) =	ssettag $0x1  }
0x1: {  	s6 =	rddreg [dreg:$0x0]  }
0x2: {  	s0 =	srdreg.scid;
	s2 =	rddreg [dreg:$0x1];
	s3 =	simm.s32 $0x0  }
0x3: {  	s16 =	simm.s32 $0x5800;
	s9 =	sand.u32 $0x1, s0;
	s0 =	stileid.u32  }
0x4: {  	s17 =	simm.s32 $0x0;
	[smem:$0x7FF] =	sst s3;
	s8 =	smul.u32 $0x14000, s0  }
0x5: {  	s5 =	sadd.s32 $0x1A000, s6;
	s1 =	sshll.u32 s9, $0x4;
	s10 =	smul.u32 $0x140000, s9  }
0x6: {  	s29 =	ssub.s32 $0x2, s9;
	s12 =	smul.u32 $0x50000, s0;
	p0 =	seq.s32 s9, $0x1  }
0x7: {  	s31 =	sshll.u32 s0, $0x6;
	s4 =	sor.u32 s0, s1;
	s1 =	rddreg [dreg:$0x2]  }
0x8: {  	_ =	strace $0x8000004A;
	s13 =	sshrl.u32 s29, $0x1;
	s7 =	smul.u32 $0x580, s4  }
0x9: {  	s4 =	sadd.s32 $0x41200, s6;
	s11 =	sshrl.u32 s8, $0x3;
	s8 =	sadd.s32 s8, s10  }
0xa: {  	s10 =	ssub.s32 s29, s13;
	s30 =	sshrl.u32 s12, $0x2;
	s12 =	simm.s32 $0x2C00  }
.Ltmp0:
0xb: {  	s13 =	sor.u32 $0x1C01, s31;
	s11 =	sadd.s32 s11, s6;
	(pc) =	sbr.rel .LBB2_1-.Ltmp0, $4  }
0xc: {  	s8 =	sshrl.u32 s8, $0x3;
	s15 =	sadd.s32 s30, s2;
	s10 =	smax.u32 s10, $0x1  }
0xd: {  	s7 =	sadd.s32 s7, s6;
	s14 =	sadd.s32 s8, s6;
	s8 =	sadd.s32 $0x68400, s11  }
0xe: {  	s11 =	simm.s32 $0x1;
	s6 =	sadd.s32 $0xF000, s7;
	s7 =	sadd.s32 $0x4000, s7  }
0xf: {  	s9 =	sadd.s32 $0x90400, s14;
	s14 =	sshrl.u32 s15, $0x3;
	s15 =	simm.s32 $0x80  }
.LBB2_7:
0x10: {  	s18 =	sshra.s32 s18, $0x2;
	[sflag:s11] =	ssyncadd.s32 $0xFFFFC000  }
0x11: {  	[tilespmem:s16], [sflag:$0x1] =	stream.indirect.gather [hbm4b:s4+s15], $0x80, s18, s15, $0xb8;
	[tilespmem:$0x1D800] =	vst v63  }
0x12: {  	_ =	swait.ge [sflag:s11], $0x4000  }
0x13: {  	[sflag:s11] =	ssyncset.done $0x0  }
0x14: {  	s18 =	sadd.s32 $0x2C00, s18;
	[sflag:s11] =	ssyncadd.s32 $0xFFFFC000  }
0x15: {  	[spmem:s2] =	stream.indirect.scatter.add.f32 [tilespmem:s16], [sflag:$0x1], $0x80, s18, s15, $0xb8;
	[tilespmem:$0x1D800] =	vst v63  }
0x16: {  	_ =	swait.ge [sflag:s11], $0x4000  }
0x17: {  	[sflag:s11] =	ssyncset.done $0x0  }
0x18: {  	[sflag:s11] =	ssyncadd.s32 $0xFFFFC000  }
.LBB2_8:
0x19: {  	s17 =	sadd.s32 $0x1, s17  }
0x1a: {  	p1 =	sne.s32 s17, s10  }
.Ltmp1:
0x1b: {  	[bflag:$0x0] =	sbarrier.arrive $0xFFFF;
	(pc) =	sbr.rel @!p1 .LBB2_9-.Ltmp1, $4  }
0x1c: {  	[hbm:s9], [sflag:s13] =	dma.local [spmem:s14], $0x2800  }
0x1d: {  	_ =	swait.ge [sflag:s11], $0x2800  }
0x1e: {  	[sflag:s11] =	ssyncset.done $0x0  }
0x1f: {  	[sflag:s11] =	ssyncadd.s32 $0xFFFFD800  }
.LBB2_1:
0x20: {  	[tilespmem:s3], [sflag:$0x1] =	stream.linear.gather [hbm4b:s6+s3], $0x2880, $0x38;
	[tilespmem:$0x1D800] =	vst v63  }
0x21: {  	_ =	swait.ge [sflag:s11], $0x2880  }
0x22: {  	[sflag:s11] =	ssyncset.done $0x0  }
0x23: {  	[sflag:s11] =	ssyncadd.s32 $0xFFFFD780  }
0x24: {  	[tilespmem:s12], [sflag:$0x1] =	stream.linear.gather [hbm4b:s7+s3], $0x2880, $0x38;
	[tilespmem:$0x1D800] =	vst v63  }
0x25: {  	_ =	swait.ge [sflag:s11], $0x2880  }
0x26: {  	[sflag:s11] =	ssyncset.done $0x0  }
0x27: {  	[sflag:s11] =	ssyncadd.s32 $0xFFFFD780  }
0x28: {  	[spmem:s14], [sflag:s13] =	dma.local [hbm:s8], $0x2800  }
.Ltmp2:
0x29: {  	_ =	swait.ge [sflag:s11], $0x2800;
	(pc) =	sbr.rel @!p0 .LBB2_2-.Ltmp2, $4  }
0x2a: {  	[sflag:s11] =	ssyncset.done $0x0  }
0x2b: {  	[sflag:s11] =	ssyncadd.s32 $0xFFFFD800  }
0x2c: {  	[bflag:$0x0] =	sbarrier.arrive $0xFFFF  }
0x2d: {  	s18 =	simm.s32 $0x0  }
0x2e: {  	[tilespmem:s16], [sflag:$0x1] =	stream.indirect.gather [hbm4b:s4+s15], $0x80, s18, s15, $0xb8;
	[tilespmem:$0x1D800] =	vst v63  }
0x2f: {  	_ =	swait.ge [sflag:s11], $0x4000  }
0x30: {  	[sflag:s11] =	ssyncset.done $0x0  }
0x31: {  	s31 =	simm.s32 $0x2C00;
	[sflag:s11] =	ssyncadd.s32 $0xFFFFC000  }
0x32: {  	[spmem:s2] =	stream.indirect.scatter.add.f32 [tilespmem:s16], [sflag:$0x1], $0x80, s31, s15, $0xb8;
	[tilespmem:$0x1D800] =	vst v63  }
0x33: {  	_ =	swait.ge [sflag:s11], $0x4000  }
0x34: {  	s18 =	simm.s32 $0x200;
	s19 =	simm.s32 $0x400;
	[sflag:s11] =	ssyncset.done $0x0  }
.LBB2_6:
0x35: {  	s20 =	sshra.s32 s18, $0x2  }
0x36: {  	[sflag:s11] =	ssyncadd.s32 $0xFFFFC000;
	s18 =	smov.u32 s19;
	s21 =	sadd.s32 $0x200, s19  }
0x37: {  	[tilespmem:s16], [sflag:$0x1] =	stream.indirect.gather [hbm4b:s4+s15], $0x80, s20, s15, $0xb8;
	[tilespmem:$0x1D800] =	vst v63  }
0x38: {  	p1 =	sne.s32 s19, $0xA000;
	_ =	swait.ge [sflag:s11], $0x4000  }
.Ltmp3:
0x39: {  	[sflag:s11] =	ssyncset.done $0x0;
	(pc) =	sbr.rel @p1 .LBB2_6-.Ltmp3, $4  }
0x3a: {  	s19 =	sadd.s32 $0x2C00, s20;
	[sflag:s11] =	ssyncadd.s32 $0xFFFFC000  }
0x3b: {  	[spmem:s2] =	stream.indirect.scatter.add.f32 [tilespmem:s16], [sflag:$0x1], $0x80, s19, s15, $0xb8;
	[tilespmem:$0x1D800] =	vst v63  }
0x3c: {  	_ =	swait.ge [sflag:s11], $0x4000  }
0x3d: {  	s19 =	smov.u32 s21;
	[sflag:s11] =	ssyncset.done $0x0  }
.Ltmp4:
0x3e: {  	_ = 	snop;
	(pc) =	sbr.rel .LBB2_7-.Ltmp4, $1  }
0x3f: {  	_ =	sdelay $0x3  }
.LBB2_2:
0x40: {  	[tilespmem:s16], [sflag:$0x1] =	stream.indirect.gather [hbm4b:s5+s15], $0x80, s18, s15, $0xb8;
	[tilespmem:$0x1D800] =	vst v63  }
0x41: {  	_ =	swait.ge [sflag:s11], $0x4000  }
0x42: {  	[sflag:s11] =	ssyncset.done $0x0  }
0x43: {  	s31 =	simm.s32 $0x2C00;
	[sflag:s11] =	ssyncadd.s32 $0xFFFFC000  }
0x44: {  	[spmem:s2] =	stream.indirect.scatter.add.f32 [tilespmem:s16], [sflag:$0x1], $0x80, s31, s15, $0xb8;
	[tilespmem:$0x1D800] =	vst v63  }
0x45: {  	_ =	swait.ge [sflag:s11], $0x4000  }
0x46: {  	s18 =	simm.s32 $0x200;
	s19 =	simm.s32 $0x400;
	[sflag:s11] =	ssyncset.done $0x0  }
.LBB2_3:
0x47: {  	s20 =	sshra.s32 s18, $0x2  }
0x48: {  	[sflag:s11] =	ssyncadd.s32 $0xFFFFC000;
	s18 =	smov.u32 s19;
	s21 =	sadd.s32 $0x200, s19  }
0x49: {  	[tilespmem:s16], [sflag:$0x1] =	stream.indirect.gather [hbm4b:s5+s15], $0x80, s20, s15, $0xb8;
	[tilespmem:$0x1D800] =	vst v63  }
0x4a: {  	p1 =	seq.s32 s19, $0xA000;
	_ =	swait.ge [sflag:s11], $0x4000  }
.Ltmp5:
0x4b: {  	[sflag:s11] =	ssyncset.done $0x0;
	(pc) =	sbr.rel @!p1 .LBB2_3-.Ltmp5, $4  }
0x4c: {  	s19 =	sadd.s32 $0x2C00, s20;
	[sflag:s11] =	ssyncadd.s32 $0xFFFFC000  }
0x4d: {  	[spmem:s2] =	stream.indirect.scatter.add.f32 [tilespmem:s16], [sflag:$0x1], $0x80, s19, s15, $0xb8;
	[tilespmem:$0x1D800] =	vst v63  }
0x4e: {  	_ =	swait.ge [sflag:s11], $0x4000  }
0x4f: {  	s19 =	smov.u32 s21;
	[sflag:s11] =	ssyncset.done $0x0  }
0x50: {  	s18 =	sshra.s32 s18, $0x2;
	[sflag:s11] =	ssyncadd.s32 $0xFFFFC000  }
0x51: {  	[tilespmem:s16], [sflag:$0x1] =	stream.indirect.gather [hbm4b:s5+s15], $0x80, s18, s15, $0xb8;
	[tilespmem:$0x1D800] =	vst v63  }
0x52: {  	_ =	swait.ge [sflag:s11], $0x4000  }
0x53: {  	[sflag:s11] =	ssyncset.done $0x0  }
.Ltmp6:
0x54: {  	s18 =	sadd.s32 $0x2C00, s18;
	[sflag:s11] =	ssyncadd.s32 $0xFFFFC000;
	(pc) =	sbr.rel .LBB2_8-.Ltmp6, $4  }
0x55: {  	[spmem:s2] =	stream.indirect.scatter.add.f32 [tilespmem:s16], [sflag:$0x1], $0x80, s18, s15, $0xb8;
	[tilespmem:$0x1D800] =	vst v63  }
0x56: {  	_ =	swait.ge [sflag:s11], $0x4000  }
0x57: {  	[sflag:s11] =	ssyncset.done $0x0  }
0x58: {  	[sflag:s11] =	ssyncadd.s32 $0xFFFFC000  }
.LBB2_9:
0x59: {  	_ =	sfence.sel $0x180000  }
0x5a: {  	[bflag:$0x0] =	sbarrier.arrive $0xFFFF  }
0x5b: {  	p0 =	sne.s32 s0, $0x0;
	_ =	strace $0x9000004A  }
0x5c: {  	s0 =	sadd.s32 @!p0 $0x100000, s1;
	[bflag:$0x2] =	sbarrier.arrive $0xFFFF  }
0x5d: {  	[sflag:s0] =	ssyncadd.tile.s32 @!p0 $0x1;
	_ =	shalt  }
.Lfunc_end2:
_tile_overlayer_lowered:
.L_overlay_start_2:
0x5e: {  	(tag) =	ssettag $0x2  }
0x5f: {  	s0 =	rddreg [dreg:$0x0];
	s2 =	stileid.u32  }
0x60: {  	s1 =	rddreg [dreg:$0x1];
	p0 =	sne.s32 s2, $0x0  }
0x61: {  	s3 =	rddreg [dreg:$0x2];
	[bflag:$0x3] =	sbarrier.arrive $0xFFFF;
	s2 =	simm.s32 @!p0 $0x1C01  }
0x62: {  	[timem:s3], [sflag:s2] =	dma.local @!p0 [hbm:s0], s1  }
0x63: {  	s0 =	simm.s32 @!p0 $0x1  }
0x64: {  	_ =	swait.ge @!p0 [sflag:s0], s1  }
0x65: {  	s1 =	ssub.s32 @!p0 $0x0, s1;
	[sflag:s0] =	ssyncset.done @!p0 $0x0  }
0x66: {  	[sflag:s0] =	ssyncadd.s32 @!p0 s1  }
0x67: {  	[bflag:$0x3] =	sbarrier.arrive $0xFFFF  }
0x68: {  	_ =	shalt  }

// kernel: _impl.17.cloned.1.call-start
scs
__scs_entry_jumppad:
0x0: {  	(pc) =	sbr.rel $0x88, $3  }
0x1: {  	(tag) =	ssettag $0x0;
	lr =	simm.s32 $0x1  }
0x2: {  	[smem:$0x3F94] =	sst lr;
	_ =	strace $0xD0000000  }
0x3: {  	_ = 	snop  }
0x4: {  	_ = 	snop  }
0x5: {  	_ = 	snop  }
0x6: {  	_ = 	snop  }
0x7: {  	_ = 	snop  }
__scs_overlays_trampoline_lowered:
0x8: {  	[smem:$0x3FA3] =	sst s0  }
0x9: {  	[smem:$0x3FA4] =	sst s1  }
0xa: {  	[smem:$0x3FA5] =	sst s2  }
0xb: {  	[smem:$0x3FA6] =	sst s3  }
0xc: {  	[smem:$0x3FA7] =	sst s4  }
0xd: {  	[smem:$0x3FA8] =	sst s5  }
0xe: {  	[smem:$0x3FA9] =	sst s6  }
0xf: {  	[smem:$0x3FAA] =	sst s7  }
0x10: {  	[smem:$0x3FAB] =	sst s8  }
0x11: {  	[smem:$0x3FAC] =	sst s9;
	s0 =	simm.s32 @!p0 $0x0  }
0x12: {  	s1 =	sld [smem:$0x3F92];
	s0 =	simm.s32 @p0 $0x1  }
0x13: {  	[smem:$0x3FAD] =	sst s0;
	s0 =	simm.s32 @!p1 $0x0  }
0x14: {  	s2 =	sld [smem:$0x3F91];
	s0 =	simm.s32 @p1 $0x1  }
0x15: {  	[smem:$0x3FAE] =	sst s0;
	s0 =	simm.s32 @!p2 $0x0  }
0x16: {  	s3 =	sld [smem:$0x3FDB];
	s0 =	simm.s32 @p2 $0x1  }
0x17: {  	s4 =	simm.s32 $0x1BF5;
	[smem:$0x3FB0] =	sst s0  }
0x18: {  	s0 =	sld [smem:$0x3F93];
	_ =	swait.ge [sflag:s4], $0x0  }
0x19: {  	s7 =	sld [smem:$0x3F94]  }
0x1a: {  	s8 =	sadd.s32 $0xFFFFE003, lr  }
0x1b: {  	s9 =	sadd.s32 $0xFFFFFEF7, lr;
	s5 =	simm.s32 $0xFFFFFFFF;
	p2 =	slt.u32 s8, $0xFFFFF086  }
0x1c: {  	p1 =	slt.u32 s9, $0xF7A;
	s5 =	simm.s32 @!p2 $0x0  }
0x1d: {  	s5 =	simm.s32 @p1 $0x1;
	p0 =	seq.s32 s7, s2  }
0x1e: {  	s7 =	smul.u32 @!p0 $0xF7A, s2;
	p2 =	seq.s32 @!p0 s5, $0x0  }
0x1f: {  	s9 =	smul.u32 $0xF7A, s1;
	s8 =	simm.s32 @!p0 $0x1BF5;
	p2 =	por !p2, p0  }
0x20: {  	[sflag:s8] =	ssyncset.s32 @!p0 $0xFFFFF086;
	s6 =	sadd.s32 @!p0 s3, s7;
	s7 =	simm.s32 @!p0 $0x108  }
0x21: {  	s3 =	sadd.s32 s3, s9;
	s6 =	sadd.s32 @!p0 $0x88, s6;
	s7 =	simm.s32 @p2 $0x1082  }
0x22: {  	[simem:s7], [sflag:s8] =	dma.local @!p0 [hbm:s6], $0xF7A  }
0x23: {  	s9 =	sor.u32 $0xD0000000, s2;
	s6 =	simm.s32 $0x108;
	_ =	swait.ge @!p0 [sflag:s8], $0x0  }
0x24: {  	s3 =	sadd.s32 $0x88, s3;
	s6 =	simm.s32 @!p1 $0x1082;
	[sflag:s4] =	ssyncset.s32 $0xFFFFF086  }
0x25: {  	[simem:s6], [sflag:s4] =	dma.local [hbm:s3], $0xF7A  }
0x26: {  	[smem:$0x3F94] =	sst s1;
	(tag) =	ssettag s2;
	_ =	strace s9  }
0x27: {  	s1 =	sld [smem:$0x3FA4]  }
0x28: {  	s2 =	sld [smem:$0x3FA5]  }
0x29: {  	s4 =	sld [smem:$0x3FA7]  }
0x2a: {  	p0 =	seq.s32 s5, $0x0;
	s5 =	sld [smem:$0x3FA8]  }
0x2b: {  	s6 =	sld [smem:$0x3FA9]  }
0x2c: {  	s7 =	sld [smem:$0x3FAA]  }
0x2d: {  	s3 =	simm.s32 $0x108;
	s8 =	sld [smem:$0x3FAB]  }
0x2e: {  	s3 =	simm.s32 @!p0 $0x1082;
	s9 =	sld [smem:$0x3FAC]  }
0x2f: {  	lr =	sadd.s32 s0, s3;
	s0 =	sld [smem:$0x3FA3]  }
0x30: {  	s3 =	sld [smem:$0x3FA6]  }
0x31: {  	[smem:$0x3FAF] =	sst s10  }
0x32: {  	s10 =	sld [smem:$0x3FAD];
	_ =	sdelay $0x3  }
0x33: {  	p0 =	seq.s32 s10, $0x1;
	s10 =	sld [smem:$0x3FAF];
	_ =	sdelay $0x3  }
0x34: {  	[smem:$0x3FAF] =	sst s10  }
0x35: {  	s10 =	sld [smem:$0x3FAE];
	_ =	sdelay $0x3  }
0x36: {  	p1 =	seq.s32 s10, $0x1;
	s10 =	sld [smem:$0x3FAF];
	_ =	sdelay $0x3  }
0x37: {  	[smem:$0x3FAF] =	sst s10  }
0x38: {  	s10 =	sld [smem:$0x3FB0]  }
0x39: {  	_ = 	snop;
	(pc) =	sbr.ind lr, $3  }
0x3a: {  	_ = 	snop  }
0x3b: {  	_ = 	snop  }
0x3c: {  	p2 =	seq.s32 s10, $0x1;
	s10 =	sld [smem:$0x3FAF]  }
0x3d: {  	_ =	shalt  }
0x3e: {  	_ =	shalt  }
0x3f: {  	_ =	shalt  }
0x40: {  	_ =	shalt  }
0x41: {  	_ =	shalt  }
0x42: {  	_ =	shalt  }
0x43: {  	_ =	shalt  }
0x44: {  	_ =	shalt  }
0x45: {  	_ =	shalt  }
0x46: {  	_ =	shalt  }
0x47: {  	_ =	shalt  }
0x48: {  	_ =	shalt  }
0x49: {  	_ =	shalt  }
0x4a: {  	_ =	shalt  }
0x4b: {  	_ =	shalt  }
0x4c: {  	_ =	shalt  }
0x4d: {  	_ =	shalt  }
0x4e: {  	_ =	shalt  }
0x4f: {  	_ =	shalt  }
0x50: {  	_ =	shalt  }
0x51: {  	_ =	shalt  }
0x52: {  	_ =	shalt  }
0x53: {  	_ =	shalt  }
0x54: {  	_ =	shalt  }
0x55: {  	_ =	shalt  }
0x56: {  	_ =	shalt  }
0x57: {  	_ =	shalt  }
0x58: {  	_ =	shalt  }
0x59: {  	_ =	shalt  }
0x5a: {  	_ =	shalt  }
0x5b: {  	_ =	shalt  }
0x5c: {  	_ =	shalt  }
0x5d: {  	_ =	shalt  }
0x5e: {  	_ =	shalt  }
0x5f: {  	_ =	shalt  }
0x60: {  	_ =	shalt  }
0x61: {  	_ =	shalt  }
0x62: {  	_ =	shalt  }
0x63: {  	_ =	shalt  }
0x64: {  	_ =	shalt  }
0x65: {  	_ =	shalt  }
0x66: {  	_ =	shalt  }
0x67: {  	_ =	shalt  }
0x68: {  	_ =	shalt  }
0x69: {  	_ =	shalt  }
0x6a: {  	_ =	shalt  }
0x6b: {  	_ =	shalt  }
0x6c: {  	_ =	shalt  }
0x6d: {  	_ =	shalt  }
0x6e: {  	_ =	shalt  }
0x6f: {  	_ =	shalt  }
0x70: {  	_ =	shalt  }
0x71: {  	_ =	shalt  }
0x72: {  	_ =	shalt  }
0x73: {  	_ =	shalt  }
0x74: {  	_ =	shalt  }
0x75: {  	_ =	shalt  }
0x76: {  	_ =	shalt  }
0x77: {  	_ =	shalt  }
0x78: {  	_ =	shalt  }
0x79: {  	_ =	shalt  }
0x7a: {  	_ =	shalt  }
0x7b: {  	_ =	shalt  }
0x7c: {  	_ =	shalt  }
0x7d: {  	_ =	shalt  }
0x7e: {  	_ =	shalt  }
0x7f: {  	_ =	shalt  }
0x80: {  	_ =	shalt  }
0x81: {  	_ =	shalt  }
0x82: {  	_ =	shalt  }
0x83: {  	_ =	shalt  }
0x84: {  	_ =	shalt  }
0x85: {  	_ =	shalt  }
0x86: {  	_ =	shalt  }
0x87: {  	_ =	shalt  }
.Lfunc_end0:
.L_simem_size_0:
called_computation.2_lowered:
.L_overlay_start_0:
0x88: {  	s2 =	sld [smem:$0x3FD9]  }
0x89: {  	s3 =	sld [smem:$0x3FFE];
	_ =	sdelay $0x1  }
0x8a: {  	s1 =	srdreg.scid  }
0x8b: {  	s0 =	sand.u32 $0x1, s1  }
0x8c: {  	s16 =	sshll.u32 s0, $0xA;
	s2 =	sadd.s32 s3, s2  }
0x8d: {  	s2 =	sadd.s32 s2, s16  }
0x8e: {  	[smem:$0x3FBB] =	sst s2  }
0x8f: {  	_ = 	snop  }
0x90: {  	(tm) =	ssettm $0x1  }
0x91: {  	s17 =	sld [smem:$0x3FFB];
	_ =	sdelay $0x3  }
0x92: {  	_ =	strace s17  }
0x93: {  	s2 =	sld [smem:$0x3FFC];
	_ =	sdelay $0x3  }
0x94: {  	_ =	strace s2  }
0x95: {  	s2 =	sld [smem:$0x3FFD];
	_ =	sdelay $0x3  }
0x96: {  	_ =	strace s2  }
0x97: {  	_ =	strace $0x8FFFFFFF  }
0x98: {  	s18 =	sld [smem:$0x3FDB];
	_ =	sdelay $0x1  }
0x99: {  	s19 =	simm.s32 $_scs_section_size  }
0x9a: {  	s4 =	simm.s32 $_size__tile_overlayer_lowered;
	s5 =	simm.s32 $_tile_overlayer_lowered  }
0x9b: {  	s22 =	simm.s32 $0x1BFF;
	s21 =	sshll.u32 s5, $0x1;
	s2 =	sadd.s32 s19, s18  }
0x9c: {  	s6 =	simm.s32 $0x0;
	s20 =	sshll.u32 s4, $0x1;
	s4 =	sadd.s32 s21, s2  }
0x9d: {  	[timem:s6], [sflag:s22] =	dma.local [hbm:s4], s20  }
0x9e: {  	_ =	swait.ge [sflag:s22], s20  }
0x9f: {  	s3 =	ssub.s32 $0x0, s20;
	[sflag:s22] =	ssyncset.done $0x0  }
0xa0: {  	[sflag:s22] =	ssyncadd.s32 s3;
	_ =	sdelay $0x1  }
0xa1: {  	s23 =	simm.s32 $0x1B8B  }
0xa2: {  	_ =	swait.ge [sflag:s23], $0x1  }
0xa3: {  	[sflag:s23] =	ssyncset.done $0x0  }
0xa4: {  	s25 =	simm.s32 $0x1B8E;
	s24 =	sld [smem:$0x3FFE];
	[sflag:s23] =	ssyncadd.s32 $0xFFFFFFFF  }
0xa5: {  	s26 =	simm.s32 $execute0_lowered;
	[smem:$0x3FD2] =	sst s25  }
0xa6: {  	s4 =	sshll.u32 s26, $0x1;
	_ =	strace $0x8000004C;
	[dreg:$0x1] =	wrdreg $0xFFFFFFFF  }
0xa7: {  	s28 =	simm.s32 $_size_execute0_lowered;
	s2 =	sadd.s32 s2, s4;
	[dreg:$0x0] =	wrdreg $0x0  }
0xa8: {  	s4 =	sshll.u32 s28, $0x1;
	[dreg:$0x2] =	wrdreg s2  }
0xa9: {  	[dreg:$0x3] =	wrdreg s4  }
0xaa: {  	[dreg:$0x4] =	wrdreg $0xC0  }
0xab: {  	_ =	task [dreg:s6], $0x5FFFF  }
0xac: {  	[dreg:$0x1] =	wrdreg $0xFFFFFFFF  }
0xad: {  	[dreg:$0x0] =	wrdreg $0x60  }
0xae: {  	[dreg:$0x2] =	wrdreg s24  }
0xaf: {  	[dreg:$0x3] =	wrdreg $0x98000  }
0xb0: {  	[dreg:$0x4] =	wrdreg $0x9  }
0xb1: {  	_ =	task.clear_ibuf [dreg:s6], $0x5FFFF;
	_ =	strace $0x9000004C  }
0xb2: {  	s29 =	simm.s32 $0x9;
	_ =	strace $0x8000004E  }
0xb3: {  	_ =	swait.ge [sflag:s29], $0x1  }
0xb4: {  	[sflag:s29] =	ssyncadd.s32 $0xFFFFFFFF  }
0xb5: {  	_ =	strace $0x9000004E  }
0xb6: {  	_ =	sfence  }
0xb7: {  	s30 =	sld [smem:$0x0];
	_ =	sdelay $0x2  }
0xb8: {  	s31 =	sshll.u32 s1, $0xD;
	s1 =	sshrl.u32 s1, $0x2  }
0xb9: {  	s3 =	sand.u32 $0x4000, s31;
	s1 =	sadd.s32 s1, s30  }
0xba: {  	s0 =	sor.u32 s3, s0;
	s1 =	sshll.u32 s1, $0x11  }
0xbb: {  	s0 =	sor.u32 s1, s0  }
0xbc: {  	s0 =	sadd.s32 $0x8F2B, s0  }
0xbd: {  	[sflag:s0] =	ssyncadd.remote.s32 $0x1  }
0xbe: {  	_ =	sfence.sel $0xFFFF  }
0xbf: {  	[dreg:$0x0] =	wrdreg $0xFFFFFFFF;
	(pc) =	sbr.abs _section_cstart, $3  }
0xc0: {  	[dreg:$0x1] =	wrdreg $0xFFFFFFFF  }
0xc1: {  	_ =	task.clear_ibuf [dreg:s6], $0x2FFFF;
	_ =	strace $0x9FFFFFFF  }
0xc2: {  	(tm) =	ssettm $0x7FFFFFFF  }
0xc3: {  	_ =	shalt  }
tec
execute0_lowered:
.L_overlay_start_1:
0x0: {  	(tag) =	ssettag $0x1  }
0x1: {  	s6 =	rddreg [dreg:$0x0]  }
0x2: {  	s0 =	srdreg.scid;
	s2 =	rddreg [dreg:$0x1];
	s3 =	simm.s32 $0x0  }
0x3: {  	s16 =	simm.s32 $0x5800;
	s9 =	sand.u32 $0x1, s0;
	s0 =	stileid.u32  }
0x4: {  	s17 =	simm.s32 $0x0;
	[smem:$0x7FF] =	sst s3;
	s8 =	smul.u32 $0x14000, s0  }
0x5: {  	s5 =	sadd.s32 $0x41200, s6;
	s1 =	sshll.u32 s9, $0x4;
	s10 =	smul.u32 $0x140000, s9  }
0x6: {  	s29 =	ssub.s32 $0x2, s9;
	s12 =	smul.u32 $0x50000, s0;
	p0 =	seq.s32 s9, $0x1  }
0x7: {  	s31 =	sshll.u32 s0, $0x6;
	s4 =	sor.u32 s0, s1;
	s1 =	rddreg [dreg:$0x2]  }
0x8: {  	_ =	strace $0x8000004D;
	s13 =	sshrl.u32 s29, $0x1;
	s7 =	smul.u32 $0x580, s4  }
0x9: {  	s4 =	sadd.s32 $0x1A000, s6;
	s11 =	sshrl.u32 s8, $0x3;
	s8 =	sadd.s32 s8, s10  }
0xa: {  	s10 =	ssub.s32 s29, s13;
	s30 =	sshrl.u32 s12, $0x2;
	s12 =	simm.s32 $0x2C00  }
.Ltmp0:
0xb: {  	s13 =	sor.u32 $0x1C01, s31;
	s11 =	sadd.s32 s11, s6;
	(pc) =	sbr.rel .LBB2_1-.Ltmp0, $4  }
0xc: {  	s8 =	sshrl.u32 s8, $0x3;
	s15 =	sadd.s32 s30, s2;
	s10 =	smax.u32 s10, $0x1  }
0xd: {  	s7 =	sadd.s32 s7, s6;
	s14 =	sadd.s32 s8, s6;
	s8 =	sadd.s32 $0x68400, s11  }
0xe: {  	s11 =	simm.s32 $0x1;
	s6 =	sadd.s32 $0xF000, s7;
	s7 =	sadd.s32 $0x4000, s7  }
0xf: {  	s9 =	sadd.s32 $0xB7600, s14;
	s14 =	sshrl.u32 s15, $0x3;
	s15 =	simm.s32 $0x80  }
.LBB2_7:
0x10: {  	s18 =	sshra.s32 s18, $0x2;
	[sflag:s11] =	ssyncadd.s32 $0xFFFFC000  }
0x11: {  	[tilespmem:s16], [sflag:$0x1] =	stream.indirect.gather [hbm4b:s4+s15], $0x80, s18, s15, $0xb8;
	[tilespmem:$0x1D800] =	vst v63  }
0x12: {  	_ =	swait.ge [sflag:s11], $0x4000  }
0x13: {  	[sflag:s11] =	ssyncset.done $0x0  }
0x14: {  	s18 =	sadd.s32 $0x2C00, s18;
	[sflag:s11] =	ssyncadd.s32 $0xFFFFC000  }
0x15: {  	[spmem:s2] =	stream.indirect.scatter.add.f32 [tilespmem:s16], [sflag:$0x1], $0x80, s18, s15, $0xb8;
	[tilespmem:$0x1D800] =	vst v63  }
0x16: {  	_ =	swait.ge [sflag:s11], $0x4000  }
0x17: {  	[sflag:s11] =	ssyncset.done $0x0  }
0x18: {  	[sflag:s11] =	ssyncadd.s32 $0xFFFFC000  }
.LBB2_8:
0x19: {  	s17 =	sadd.s32 $0x1, s17  }
0x1a: {  	p1 =	sne.s32 s17, s10  }
.Ltmp1:
0x1b: {  	[bflag:$0x0] =	sbarrier.arrive $0xFFFF;
	(pc) =	sbr.rel @!p1 .LBB2_9-.Ltmp1, $4  }
0x1c: {  	[hbm:s9], [sflag:s13] =	dma.local [spmem:s14], $0x2800  }
0x1d: {  	_ =	swait.ge [sflag:s11], $0x2800  }
0x1e: {  	[sflag:s11] =	ssyncset.done $0x0  }
0x1f: {  	[sflag:s11] =	ssyncadd.s32 $0xFFFFD800  }
.LBB2_1:
0x20: {  	[tilespmem:s3], [sflag:$0x1] =	stream.linear.gather [hbm4b:s6+s3], $0x2880, $0x38;
	[tilespmem:$0x1D800] =	vst v63  }
0x21: {  	_ =	swait.ge [sflag:s11], $0x2880  }
0x22: {  	[sflag:s11] =	ssyncset.done $0x0  }
0x23: {  	[sflag:s11] =	ssyncadd.s32 $0xFFFFD780  }
0x24: {  	[tilespmem:s12], [sflag:$0x1] =	stream.linear.gather [hbm4b:s7+s3], $0x2880, $0x38;
	[tilespmem:$0x1D800] =	vst v63  }
0x25: {  	_ =	swait.ge [sflag:s11], $0x2880  }
0x26: {  	[sflag:s11] =	ssyncset.done $0x0  }
0x27: {  	[sflag:s11] =	ssyncadd.s32 $0xFFFFD780  }
0x28: {  	[spmem:s14], [sflag:s13] =	dma.local [hbm:s8], $0x2800  }
.Ltmp2:
0x29: {  	_ =	swait.ge [sflag:s11], $0x2800;
	(pc) =	sbr.rel @!p0 .LBB2_2-.Ltmp2, $4  }
0x2a: {  	[sflag:s11] =	ssyncset.done $0x0  }
0x2b: {  	[sflag:s11] =	ssyncadd.s32 $0xFFFFD800  }
0x2c: {  	[bflag:$0x0] =	sbarrier.arrive $0xFFFF  }
0x2d: {  	s18 =	simm.s32 $0x0  }
0x2e: {  	[tilespmem:s16], [sflag:$0x1] =	stream.indirect.gather [hbm4b:s4+s15], $0x80, s18, s15, $0xb8;
	[tilespmem:$0x1D800] =	vst v63  }
0x2f: {  	_ =	swait.ge [sflag:s11], $0x4000  }
0x30: {  	[sflag:s11] =	ssyncset.done $0x0  }
0x31: {  	s31 =	simm.s32 $0x2C00;
	[sflag:s11] =	ssyncadd.s32 $0xFFFFC000  }
0x32: {  	[spmem:s2] =	stream.indirect.scatter.add.f32 [tilespmem:s16], [sflag:$0x1], $0x80, s31, s15, $0xb8;
	[tilespmem:$0x1D800] =	vst v63  }
0x33: {  	_ =	swait.ge [sflag:s11], $0x4000  }
0x34: {  	s18 =	simm.s32 $0x200;
	s19 =	simm.s32 $0x400;
	[sflag:s11] =	ssyncset.done $0x0  }
.LBB2_6:
0x35: {  	s20 =	sshra.s32 s18, $0x2  }
0x36: {  	[sflag:s11] =	ssyncadd.s32 $0xFFFFC000;
	s18 =	smov.u32 s19;
	s21 =	sadd.s32 $0x200, s19  }
0x37: {  	[tilespmem:s16], [sflag:$0x1] =	stream.indirect.gather [hbm4b:s4+s15], $0x80, s20, s15, $0xb8;
	[tilespmem:$0x1D800] =	vst v63  }
0x38: {  	p1 =	sne.s32 s19, $0xA000;
	_ =	swait.ge [sflag:s11], $0x4000  }
.Ltmp3:
0x39: {  	[sflag:s11] =	ssyncset.done $0x0;
	(pc) =	sbr.rel @p1 .LBB2_6-.Ltmp3, $4  }
0x3a: {  	s19 =	sadd.s32 $0x2C00, s20;
	[sflag:s11] =	ssyncadd.s32 $0xFFFFC000  }
0x3b: {  	[spmem:s2] =	stream.indirect.scatter.add.f32 [tilespmem:s16], [sflag:$0x1], $0x80, s19, s15, $0xb8;
	[tilespmem:$0x1D800] =	vst v63  }
0x3c: {  	_ =	swait.ge [sflag:s11], $0x4000  }
0x3d: {  	s19 =	smov.u32 s21;
	[sflag:s11] =	ssyncset.done $0x0  }
.Ltmp4:
0x3e: {  	_ = 	snop;
	(pc) =	sbr.rel .LBB2_7-.Ltmp4, $1  }
0x3f: {  	_ =	sdelay $0x3  }
.LBB2_2:
0x40: {  	[tilespmem:s16], [sflag:$0x1] =	stream.indirect.gather [hbm4b:s5+s15], $0x80, s18, s15, $0xb8;
	[tilespmem:$0x1D800] =	vst v63  }
0x41: {  	_ =	swait.ge [sflag:s11], $0x4000  }
0x42: {  	[sflag:s11] =	ssyncset.done $0x0  }
0x43: {  	s31 =	simm.s32 $0x2C00;
	[sflag:s11] =	ssyncadd.s32 $0xFFFFC000  }
0x44: {  	[spmem:s2] =	stream.indirect.scatter.add.f32 [tilespmem:s16], [sflag:$0x1], $0x80, s31, s15, $0xb8;
	[tilespmem:$0x1D800] =	vst v63  }
0x45: {  	_ =	swait.ge [sflag:s11], $0x4000  }
0x46: {  	s18 =	simm.s32 $0x200;
	s19 =	simm.s32 $0x400;
	[sflag:s11] =	ssyncset.done $0x0  }
.LBB2_3:
0x47: {  	s20 =	sshra.s32 s18, $0x2  }
0x48: {  	[sflag:s11] =	ssyncadd.s32 $0xFFFFC000;
	s18 =	smov.u32 s19;
	s21 =	sadd.s32 $0x200, s19  }
0x49: {  	[tilespmem:s16], [sflag:$0x1] =	stream.indirect.gather [hbm4b:s5+s15], $0x80, s20, s15, $0xb8;
	[tilespmem:$0x1D800] =	vst v63  }
0x4a: {  	p1 =	seq.s32 s19, $0xA000;
	_ =	swait.ge [sflag:s11], $0x4000  }
.Ltmp5:
0x4b: {  	[sflag:s11] =	ssyncset.done $0x0;
	(pc) =	sbr.rel @!p1 .LBB2_3-.Ltmp5, $4  }
0x4c: {  	s19 =	sadd.s32 $0x2C00, s20;
	[sflag:s11] =	ssyncadd.s32 $0xFFFFC000  }
0x4d: {  	[spmem:s2] =	stream.indirect.scatter.add.f32 [tilespmem:s16], [sflag:$0x1], $0x80, s19, s15, $0xb8;
	[tilespmem:$0x1D800] =	vst v63  }
0x4e: {  	_ =	swait.ge [sflag:s11], $0x4000  }
0x4f: {  	s19 =	smov.u32 s21;
	[sflag:s11] =	ssyncset.done $0x0  }
0x50: {  	s18 =	sshra.s32 s18, $0x2;
	[sflag:s11] =	ssyncadd.s32 $0xFFFFC000  }
0x51: {  	[tilespmem:s16], [sflag:$0x1] =	stream.indirect.gather [hbm4b:s5+s15], $0x80, s18, s15, $0xb8;
	[tilespmem:$0x1D800] =	vst v63  }
0x52: {  	_ =	swait.ge [sflag:s11], $0x4000  }
0x53: {  	[sflag:s11] =	ssyncset.done $0x0  }
.Ltmp6:
0x54: {  	s18 =	sadd.s32 $0x2C00, s18;
	[sflag:s11] =	ssyncadd.s32 $0xFFFFC000;
	(pc) =	sbr.rel .LBB2_8-.Ltmp6, $4  }
0x55: {  	[spmem:s2] =	stream.indirect.scatter.add.f32 [tilespmem:s16], [sflag:$0x1], $0x80, s18, s15, $0xb8;
	[tilespmem:$0x1D800] =	vst v63  }
0x56: {  	_ =	swait.ge [sflag:s11], $0x4000  }
0x57: {  	[sflag:s11] =	ssyncset.done $0x0  }
0x58: {  	[sflag:s11] =	ssyncadd.s32 $0xFFFFC000  }
.LBB2_9:
0x59: {  	_ =	sfence.sel $0x180000  }
0x5a: {  	[bflag:$0x0] =	sbarrier.arrive $0xFFFF  }
0x5b: {  	p0 =	sne.s32 s0, $0x0;
	_ =	strace $0x9000004D  }
0x5c: {  	s0 =	sadd.s32 @!p0 $0x100000, s1;
	[bflag:$0x2] =	sbarrier.arrive $0xFFFF  }
0x5d: {  	[sflag:s0] =	ssyncadd.tile.s32 @!p0 $0x1;
	_ =	shalt  }
.Lfunc_end2:
_tile_overlayer_lowered:
.L_overlay_start_2:
0x5e: {  	(tag) =	ssettag $0x2  }
0x5f: {  	s0 =	rddreg [dreg:$0x0];
	s2 =	stileid.u32  }
0x60: {  	s1 =	rddreg [dreg:$0x1];
	p0 =	sne.s32 s2, $0x0  }
0x61: {  	s3 =	rddreg [dreg:$0x2];
	[bflag:$0x3] =	sbarrier.arrive $0xFFFF;
	s2 =	simm.s32 @!p0 $0x1C01  }
0x62: {  	[timem:s3], [sflag:s2] =	dma.local @!p0 [hbm:s0], s1  }
0x63: {  	s0 =	simm.s32 @!p0 $0x1  }
0x64: {  	_ =	swait.ge @!p0 [sflag:s0], s1  }
0x65: {  	s1 =	ssub.s32 @!p0 $0x0, s1;
	[sflag:s0] =	ssyncset.done @!p0 $0x0  }
0x66: {  	[sflag:s0] =	ssyncadd.s32 @!p0 s1  }
0x67: {  	[bflag:$0x3] =	sbarrier.arrive $0xFFFF  }
0x68: {  	_ =	shalt  }

// kernel: _impl.20.cloned.1.call-start
scs
__scs_entry_jumppad:
0x0: {  	(pc) =	sbr.rel $0x88, $3  }
0x1: {  	(tag) =	ssettag $0x0;
	lr =	simm.s32 $0x1  }
0x2: {  	[smem:$0x3F94] =	sst lr;
	_ =	strace $0xD0000000  }
0x3: {  	_ = 	snop  }
0x4: {  	_ = 	snop  }
0x5: {  	_ = 	snop  }
0x6: {  	_ = 	snop  }
0x7: {  	_ = 	snop  }
__scs_overlays_trampoline_lowered:
0x8: {  	[smem:$0x3FA3] =	sst s0  }
0x9: {  	[smem:$0x3FA4] =	sst s1  }
0xa: {  	[smem:$0x3FA5] =	sst s2  }
0xb: {  	[smem:$0x3FA6] =	sst s3  }
0xc: {  	[smem:$0x3FA7] =	sst s4  }
0xd: {  	[smem:$0x3FA8] =	sst s5  }
0xe: {  	[smem:$0x3FA9] =	sst s6  }
0xf: {  	[smem:$0x3FAA] =	sst s7  }
0x10: {  	[smem:$0x3FAB] =	sst s8  }
0x11: {  	[smem:$0x3FAC] =	sst s9;
	s0 =	simm.s32 @!p0 $0x0  }
0x12: {  	s1 =	sld [smem:$0x3F92];
	s0 =	simm.s32 @p0 $0x1  }
0x13: {  	[smem:$0x3FAD] =	sst s0;
	s0 =	simm.s32 @!p1 $0x0  }
0x14: {  	s2 =	sld [smem:$0x3F91];
	s0 =	simm.s32 @p1 $0x1  }
0x15: {  	[smem:$0x3FAE] =	sst s0;
	s0 =	simm.s32 @!p2 $0x0  }
0x16: {  	s3 =	sld [smem:$0x3FDB];
	s0 =	simm.s32 @p2 $0x1  }
0x17: {  	s4 =	simm.s32 $0x1BF5;
	[smem:$0x3FB0] =	sst s0  }
0x18: {  	s0 =	sld [smem:$0x3F93];
	_ =	swait.ge [sflag:s4], $0x0  }
0x19: {  	s7 =	sld [smem:$0x3F94]  }
0x1a: {  	s8 =	sadd.s32 $0xFFFFE003, lr  }
0x1b: {  	s9 =	sadd.s32 $0xFFFFFEF7, lr;
	s5 =	simm.s32 $0xFFFFFFFF;
	p2 =	slt.u32 s8, $0xFFFFF086  }
0x1c: {  	p1 =	slt.u32 s9, $0xF7A;
	s5 =	simm.s32 @!p2 $0x0  }
0x1d: {  	s5 =	simm.s32 @p1 $0x1;
	p0 =	seq.s32 s7, s2  }
0x1e: {  	s7 =	smul.u32 @!p0 $0xF7A, s2;
	p2 =	seq.s32 @!p0 s5, $0x0  }
0x1f: {  	s9 =	smul.u32 $0xF7A, s1;
	s8 =	simm.s32 @!p0 $0x1BF5;
	p2 =	por !p2, p0  }
0x20: {  	[sflag:s8] =	ssyncset.s32 @!p0 $0xFFFFF086;
	s6 =	sadd.s32 @!p0 s3, s7;
	s7 =	simm.s32 @!p0 $0x108  }
0x21: {  	s3 =	sadd.s32 s3, s9;
	s6 =	sadd.s32 @!p0 $0x88, s6;
	s7 =	simm.s32 @p2 $0x1082  }
0x22: {  	[simem:s7], [sflag:s8] =	dma.local @!p0 [hbm:s6], $0xF7A  }
0x23: {  	s9 =	sor.u32 $0xD0000000, s2;
	s6 =	simm.s32 $0x108;
	_ =	swait.ge @!p0 [sflag:s8], $0x0  }
0x24: {  	s3 =	sadd.s32 $0x88, s3;
	s6 =	simm.s32 @!p1 $0x1082;
	[sflag:s4] =	ssyncset.s32 $0xFFFFF086  }
0x25: {  	[simem:s6], [sflag:s4] =	dma.local [hbm:s3], $0xF7A  }
0x26: {  	[smem:$0x3F94] =	sst s1;
	(tag) =	ssettag s2;
	_ =	strace s9  }
0x27: {  	s1 =	sld [smem:$0x3FA4]  }
0x28: {  	s2 =	sld [smem:$0x3FA5]  }
0x29: {  	s4 =	sld [smem:$0x3FA7]  }
0x2a: {  	p0 =	seq.s32 s5, $0x0;
	s5 =	sld [smem:$0x3FA8]  }
0x2b: {  	s6 =	sld [smem:$0x3FA9]  }
0x2c: {  	s7 =	sld [smem:$0x3FAA]  }
0x2d: {  	s3 =	simm.s32 $0x108;
	s8 =	sld [smem:$0x3FAB]  }
0x2e: {  	s3 =	simm.s32 @!p0 $0x1082;
	s9 =	sld [smem:$0x3FAC]  }
0x2f: {  	lr =	sadd.s32 s0, s3;
	s0 =	sld [smem:$0x3FA3]  }
0x30: {  	s3 =	sld [smem:$0x3FA6]  }
0x31: {  	[smem:$0x3FAF] =	sst s10  }
0x32: {  	s10 =	sld [smem:$0x3FAD];
	_ =	sdelay $0x3  }
0x33: {  	p0 =	seq.s32 s10, $0x1;
	s10 =	sld [smem:$0x3FAF];
	_ =	sdelay $0x3  }
0x34: {  	[smem:$0x3FAF] =	sst s10  }
0x35: {  	s10 =	sld [smem:$0x3FAE];
	_ =	sdelay $0x3  }
0x36: {  	p1 =	seq.s32 s10, $0x1;
	s10 =	sld [smem:$0x3FAF];
	_ =	sdelay $0x3  }
0x37: {  	[smem:$0x3FAF] =	sst s10  }
0x38: {  	s10 =	sld [smem:$0x3FB0]  }
0x39: {  	_ = 	snop;
	(pc) =	sbr.ind lr, $3  }
0x3a: {  	_ = 	snop  }
0x3b: {  	_ = 	snop  }
0x3c: {  	p2 =	seq.s32 s10, $0x1;
	s10 =	sld [smem:$0x3FAF]  }
0x3d: {  	_ =	shalt  }
0x3e: {  	_ =	shalt  }
0x3f: {  	_ =	shalt  }
0x40: {  	_ =	shalt  }
0x41: {  	_ =	shalt  }
0x42: {  	_ =	shalt  }
0x43: {  	_ =	shalt  }
0x44: {  	_ =	shalt  }
0x45: {  	_ =	shalt  }
0x46: {  	_ =	shalt  }
0x47: {  	_ =	shalt  }
0x48: {  	_ =	shalt  }
0x49: {  	_ =	shalt  }
0x4a: {  	_ =	shalt  }
0x4b: {  	_ =	shalt  }
0x4c: {  	_ =	shalt  }
0x4d: {  	_ =	shalt  }
0x4e: {  	_ =	shalt  }
0x4f: {  	_ =	shalt  }
0x50: {  	_ =	shalt  }
0x51: {  	_ =	shalt  }
0x52: {  	_ =	shalt  }
0x53: {  	_ =	shalt  }
0x54: {  	_ =	shalt  }
0x55: {  	_ =	shalt  }
0x56: {  	_ =	shalt  }
0x57: {  	_ =	shalt  }
0x58: {  	_ =	shalt  }
0x59: {  	_ =	shalt  }
0x5a: {  	_ =	shalt  }
0x5b: {  	_ =	shalt  }
0x5c: {  	_ =	shalt  }
0x5d: {  	_ =	shalt  }
0x5e: {  	_ =	shalt  }
0x5f: {  	_ =	shalt  }
0x60: {  	_ =	shalt  }
0x61: {  	_ =	shalt  }
0x62: {  	_ =	shalt  }
0x63: {  	_ =	shalt  }
0x64: {  	_ =	shalt  }
0x65: {  	_ =	shalt  }
0x66: {  	_ =	shalt  }
0x67: {  	_ =	shalt  }
0x68: {  	_ =	shalt  }
0x69: {  	_ =	shalt  }
0x6a: {  	_ =	shalt  }
0x6b: {  	_ =	shalt  }
0x6c: {  	_ =	shalt  }
0x6d: {  	_ =	shalt  }
0x6e: {  	_ =	shalt  }
0x6f: {  	_ =	shalt  }
0x70: {  	_ =	shalt  }
0x71: {  	_ =	shalt  }
0x72: {  	_ =	shalt  }
0x73: {  	_ =	shalt  }
0x74: {  	_ =	shalt  }
0x75: {  	_ =	shalt  }
0x76: {  	_ =	shalt  }
0x77: {  	_ =	shalt  }
0x78: {  	_ =	shalt  }
0x79: {  	_ =	shalt  }
0x7a: {  	_ =	shalt  }
0x7b: {  	_ =	shalt  }
0x7c: {  	_ =	shalt  }
0x7d: {  	_ =	shalt  }
0x7e: {  	_ =	shalt  }
0x7f: {  	_ =	shalt  }
0x80: {  	_ =	shalt  }
0x81: {  	_ =	shalt  }
0x82: {  	_ =	shalt  }
0x83: {  	_ =	shalt  }
0x84: {  	_ =	shalt  }
0x85: {  	_ =	shalt  }
0x86: {  	_ =	shalt  }
0x87: {  	_ =	shalt  }
.Lfunc_end0:
.L_simem_size_0:
called_computation.3_lowered:
.L_overlay_start_0:
0x88: {  	s2 =	sld [smem:$0x3FD9]  }
0x89: {  	s3 =	sld [smem:$0x3FFE];
	_ =	sdelay $0x1  }
0x8a: {  	s1 =	srdreg.scid  }
0x8b: {  	s0 =	sand.u32 $0x1, s1  }
0x8c: {  	s16 =	sshll.u32 s0, $0xA;
	s2 =	sadd.s32 s3, s2  }
0x8d: {  	s2 =	sadd.s32 s2, s16  }
0x8e: {  	[smem:$0x3FBB] =	sst s2  }
0x8f: {  	_ = 	snop  }
0x90: {  	(tm) =	ssettm $0x1  }
0x91: {  	s17 =	sld [smem:$0x3FFB];
	_ =	sdelay $0x3  }
0x92: {  	_ =	strace s17  }
0x93: {  	s2 =	sld [smem:$0x3FFC];
	_ =	sdelay $0x3  }
0x94: {  	_ =	strace s2  }
0x95: {  	s2 =	sld [smem:$0x3FFD];
	_ =	sdelay $0x3  }
0x96: {  	_ =	strace s2  }
0x97: {  	_ =	strace $0x8FFFFFFF  }
0x98: {  	s18 =	sld [smem:$0x3FDB];
	_ =	sdelay $0x1  }
0x99: {  	s19 =	simm.s32 $_scs_section_size  }
0x9a: {  	s4 =	simm.s32 $_size__tile_overlayer_lowered;
	s5 =	simm.s32 $_tile_overlayer_lowered  }
0x9b: {  	s22 =	simm.s32 $0x1BFF;
	s21 =	sshll.u32 s5, $0x1;
	s2 =	sadd.s32 s19, s18  }
0x9c: {  	s6 =	simm.s32 $0x0;
	s20 =	sshll.u32 s4, $0x1;
	s4 =	sadd.s32 s21, s2  }
0x9d: {  	[timem:s6], [sflag:s22] =	dma.local [hbm:s4], s20  }
0x9e: {  	_ =	swait.ge [sflag:s22], s20  }
0x9f: {  	s3 =	ssub.s32 $0x0, s20;
	[sflag:s22] =	ssyncset.done $0x0  }
0xa0: {  	[sflag:s22] =	ssyncadd.s32 s3;
	_ =	sdelay $0x1  }
0xa1: {  	s23 =	simm.s32 $0x1B8B  }
0xa2: {  	_ =	swait.ge [sflag:s23], $0x1  }
0xa3: {  	[sflag:s23] =	ssyncset.done $0x0  }
0xa4: {  	s25 =	simm.s32 $0x1B8E;
	s24 =	sld [smem:$0x3FFE];
	[sflag:s23] =	ssyncadd.s32 $0xFFFFFFFF  }
0xa5: {  	s26 =	simm.s32 $execute0_lowered;
	[smem:$0x3FD2] =	sst s25  }
0xa6: {  	s4 =	sshll.u32 s26, $0x1;
	_ =	strace $0x8000004F;
	[dreg:$0x1] =	wrdreg $0xFFFFFFFF  }
0xa7: {  	s28 =	simm.s32 $_size_execute0_lowered;
	s2 =	sadd.s32 s2, s4;
	[dreg:$0x0] =	wrdreg $0x0  }
0xa8: {  	s4 =	sshll.u32 s28, $0x1;
	[dreg:$0x2] =	wrdreg s2  }
0xa9: {  	[dreg:$0x3] =	wrdreg s4  }
0xaa: {  	[dreg:$0x4] =	wrdreg $0xC0  }
0xab: {  	_ =	task [dreg:s6], $0x5FFFF  }
0xac: {  	[dreg:$0x1] =	wrdreg $0xFFFFFFFF  }
0xad: {  	[dreg:$0x0] =	wrdreg $0x60  }
0xae: {  	[dreg:$0x2] =	wrdreg s24  }
0xaf: {  	[dreg:$0x3] =	wrdreg $0x98000  }
0xb0: {  	[dreg:$0x4] =	wrdreg $0x9  }
0xb1: {  	_ =	task.clear_ibuf [dreg:s6], $0x5FFFF;
	_ =	strace $0x9000004F  }
0xb2: {  	s29 =	simm.s32 $0x9;
	_ =	strace $0x80000051  }
0xb3: {  	_ =	swait.ge [sflag:s29], $0x1  }
0xb4: {  	[sflag:s29] =	ssyncadd.s32 $0xFFFFFFFF  }
0xb5: {  	_ =	strace $0x90000051  }
0xb6: {  	_ =	sfence  }
0xb7: {  	s30 =	sld [smem:$0x0];
	_ =	sdelay $0x2  }
0xb8: {  	s31 =	sshll.u32 s1, $0xD;
	s1 =	sshrl.u32 s1, $0x2  }
0xb9: {  	s3 =	sand.u32 $0x4000, s31;
	s1 =	sadd.s32 s1, s30  }
0xba: {  	s0 =	sor.u32 s3, s0;
	s1 =	sshll.u32 s1, $0x11  }
0xbb: {  	s0 =	sor.u32 s1, s0  }
0xbc: {  	s0 =	sadd.s32 $0x8F2B, s0  }
0xbd: {  	[sflag:s0] =	ssyncadd.remote.s32 $0x1  }
0xbe: {  	_ =	sfence.sel $0xFFFF  }
0xbf: {  	[dreg:$0x0] =	wrdreg $0xFFFFFFFF;
	(pc) =	sbr.abs _section_cstart, $3  }
0xc0: {  	[dreg:$0x1] =	wrdreg $0xFFFFFFFF  }
0xc1: {  	_ =	task.clear_ibuf [dreg:s6], $0x2FFFF;
	_ =	strace $0x9FFFFFFF  }
0xc2: {  	(tm) =	ssettm $0x7FFFFFFF  }
0xc3: {  	_ =	shalt  }
tec
execute0_lowered:
.L_overlay_start_1:
0x0: {  	(tag) =	ssettag $0x1  }
0x1: {  	s6 =	rddreg [dreg:$0x0]  }
0x2: {  	s0 =	srdreg.scid;
	s2 =	rddreg [dreg:$0x1];
	s3 =	simm.s32 $0x0  }
0x3: {  	s16 =	simm.s32 $0x5800;
	s9 =	sand.u32 $0x1, s0;
	s0 =	stileid.u32  }
0x4: {  	s17 =	simm.s32 $0x0;
	[smem:$0x7FF] =	sst s3;
	s8 =	smul.u32 $0x14000, s0  }
0x5: {  	s5 =	sadd.s32 $0x41200, s6;
	s1 =	sshll.u32 s9, $0x4;
	s10 =	smul.u32 $0x140000, s9  }
0x6: {  	s29 =	ssub.s32 $0x2, s9;
	s12 =	smul.u32 $0x50000, s0;
	p0 =	seq.s32 s9, $0x1  }
0x7: {  	s31 =	sshll.u32 s0, $0x6;
	s4 =	sor.u32 s0, s1;
	s1 =	rddreg [dreg:$0x2]  }
0x8: {  	_ =	strace $0x80000050;
	s13 =	sshrl.u32 s29, $0x1;
	s7 =	smul.u32 $0x580, s4  }
0x9: {  	s4 =	sadd.s32 $0x1A000, s6;
	s11 =	sshrl.u32 s8, $0x3;
	s8 =	sadd.s32 s8, s10  }
0xa: {  	s10 =	ssub.s32 s29, s13;
	s30 =	sshrl.u32 s12, $0x2;
	s12 =	simm.s32 $0x2C00  }
.Ltmp0:
0xb: {  	s13 =	sor.u32 $0x1C01, s31;
	s11 =	sadd.s32 s11, s6;
	(pc) =	sbr.rel .LBB2_1-.Ltmp0, $4  }
0xc: {  	s8 =	sshrl.u32 s8, $0x3;
	s15 =	sadd.s32 s30, s2;
	s10 =	smax.u32 s10, $0x1  }
0xd: {  	s7 =	sadd.s32 s7, s6;
	s14 =	sadd.s32 s8, s6;
	s8 =	sadd.s32 $0x68400, s11  }
0xe: {  	s11 =	simm.s32 $0x1;
	s6 =	sadd.s32 $0xF000, s7;
	s7 =	sadd.s32 $0x4000, s7  }
0xf: {  	s9 =	sadd.s32 $0xDE800, s14;
	s14 =	sshrl.u32 s15, $0x3;
	s15 =	simm.s32 $0x80  }
.LBB2_7:
0x10: {  	s18 =	sshra.s32 s18, $0x2;
	[sflag:s11] =	ssyncadd.s32 $0xFFFFC000  }
0x11: {  	[tilespmem:s16], [sflag:$0x1] =	stream.indirect.gather [hbm4b:s4+s15], $0x80, s18, s15, $0xb8;
	[tilespmem:$0x1D800] =	vst v63  }
0x12: {  	_ =	swait.ge [sflag:s11], $0x4000  }
0x13: {  	[sflag:s11] =	ssyncset.done $0x0  }
0x14: {  	s18 =	sadd.s32 $0x2C00, s18;
	[sflag:s11] =	ssyncadd.s32 $0xFFFFC000  }
0x15: {  	[spmem:s2] =	stream.indirect.scatter.add.f32 [tilespmem:s16], [sflag:$0x1], $0x80, s18, s15, $0xb8;
	[tilespmem:$0x1D800] =	vst v63  }
0x16: {  	_ =	swait.ge [sflag:s11], $0x4000  }
0x17: {  	[sflag:s11] =	ssyncset.done $0x0  }
0x18: {  	[sflag:s11] =	ssyncadd.s32 $0xFFFFC000  }
.LBB2_8:
0x19: {  	s17 =	sadd.s32 $0x1, s17  }
0x1a: {  	p1 =	sne.s32 s17, s10  }
.Ltmp1:
0x1b: {  	[bflag:$0x0] =	sbarrier.arrive $0xFFFF;
	(pc) =	sbr.rel @!p1 .LBB2_9-.Ltmp1, $4  }
0x1c: {  	[hbm:s9], [sflag:s13] =	dma.local [spmem:s14], $0x2800  }
0x1d: {  	_ =	swait.ge [sflag:s11], $0x2800  }
0x1e: {  	[sflag:s11] =	ssyncset.done $0x0  }
0x1f: {  	[sflag:s11] =	ssyncadd.s32 $0xFFFFD800  }
.LBB2_1:
0x20: {  	[tilespmem:s3], [sflag:$0x1] =	stream.linear.gather [hbm4b:s6+s3], $0x2880, $0x38;
	[tilespmem:$0x1D800] =	vst v63  }
0x21: {  	_ =	swait.ge [sflag:s11], $0x2880  }
0x22: {  	[sflag:s11] =	ssyncset.done $0x0  }
0x23: {  	[sflag:s11] =	ssyncadd.s32 $0xFFFFD780  }
0x24: {  	[tilespmem:s12], [sflag:$0x1] =	stream.linear.gather [hbm4b:s7+s3], $0x2880, $0x38;
	[tilespmem:$0x1D800] =	vst v63  }
0x25: {  	_ =	swait.ge [sflag:s11], $0x2880  }
0x26: {  	[sflag:s11] =	ssyncset.done $0x0  }
0x27: {  	[sflag:s11] =	ssyncadd.s32 $0xFFFFD780  }
0x28: {  	[spmem:s14], [sflag:s13] =	dma.local [hbm:s8], $0x2800  }
.Ltmp2:
0x29: {  	_ =	swait.ge [sflag:s11], $0x2800;
	(pc) =	sbr.rel @!p0 .LBB2_2-.Ltmp2, $4  }
0x2a: {  	[sflag:s11] =	ssyncset.done $0x0  }
0x2b: {  	[sflag:s11] =	ssyncadd.s32 $0xFFFFD800  }
0x2c: {  	[bflag:$0x0] =	sbarrier.arrive $0xFFFF  }
0x2d: {  	s18 =	simm.s32 $0x0  }
0x2e: {  	[tilespmem:s16], [sflag:$0x1] =	stream.indirect.gather [hbm4b:s4+s15], $0x80, s18, s15, $0xb8;
	[tilespmem:$0x1D800] =	vst v63  }
0x2f: {  	_ =	swait.ge [sflag:s11], $0x4000  }
0x30: {  	[sflag:s11] =	ssyncset.done $0x0  }
0x31: {  	s31 =	simm.s32 $0x2C00;
	[sflag:s11] =	ssyncadd.s32 $0xFFFFC000  }
0x32: {  	[spmem:s2] =	stream.indirect.scatter.add.f32 [tilespmem:s16], [sflag:$0x1], $0x80, s31, s15, $0xb8;
	[tilespmem:$0x1D800] =	vst v63  }
0x33: {  	_ =	swait.ge [sflag:s11], $0x4000  }
0x34: {  	s18 =	simm.s32 $0x200;
	s19 =	simm.s32 $0x400;
	[sflag:s11] =	ssyncset.done $0x0  }
.LBB2_6:
0x35: {  	s20 =	sshra.s32 s18, $0x2  }
0x36: {  	[sflag:s11] =	ssyncadd.s32 $0xFFFFC000;
	s18 =	smov.u32 s19;
	s21 =	sadd.s32 $0x200, s19  }
0x37: {  	[tilespmem:s16], [sflag:$0x1] =	stream.indirect.gather [hbm4b:s4+s15], $0x80, s20, s15, $0xb8;
	[tilespmem:$0x1D800] =	vst v63  }
0x38: {  	p1 =	sne.s32 s19, $0xA000;
	_ =	swait.ge [sflag:s11], $0x4000  }
.Ltmp3:
0x39: {  	[sflag:s11] =	ssyncset.done $0x0;
	(pc) =	sbr.rel @p1 .LBB2_6-.Ltmp3, $4  }
0x3a: {  	s19 =	sadd.s32 $0x2C00, s20;
	[sflag:s11] =	ssyncadd.s32 $0xFFFFC000  }
0x3b: {  	[spmem:s2] =	stream.indirect.scatter.add.f32 [tilespmem:s16], [sflag:$0x1], $0x80, s19, s15, $0xb8;
	[tilespmem:$0x1D800] =	vst v63  }
0x3c: {  	_ =	swait.ge [sflag:s11], $0x4000  }
0x3d: {  	s19 =	smov.u32 s21;
	[sflag:s11] =	ssyncset.done $0x0  }
.Ltmp4:
0x3e: {  	_ = 	snop;
	(pc) =	sbr.rel .LBB2_7-.Ltmp4, $1  }
0x3f: {  	_ =	sdelay $0x3  }
.LBB2_2:
0x40: {  	[tilespmem:s16], [sflag:$0x1] =	stream.indirect.gather [hbm4b:s5+s15], $0x80, s18, s15, $0xb8;
	[tilespmem:$0x1D800] =	vst v63  }
0x41: {  	_ =	swait.ge [sflag:s11], $0x4000  }
0x42: {  	[sflag:s11] =	ssyncset.done $0x0  }
0x43: {  	s31 =	simm.s32 $0x2C00;
	[sflag:s11] =	ssyncadd.s32 $0xFFFFC000  }
0x44: {  	[spmem:s2] =	stream.indirect.scatter.add.f32 [tilespmem:s16], [sflag:$0x1], $0x80, s31, s15, $0xb8;
	[tilespmem:$0x1D800] =	vst v63  }
0x45: {  	_ =	swait.ge [sflag:s11], $0x4000  }
0x46: {  	s18 =	simm.s32 $0x200;
	s19 =	simm.s32 $0x400;
	[sflag:s11] =	ssyncset.done $0x0  }
.LBB2_3:
0x47: {  	s20 =	sshra.s32 s18, $0x2  }
0x48: {  	[sflag:s11] =	ssyncadd.s32 $0xFFFFC000;
	s18 =	smov.u32 s19;
	s21 =	sadd.s32 $0x200, s19  }
0x49: {  	[tilespmem:s16], [sflag:$0x1] =	stream.indirect.gather [hbm4b:s5+s15], $0x80, s20, s15, $0xb8;
	[tilespmem:$0x1D800] =	vst v63  }
0x4a: {  	p1 =	seq.s32 s19, $0xA000;
	_ =	swait.ge [sflag:s11], $0x4000  }
.Ltmp5:
0x4b: {  	[sflag:s11] =	ssyncset.done $0x0;
	(pc) =	sbr.rel @!p1 .LBB2_3-.Ltmp5, $4  }
0x4c: {  	s19 =	sadd.s32 $0x2C00, s20;
	[sflag:s11] =	ssyncadd.s32 $0xFFFFC000  }
0x4d: {  	[spmem:s2] =	stream.indirect.scatter.add.f32 [tilespmem:s16], [sflag:$0x1], $0x80, s19, s15, $0xb8;
	[tilespmem:$0x1D800] =	vst v63  }
0x4e: {  	_ =	swait.ge [sflag:s11], $0x4000  }
0x4f: {  	s19 =	smov.u32 s21;
	[sflag:s11] =	ssyncset.done $0x0  }
0x50: {  	s18 =	sshra.s32 s18, $0x2;
	[sflag:s11] =	ssyncadd.s32 $0xFFFFC000  }
0x51: {  	[tilespmem:s16], [sflag:$0x1] =	stream.indirect.gather [hbm4b:s5+s15], $0x80, s18, s15, $0xb8;
	[tilespmem:$0x1D800] =	vst v63  }
0x52: {  	_ =	swait.ge [sflag:s11], $0x4000  }
0x53: {  	[sflag:s11] =	ssyncset.done $0x0  }
.Ltmp6:
0x54: {  	s18 =	sadd.s32 $0x2C00, s18;
	[sflag:s11] =	ssyncadd.s32 $0xFFFFC000;
	(pc) =	sbr.rel .LBB2_8-.Ltmp6, $4  }
0x55: {  	[spmem:s2] =	stream.indirect.scatter.add.f32 [tilespmem:s16], [sflag:$0x1], $0x80, s18, s15, $0xb8;
	[tilespmem:$0x1D800] =	vst v63  }
0x56: {  	_ =	swait.ge [sflag:s11], $0x4000  }
0x57: {  	[sflag:s11] =	ssyncset.done $0x0  }
0x58: {  	[sflag:s11] =	ssyncadd.s32 $0xFFFFC000  }
.LBB2_9:
0x59: {  	_ =	sfence.sel $0x180000  }
0x5a: {  	[bflag:$0x0] =	sbarrier.arrive $0xFFFF  }
0x5b: {  	p0 =	sne.s32 s0, $0x0;
	_ =	strace $0x90000050  }
0x5c: {  	s0 =	sadd.s32 @!p0 $0x100000, s1;
	[bflag:$0x2] =	sbarrier.arrive $0xFFFF  }
0x5d: {  	[sflag:s0] =	ssyncadd.tile.s32 @!p0 $0x1;
	_ =	shalt  }
.Lfunc_end2:
_tile_overlayer_lowered:
.L_overlay_start_2:
0x5e: {  	(tag) =	ssettag $0x2  }
0x5f: {  	s0 =	rddreg [dreg:$0x0];
	s2 =	stileid.u32  }
0x60: {  	s1 =	rddreg [dreg:$0x1];
	p0 =	sne.s32 s2, $0x0  }
0x61: {  	s3 =	rddreg [dreg:$0x2];
	[bflag:$0x3] =	sbarrier.arrive $0xFFFF;
	s2 =	simm.s32 @!p0 $0x1C01  }
0x62: {  	[timem:s3], [sflag:s2] =	dma.local @!p0 [hbm:s0], s1  }
0x63: {  	s0 =	simm.s32 @!p0 $0x1  }
0x64: {  	_ =	swait.ge @!p0 [sflag:s0], s1  }
0x65: {  	s1 =	ssub.s32 @!p0 $0x0, s1;
	[sflag:s0] =	ssyncset.done @!p0 $0x0  }
0x66: {  	[sflag:s0] =	ssyncadd.s32 @!p0 s1  }
0x67: {  	[bflag:$0x3] =	sbarrier.arrive $0xFFFF  }
0x68: {  	_ =	shalt  }

</sc_bundles>
